<compile_context>
chip_gen: v7x
topology: tpu7x:2x2x1
jax: 0.10.2.dev20260603
libtpu: 0.0.44.dev20260713+nightly
codegen_flags: <defaults>
</compile_context>

<pallas_src>
import functools

import jax
import jax.numpy as jnp
from jax import lax
from jax.experimental import pallas as pl
from jax.experimental.pallas import tpu as pltpu
from jax.experimental.pallas import tpu_sc as plsc

_N = 10000
_E = 320000
_D = 128
_H = 128

_NC = 2
_NS = 16
_L = 16
_NW = _NC * _NS
_EPW = _E // _NW
_C = 80
_NCHUNK = _EPW // _C
_CA = 128
_NCA = _EPW // _CA
_TAIL = _EPW - _NCA * _CA
_NP = 10240
_U = 80
_RPT = _NP // _NS


def _sc_agg_body(h_hbm, src_hbm, dst_hbm, agg_out,
                 src_v0, dst_v0, rows_v0, src_v1, dst_v1, rows_v1,
                 tsrc_v, tdst_v, trows_v,
                 agg_sh, sem_i0, sem_i1, sem_g0, sem_g1):
    zbuf = rows_v0

    cid = lax.axis_index("c")
    sid = lax.axis_index("s")
    wid = sid * _NC + cid

    zeros16 = jnp.zeros((_L,), jnp.float32)

    def _zb(i, c):
        r = i // (_D // _L)
        k = i % (_D // _L)
        zbuf[r, pl.ds(k * _L, _L)] = zeros16
        return c

    lax.fori_loop(0, _CA * (_D // _L), _zb, 0)

    r0 = sid * _RPT
    for j in range(_RPT // _CA):
        pltpu.sync_copy(zbuf, agg_sh.at[pl.ds(r0 + j * _CA, _CA), :])

    plsc.subcore_barrier()

    ebase = wid * _EPW

    bufs = ((src_v0, dst_v0, rows_v0, sem_i0, sem_g0),
            (src_v1, dst_v1, rows_v1, sem_i1, sem_g1))

    def _idx_start(j, b):
        off = ebase + j * _CA
        ci0 = pltpu.async_copy(src_hbm.at[pl.ds(off, _CA)], b[0], b[3])
        ci1 = pltpu.async_copy(dst_hbm.at[pl.ds(off, _CA)], b[1], b[3])
        return ci0, ci1

    def _idx_wait(cis):
        cis[0].wait()
        cis[1].wait()

    def _gather_start(b):
        return pltpu.async_copy(h_hbm.at[b[0]], b[2], b[4])

    def _scatter(b):
        pltpu.sync_copy(b[2], agg_sh.at[b[1]], add=True)

    _idx_wait(_idx_start(0, bufs[0]))
    g0 = _gather_start(bufs[0])
    i1 = _idx_start(1, bufs[1])

    def _pair(i, c):
        a = 2 * i + 1
        _idx_wait(i1)
        g1 = _gather_start(bufs[1])
        g0.wait()
        _scatter(bufs[0])
        i0 = _idx_start(a + 1, bufs[0])
        _idx_wait(i0)
        g0b = _gather_start(bufs[0])
        g1.wait()
        _scatter(bufs[1])
        i1b = _idx_start(a + 2, bufs[1])
        return c

    lax.fori_loop(0, (_NCA - 2) // 2, _pair, 0)

    _idx_wait(i1)
    g1 = _gather_start(bufs[1])
    g0.wait()
    _scatter(bufs[0])
    g1.wait()
    _scatter(bufs[1])
    toff = ebase + _NCA * _CA
    pltpu.sync_copy(src_hbm.at[pl.ds(toff, _TAIL)], tsrc_v)
    pltpu.sync_copy(dst_hbm.at[pl.ds(toff, _TAIL)], tdst_v)
    pltpu.async_copy(h_hbm.at[tsrc_v], trows_v, sem_g0).wait()
    pltpu.sync_copy(trows_v, agg_sh.at[tdst_v], add=True)

    plsc.subcore_barrier()

    pltpu.sync_copy(agg_sh.at[pl.ds(r0, _RPT), :],
                    agg_out.at[cid, pl.ds(r0, _RPT), :])


def _sc_deg_body(dst_hbm, deg_out, dst_v0, dst_v1, ones_v, zbuf, deg_sh,
                 sem_i0, sem_i1):
    cid = lax.axis_index("c")
    sid = lax.axis_index("s")
    wid = sid * _NC + cid

    zeros16 = jnp.zeros((_L,), jnp.float32)
    ones16 = jnp.ones((_L,), jnp.float32)

    def _fb(i, c):
        r = i // (_D // _L)
        k = i % (_D // _L)
        zbuf[r, pl.ds(k * _L, _L)] = zeros16
        ones_v[r, pl.ds(k * _L, _L)] = ones16
        return c

    lax.fori_loop(0, _U * (_D // _L), _fb, 0)

    r0 = sid * _RPT
    for j in range(_RPT // _U):
        pltpu.sync_copy(zbuf, deg_sh.at[pl.ds(r0 + j * _U, _U), :])

    plsc.subcore_barrier()

    ebase = wid * _EPW
    emax = _E - _C

    def _idx_start(j, dst_v, sem_i):
        off = jnp.minimum(ebase + j * _C, emax)
        return pltpu.async_copy(dst_hbm.at[pl.ds(off, _C)], dst_v, sem_i)

    i0 = _idx_start(0, dst_v0, sem_i0)
    i1 = _idx_start(1, dst_v1, sem_i1)

    def _pair(i, c):
        a = 2 * i
        i0.wait()
        pltpu.sync_copy(ones_v, deg_sh.at[dst_v0], add=True)
        _idx_start(a + 2, dst_v0, sem_i0)
        i1.wait()
        pltpu.sync_copy(ones_v, deg_sh.at[dst_v1], add=True)
        _idx_start(a + 3, dst_v1, sem_i1)
        return c

    lax.fori_loop(0, (_NCHUNK - 1) // 2, _pair, 0)

    i0.wait()
    pltpu.sync_copy(ones_v, deg_sh.at[dst_v0], add=True)
    i1.wait()

    plsc.subcore_barrier()

    pltpu.sync_copy(deg_sh.at[pl.ds(r0, _RPT), :],
                    deg_out.at[cid, pl.ds(r0, _RPT), :])


@functools.lru_cache(maxsize=None)
def _make_sc_deg():
    mesh = plsc.VectorSubcoreMesh(core_axis_name="c", subcore_axis_name="s",
                                  num_cores=_NC, num_subcores=_NS)
    return pl.kernel(
        _sc_deg_body,
        out_type=jax.ShapeDtypeStruct((_NC, _NP, _D), jnp.float32),
        mesh=mesh,
        scratch_types=[
            pltpu.VMEM((_C,), jnp.int32),
            pltpu.VMEM((_C,), jnp.int32),
            pltpu.VMEM((_C, _D), jnp.float32),
            pltpu.VMEM((_U, _D), jnp.float32),
            pltpu.VMEM_SHARED((_NP, _D), jnp.float32),
            pltpu.SemaphoreType.DMA,
            pltpu.SemaphoreType.DMA,
        ],
    )


@functools.lru_cache(maxsize=None)
def _make_sc_agg():
    mesh = plsc.VectorSubcoreMesh(core_axis_name="c", subcore_axis_name="s",
                                  num_cores=_NC, num_subcores=_NS)
    return pl.kernel(
        _sc_agg_body,
        out_type=jax.ShapeDtypeStruct((_NC, _NP, _D), jnp.float32),
        mesh=mesh,
        scratch_types=[
            pltpu.VMEM((_CA,), jnp.int32),
            pltpu.VMEM((_CA,), jnp.int32),
            pltpu.VMEM((_CA, _D), jnp.float32),
            pltpu.VMEM((_CA,), jnp.int32),
            pltpu.VMEM((_CA,), jnp.int32),
            pltpu.VMEM((_CA, _D), jnp.float32),
            pltpu.VMEM((_TAIL,), jnp.int32),
            pltpu.VMEM((_TAIL,), jnp.int32),
            pltpu.VMEM((_TAIL, _D), jnp.float32),
            pltpu.VMEM_SHARED((_NP, _D), jnp.float32),
            pltpu.SemaphoreType.DMA,
            pltpu.SemaphoreType.DMA,
            pltpu.SemaphoreType.DMA,
            pltpu.SemaphoreType.DMA,
        ],
    )


_BN = 1000


def _norm_block(aggp_ref, degp_ref, x_ref, Wl_ref, bl_ref, Wr_ref, g_ref,
                b_ref):
    agg = aggp_ref[0] + aggp_ref[1]
    deg = degp_ref[0, :, pl.ds(0, 1)] + degp_ref[1, :, pl.ds(0, 1)]
    agg = agg / jnp.maximum(deg, 1.0)
    y = (lax.dot_general(agg, Wl_ref[...], (((1,), (1,)), ((), ())),
                         preferred_element_type=jnp.float32)
         + bl_ref[...]
         + lax.dot_general(x_ref[...], Wr_ref[...], (((1,), (1,)), ((), ())),
                           preferred_element_type=jnp.float32))
    mu = jnp.mean(y, axis=-1, keepdims=True)
    var = jnp.mean((y - mu) ** 2, axis=-1, keepdims=True)
    hn = g_ref[...] * (y - mu) / jnp.sqrt(var + 1e-5) + b_ref[...]
    return jnp.maximum(hn, 0.0)


def _dense_body(aggp_ref, degp_ref, x_ref, Wl_ref, bl_ref, Wr_ref, g_ref,
                b_ref, o_ref):
    o_ref[...] = _norm_block(aggp_ref, degp_ref, x_ref, Wl_ref, bl_ref,
                             Wr_ref, g_ref, b_ref)


def _final_body(aggp_ref, degp_ref, x_ref, Wl_ref, bl_ref, Wr_ref, g_ref,
                b_ref, W1_ref, b1_ref, W2_ref, b2_ref, W3_ref, b3_ref, o_ref):
    h = _norm_block(aggp_ref, degp_ref, x_ref, Wl_ref, bl_ref, Wr_ref, g_ref,
                    b_ref)
    t = jnp.maximum(
        lax.dot_general(h, W1_ref[...], (((1,), (1,)), ((), ())),
                        preferred_element_type=jnp.float32) + b1_ref[...], 0.0)
    t = jnp.maximum(
        lax.dot_general(t, W2_ref[...], (((1,), (1,)), ((), ())),
                        preferred_element_type=jnp.float32) + b2_ref[...], 0.0)
    o_ref[...] = (lax.dot_general(t, W3_ref[...], (((1,), (1,)), ((), ())),
                                  preferred_element_type=jnp.float32)
                  + b3_ref[...])


def _row_spec(k):
    return pl.BlockSpec((_BN, k), lambda i: (i, 0))


def _full_spec(shape):
    nd = len(shape)
    return pl.BlockSpec(shape, lambda i, _n=nd: (0,) * _n)


def _dense(aggp, degp, x, Wl, bl, Wr, g, b):
    return pl.pallas_call(
        _dense_body,
        grid=(_N // _BN,),
        in_specs=[
            pl.BlockSpec((_NC, _BN, _D), lambda i: (0, i, 0)),
            pl.BlockSpec((_NC, _BN, _D), lambda i: (0, i, 0)),
            _row_spec(_D),
            _full_spec((_H, _D)), _full_spec((1, _H)),
            _full_spec((_H, _D)), _full_spec((1, _H)), _full_spec((1, _H)),
        ],
        out_specs=_row_spec(_H),
        out_shape=jax.ShapeDtypeStruct((_N, _H), jnp.float32),
    )(aggp, degp, x, Wl, bl.reshape(1, _H), Wr, g.reshape(1, _H),
      b.reshape(1, _H))


def _dense_final(aggp, degp, x, Wl, bl, Wr, g, b, W1, b1, W2, b2, W3, b3):
    h2, h4, ol = _H // 2, _H // 4, 8
    return pl.pallas_call(
        _final_body,
        grid=(_N // _BN,),
        in_specs=[
            pl.BlockSpec((_NC, _BN, _D), lambda i: (0, i, 0)),
            pl.BlockSpec((_NC, _BN, _D), lambda i: (0, i, 0)),
            _row_spec(_D),
            _full_spec((_H, _D)), _full_spec((1, _H)),
            _full_spec((_H, _D)), _full_spec((1, _H)), _full_spec((1, _H)),
            _full_spec((h2, _H)), _full_spec((1, h2)),
            _full_spec((h4, h2)), _full_spec((1, h4)),
            _full_spec((ol, h4)), _full_spec((1, ol)),
        ],
        out_specs=_row_spec(ol),
        out_shape=jax.ShapeDtypeStruct((_N, ol), jnp.float32),
    )(aggp, degp, x, Wl, bl.reshape(1, _H), Wr, g.reshape(1, _H),
      b.reshape(1, _H), W1, b1.reshape(1, h2), W2, b2.reshape(1, h4),
      W3, b3.reshape(1, ol))


def kernel(x, edge_index, conv0_Wl, conv0_bl, conv0_Wr, norm0_g, norm0_b,
           conv1_Wl, conv1_bl, conv1_Wr, norm1_g, norm1_b,
           conv2_Wl, conv2_bl, conv2_Wr, norm2_g, norm2_b,
           reg_W1, reg_b1, reg_W2, reg_b2, reg_W3, reg_b3):
    src = edge_index[0]
    dst = edge_index[1]
    degp = _make_sc_deg()(dst)
    aggp = _make_sc_agg()(x, src, dst)
    h = _dense(aggp, degp, x, conv0_Wl, conv0_bl, conv0_Wr, norm0_g, norm0_b)
    aggp = _make_sc_agg()(h, src, dst)
    h = _dense(aggp, degp, h, conv1_Wl, conv1_bl, conv1_Wr, norm1_g, norm1_b)
    aggp = _make_sc_agg()(h, src, dst)
    return _dense_final(aggp, degp, h, conv2_Wl, conv2_bl, conv2_Wr, norm2_g,
                        norm2_b, reg_W1, reg_b1, reg_W2, reg_b2, reg_W3,
                        reg_b3)

# --- scband reference (transcript-rebuilt; emitter-appended) ---
"""Pipeline reference for scband-gnnthickness-predictor-9070970929320 (READ-ONLY COPY).

The authoritative reference and input builder live on the scoring server;
editing this copy changes nothing except your own understanding.
"""

import jax, jax.numpy as jnp
import numpy as np

N = 10000
E = 320000
D = 128
H = 128
OUT_LAYERS = 8


def _layer_norm(h, g, b):
    mu = jnp.mean(h, axis=-1, keepdims=True)
    var = jnp.var(h, axis=-1, keepdims=True)
    return g * (h - mu) / jnp.sqrt(var + 1e-5) + b


def _sage(h, src, dst, Wl, bl, Wr):
    # PyG SAGEConv (aggr='mean'): lin_l(mean of neighbor messages) + lin_r(x)
    agg = jax.ops.segment_sum(h[src], dst, num_segments=N)
    deg = jax.ops.segment_sum(jnp.ones((E,), dtype=h.dtype), dst, num_segments=N)
    agg = agg / jnp.clip(deg, 1.0, None)[:, None]
    return agg @ Wl.T + bl + h @ Wr.T


def setup_inputs(seed: int = 0):
    key = jax.random.key(seed)
    ks = jax.random.split(key, 24)
    inp = {}
    inp['x'] = jax.random.normal(ks[0], (N, D), dtype=jnp.float32)
    inp['edge_index'] = jax.random.randint(ks[1], (2, E), 0, N, dtype=jnp.int32)
    for i in range(3):
        din = D if i == 0 else H
        inp['conv%d_Wl' % i] = jax.random.normal(ks[2 + 3 * i], (H, din), dtype=jnp.float32) * 0.05
        inp['conv%d_bl' % i] = jnp.zeros((H,), dtype=jnp.float32)
        inp['conv%d_Wr' % i] = jax.random.normal(ks[3 + 3 * i], (H, din), dtype=jnp.float32) * 0.05
        inp['norm%d_g' % i] = jnp.ones((H,), dtype=jnp.float32)
        inp['norm%d_b' % i] = jnp.zeros((H,), dtype=jnp.float32)
    inp['reg_W1'] = jax.random.normal(ks[12], (H // 2, H), dtype=jnp.float32) * 0.05
    inp['reg_b1'] = jnp.zeros((H // 2,), dtype=jnp.float32)
    inp['reg_W2'] = jax.random.normal(ks[13], (H // 4, H // 2), dtype=jnp.float32) * 0.05
    inp['reg_b2'] = jnp.zeros((H // 4,), dtype=jnp.float32)
    inp['reg_W3'] = jax.random.normal(ks[14], (OUT_LAYERS, H // 4), dtype=jnp.float32) * 0.05
    inp['reg_b3'] = jnp.zeros((OUT_LAYERS,), dtype=jnp.float32)
    return inp


def reference(x, edge_index, conv0_Wl, conv0_bl, conv0_Wr, norm0_g, norm0_b,
              conv1_Wl, conv1_bl, conv1_Wr, norm1_g, norm1_b,
              conv2_Wl, conv2_bl, conv2_Wr, norm2_g, norm2_b,
              reg_W1, reg_b1, reg_W2, reg_b2, reg_W3, reg_b3):
    src = edge_index[0]
    dst = edge_index[1]
    convs = [(conv0_Wl, conv0_bl, conv0_Wr, norm0_g, norm0_b),
             (conv1_Wl, conv1_bl, conv1_Wr, norm1_g, norm1_b),
             (conv2_Wl, conv2_bl, conv2_Wr, norm2_g, norm2_b)]
    h = x
    for Wl, bl, Wr, g, b in convs:
        h = _sage(h, src, dst, Wl, bl, Wr)
        h = _layer_norm(h, g, b)
        h = jax.nn.relu(h)
        # dropout is identity in eval mode
    h = jax.nn.relu(h @ reg_W1.T + reg_b1)
    h = jax.nn.relu(h @ reg_W2.T + reg_b2)
    return h @ reg_W3.T + reg_b3

if __name__ == "__main__":
    import jax
    _d = setup_inputs()
    print(jax.jit(kernel)(*tuple(_d.values())))

</pallas_src>

<mosaic_0001>
#map = affine_map<(d0, d1) -> (0, 0)>
#map1 = affine_map<(d0, d1) -> (0)>
#map2 = affine_map<(d0, d1) -> (0, 0, 0)>
module attributes {stable_mosaic.version = 14 : i64} {
  func.func @_sc_agg_body(%arg0: i32, %arg1: i32, %arg2: memref<10000x128xf32, #tpu.memory_space<hbm>>, %arg3: memref<320000xi32, #tpu.memory_space<hbm>>, %arg4: memref<320000xi32, #tpu.memory_space<hbm>>, %arg5: memref<2x10240x128xf32, #tpu.memory_space<hbm>>, %arg6: memref<128xi32, #tpu.memory_space<vmem>>, %arg7: memref<128xi32, #tpu.memory_space<vmem>>, %arg8: memref<128x128xf32, #tpu.memory_space<vmem>>, %arg9: memref<128xi32, #tpu.memory_space<vmem>>, %arg10: memref<128xi32, #tpu.memory_space<vmem>>, %arg11: memref<128x128xf32, #tpu.memory_space<vmem>>, %arg12: memref<16xi32, #tpu.memory_space<vmem>>, %arg13: memref<16xi32, #tpu.memory_space<vmem>>, %arg14: memref<16x128xf32, #tpu.memory_space<vmem>>, %arg15: memref<10240x128xf32, #tpu.memory_space<vmem_shared>>, %arg16: memref<!tpu.dma_semaphore, #tpu.memory_space<semaphore_mem>>, %arg17: memref<!tpu.dma_semaphore, #tpu.memory_space<semaphore_mem>>, %arg18: memref<!tpu.dma_semaphore, #tpu.memory_space<semaphore_mem>>, %arg19: memref<!tpu.dma_semaphore, #tpu.memory_space<semaphore_mem>>) attributes {dimension_semantics = [#tpu.dimension_semantics<core_parallel>, #tpu.dimension_semantics<subcore_parallel>], iteration_bounds = array<i64: 2, 16>, scalar_prefetch = 0 : i64, scratch_operands = 14 : i64, tpu.core_type = #tpu.core_type<sc_vector_subcore>, window_params = [{transform_indices = #map}, {transform_indices = #map1}, {transform_indices = #map1}, {transform_indices = #map2}]} {
    %mul3A = arith.constant 2 : i32
    %mul3A_0 = arith.muli %arg1, %mul3A : i32
    %add3A = arith.addi %mul3A_0, %arg0 : i32
    %broadcast_in_dim3A = arith.constant 0.000000e+00 : f32
    %broadcast_in_dim3A_1 = vector.broadcast %broadcast_in_dim3A : f32 to vector<16xf32>
    %scan3A = arith.constant 0 : i32
    %scan3A_2 = arith.constant 0 : i32
    %scan3A_3 = arith.constant 1024 : i32
    %scan3A_4 = arith.addi %scan3A_2, %scan3A_3 : i32
    %scan3A_5 = arith.constant 1 : i32
    scf.for %scan3A_66 = %scan3A_2 to %scan3A_4 step %scan3A_5  : i32 {
      %jit3A = arith.constant 8 : i32
      %div3A = arith.divsi %scan3A_66, %jit3A : i32
      %sign3A = arith.constant 0 : i32
      %sign3A_67 = arith.cmpi sgt, %scan3A_66, %sign3A : i32
      %sign3A_68 = arith.extui %sign3A_67 : i1 to i32
      %sign3A_69 = arith.constant 0 : i32
      %sign3A_70 = arith.cmpi slt, %scan3A_66, %sign3A_69 : i32
      %sign3A_71 = arith.extui %sign3A_70 : i1 to i32
      %sign3A_72 = arith.subi %sign3A_68, %sign3A_71 : i32
      %sign3A_73 = arith.constant 0 : i32
      %sign3A_74 = arith.cmpi sgt, %jit3A, %sign3A_73 : i32
      %sign3A_75 = arith.extui %sign3A_74 : i1 to i32
      %sign3A_76 = arith.constant 0 : i32
      %sign3A_77 = arith.cmpi slt, %jit3A, %sign3A_76 : i32
      %sign3A_78 = arith.extui %sign3A_77 : i1 to i32
      %sign3A_79 = arith.subi %sign3A_75, %sign3A_78 : i32
      %ne3A = arith.cmpi ne, %sign3A_72, %sign3A_79 : i32
      %rem3A = arith.remsi %scan3A_66, %jit3A : i32
      %ne3A_80 = arith.constant 0 : i32
      %ne3A_81 = arith.cmpi ne, %rem3A, %ne3A_80 : i32
      %and3A = arith.andi %ne3A, %ne3A_81 : i1
      %sub3A = arith.constant 1 : i32
      %sub3A_82 = arith.subi %div3A, %sub3A : i32
      %select_n3A = arith.select %and3A, %sub3A_82, %div3A : i32
      %jit3A_83 = arith.constant 8 : i32
      %eq3A = arith.constant 0 : i32
      %eq3A_84 = arith.cmpi eq, %jit3A_83, %eq3A : i32
      %jit3A_85 = arith.constant 1 : i32
      %select_n3A_86 = arith.select %eq3A_84, %jit3A_85, %jit3A_83 : i32
      %rem3A_87 = arith.remsi %scan3A_66, %select_n3A_86 : i32
      %ne3A_88 = arith.constant 0 : i32
      %ne3A_89 = arith.cmpi ne, %rem3A_87, %ne3A_88 : i32
      %lt3A = arith.constant 0 : i32
      %lt3A_90 = arith.cmpi slt, %rem3A_87, %lt3A : i32
      %lt3A_91 = arith.constant 0 : i32
      %lt3A_92 = arith.cmpi slt, %select_n3A_86, %lt3A_91 : i32
      %ne3A_93 = arith.xori %lt3A_90, %lt3A_92 : i1
      %and3A_94 = arith.andi %ne3A_93, %ne3A_89 : i1
      %add3A_95 = arith.addi %rem3A_87, %select_n3A_86 : i32
      %select_n3A_96 = arith.select %and3A_94, %add3A_95, %rem3A_87 : i32
      %mul3A_97 = arith.constant 16 : i32
      %mul3A_98 = arith.muli %select_n3A_96, %mul3A_97 : i32
      %swap3A = arith.index_cast %select_n3A : i32 to index
      %swap3A_99 = arith.index_cast %mul3A_98 : i32 to index
      %swap3A_100 = tpu.vector_load %arg8[%swap3A, %swap3A_99] {strides = array<i32>} : memref<128x128xf32, #tpu.memory_space<vmem>>, vector<1x16xf32>,
      %swap3A_101 = vector.shape_cast %swap3A_100 : vector<1x16xf32> to vector<16xf32>
      %swap3A_102 = vector.shape_cast %broadcast_in_dim3A_1 : vector<16xf32> to vector<1x16xf32>
      tpu.vector_store %arg8[%swap3A, %swap3A_99], %swap3A_102 {strides = array<i32>} : memref<128x128xf32, #tpu.memory_space<vmem>>, vector<1x16xf32>,
    }
    %scan3A_6 = arith.constant 1024 : i32
    %mul3A_7 = arith.constant 640 : i32
    %mul3A_8 = arith.muli %arg1, %mul3A_7 : i32
    %add3A_9 = arith.constant 0 : i32
    %add3A_10 = arith.addi %mul3A_8, %add3A_9 : i32
    "tpu.region"() ({
      %run_scoped3A = tpu.sem_alloc : memref<!tpu.dma_semaphore, #tpu.memory_space<semaphore_mem>>
      %dma_start3A_66 = arith.constant 0 : i32
      %dma_start3A_67 = tpu.memref_slice %arg15[%add3A_10, %dma_start3A_66] : memref<10240x128xf32, #tpu.memory_space<vmem_shared>> -> memref<128x128xf32, #tpu.memory_space<vmem_shared>>
      %dma_start3A_68 = arith.constant 0 : i32
      %dma_start3A_69 = tpu.memref_slice %arg15[%add3A_10, %dma_start3A_68] : memref<10240x128xf32, #tpu.memory_space<vmem_shared>> -> memref<128x128xf32, #tpu.memory_space<vmem_shared>>
      tpu.enqueue_dma source(%arg8 : memref<128x128xf32, #tpu.memory_space<vmem>>) target(%dma_start3A_69 : memref<128x128xf32, #tpu.memory_space<vmem_shared>>) target_semaphore(%run_scoped3A : memref<!tpu.dma_semaphore, #tpu.memory_space<semaphore_mem>>)
      %dma_wait3A_70 = arith.constant 0 : i32
      %dma_wait3A_71 = tpu.memref_slice %arg15[%add3A_10, %dma_wait3A_70] : memref<10240x128xf32, #tpu.memory_space<vmem_shared>> -> memref<128x128xf32, #tpu.memory_space<vmem_shared>>
      %dma_wait3A_72 = arith.constant 0 : i32
      %dma_wait3A_73 = tpu.memref_slice %arg15[%add3A_10, %dma_wait3A_72] : memref<10240x128xf32, #tpu.memory_space<vmem_shared>> -> memref<128x128xf32, #tpu.memory_space<vmem_shared>>
      tpu.wait_dma2 semaphore(%run_scoped3A : memref<!tpu.dma_semaphore, #tpu.memory_space<semaphore_mem>>) src(%arg8 : memref<128x128xf32, #tpu.memory_space<vmem>>) dst(%dma_wait3A_73 : memref<128x128xf32, #tpu.memory_space<vmem_shared>>)
      tpu.yield
    }) : () -> ()
    %add3A_11 = arith.constant 128 : i32
    %add3A_12 = arith.addi %mul3A_8, %add3A_11 : i32
    "tpu.region"() ({
      %run_scoped3A = tpu.sem_alloc : memref<!tpu.dma_semaphore, #tpu.memory_space<semaphore_mem>>
      %dma_start3A_66 = arith.constant 0 : i32
      %dma_start3A_67 = tpu.memref_slice %arg15[%add3A_12, %dma_start3A_66] : memref<10240x128xf32, #tpu.memory_space<vmem_shared>> -> memref<128x128xf32, #tpu.memory_space<vmem_shared>>
      %dma_start3A_68 = arith.constant 0 : i32
      %dma_start3A_69 = tpu.memref_slice %arg15[%add3A_12, %dma_start3A_68] : memref<10240x128xf32, #tpu.memory_space<vmem_shared>> -> memref<128x128xf32, #tpu.memory_space<vmem_shared>>
      tpu.enqueue_dma source(%arg8 : memref<128x128xf32, #tpu.memory_space<vmem>>) target(%dma_start3A_69 : memref<128x128xf32, #tpu.memory_space<vmem_shared>>) target_semaphore(%run_scoped3A : memref<!tpu.dma_semaphore, #tpu.memory_space<semaphore_mem>>)
      %dma_wait3A_70 = arith.constant 0 : i32
      %dma_wait3A_71 = tpu.memref_slice %arg15[%add3A_12, %dma_wait3A_70] : memref<10240x128xf32, #tpu.memory_space<vmem_shared>> -> memref<128x128xf32, #tpu.memory_space<vmem_shared>>
      %dma_wait3A_72 = arith.constant 0 : i32
      %dma_wait3A_73 = tpu.memref_slice %arg15[%add3A_12, %dma_wait3A_72] : memref<10240x128xf32, #tpu.memory_space<vmem_shared>> -> memref<128x128xf32, #tpu.memory_space<vmem_shared>>
      tpu.wait_dma2 semaphore(%run_scoped3A : memref<!tpu.dma_semaphore, #tpu.memory_space<semaphore_mem>>) src(%arg8 : memref<128x128xf32, #tpu.memory_space<vmem>>) dst(%dma_wait3A_73 : memref<128x128xf32, #tpu.memory_space<vmem_shared>>)
      tpu.yield
    }) : () -> ()
    %add3A_13 = arith.constant 256 : i32
    %add3A_14 = arith.addi %mul3A_8, %add3A_13 : i32
    "tpu.region"() ({
      %run_scoped3A = tpu.sem_alloc : memref<!tpu.dma_semaphore, #tpu.memory_space<semaphore_mem>>
      %dma_start3A_66 = arith.constant 0 : i32
      %dma_start3A_67 = tpu.memref_slice %arg15[%add3A_14, %dma_start3A_66] : memref<10240x128xf32, #tpu.memory_space<vmem_shared>> -> memref<128x128xf32, #tpu.memory_space<vmem_shared>>
      %dma_start3A_68 = arith.constant 0 : i32
      %dma_start3A_69 = tpu.memref_slice %arg15[%add3A_14, %dma_start3A_68] : memref<10240x128xf32, #tpu.memory_space<vmem_shared>> -> memref<128x128xf32, #tpu.memory_space<vmem_shared>>
      tpu.enqueue_dma source(%arg8 : memref<128x128xf32, #tpu.memory_space<vmem>>) target(%dma_start3A_69 : memref<128x128xf32, #tpu.memory_space<vmem_shared>>) target_semaphore(%run_scoped3A : memref<!tpu.dma_semaphore, #tpu.memory_space<semaphore_mem>>)
      %dma_wait3A_70 = arith.constant 0 : i32
      %dma_wait3A_71 = tpu.memref_slice %arg15[%add3A_14, %dma_wait3A_70] : memref<10240x128xf32, #tpu.memory_space<vmem_shared>> -> memref<128x128xf32, #tpu.memory_space<vmem_shared>>
      %dma_wait3A_72 = arith.constant 0 : i32
      %dma_wait3A_73 = tpu.memref_slice %arg15[%add3A_14, %dma_wait3A_72] : memref<10240x128xf32, #tpu.memory_space<vmem_shared>> -> memref<128x128xf32, #tpu.memory_space<vmem_shared>>
      tpu.wait_dma2 semaphore(%run_scoped3A : memref<!tpu.dma_semaphore, #tpu.memory_space<semaphore_mem>>) src(%arg8 : memref<128x128xf32, #tpu.memory_space<vmem>>) dst(%dma_wait3A_73 : memref<128x128xf32, #tpu.memory_space<vmem_shared>>)
      tpu.yield
    }) : () -> ()
    %add3A_15 = arith.constant 384 : i32
    %add3A_16 = arith.addi %mul3A_8, %add3A_15 : i32
    "tpu.region"() ({
      %run_scoped3A = tpu.sem_alloc : memref<!tpu.dma_semaphore, #tpu.memory_space<semaphore_mem>>
      %dma_start3A_66 = arith.constant 0 : i32
      %dma_start3A_67 = tpu.memref_slice %arg15[%add3A_16, %dma_start3A_66] : memref<10240x128xf32, #tpu.memory_space<vmem_shared>> -> memref<128x128xf32, #tpu.memory_space<vmem_shared>>
      %dma_start3A_68 = arith.constant 0 : i32
      %dma_start3A_69 = tpu.memref_slice %arg15[%add3A_16, %dma_start3A_68] : memref<10240x128xf32, #tpu.memory_space<vmem_shared>> -> memref<128x128xf32, #tpu.memory_space<vmem_shared>>
      tpu.enqueue_dma source(%arg8 : memref<128x128xf32, #tpu.memory_space<vmem>>) target(%dma_start3A_69 : memref<128x128xf32, #tpu.memory_space<vmem_shared>>) target_semaphore(%run_scoped3A : memref<!tpu.dma_semaphore, #tpu.memory_space<semaphore_mem>>)
      %dma_wait3A_70 = arith.constant 0 : i32
      %dma_wait3A_71 = tpu.memref_slice %arg15[%add3A_16, %dma_wait3A_70] : memref<10240x128xf32, #tpu.memory_space<vmem_shared>> -> memref<128x128xf32, #tpu.memory_space<vmem_shared>>
      %dma_wait3A_72 = arith.constant 0 : i32
      %dma_wait3A_73 = tpu.memref_slice %arg15[%add3A_16, %dma_wait3A_72] : memref<10240x128xf32, #tpu.memory_space<vmem_shared>> -> memref<128x128xf32, #tpu.memory_space<vmem_shared>>
      tpu.wait_dma2 semaphore(%run_scoped3A : memref<!tpu.dma_semaphore, #tpu.memory_space<semaphore_mem>>) src(%arg8 : memref<128x128xf32, #tpu.memory_space<vmem>>) dst(%dma_wait3A_73 : memref<128x128xf32, #tpu.memory_space<vmem_shared>>)
      tpu.yield
    }) : () -> ()
    %add3A_17 = arith.constant 512 : i32
    %add3A_18 = arith.addi %mul3A_8, %add3A_17 : i32
    "tpu.region"() ({
      %run_scoped3A = tpu.sem_alloc : memref<!tpu.dma_semaphore, #tpu.memory_space<semaphore_mem>>
      %dma_start3A_66 = arith.constant 0 : i32
      %dma_start3A_67 = tpu.memref_slice %arg15[%add3A_18, %dma_start3A_66] : memref<10240x128xf32, #tpu.memory_space<vmem_shared>> -> memref<128x128xf32, #tpu.memory_space<vmem_shared>>
      %dma_start3A_68 = arith.constant 0 : i32
      %dma_start3A_69 = tpu.memref_slice %arg15[%add3A_18, %dma_start3A_68] : memref<10240x128xf32, #tpu.memory_space<vmem_shared>> -> memref<128x128xf32, #tpu.memory_space<vmem_shared>>
      tpu.enqueue_dma source(%arg8 : memref<128x128xf32, #tpu.memory_space<vmem>>) target(%dma_start3A_69 : memref<128x128xf32, #tpu.memory_space<vmem_shared>>) target_semaphore(%run_scoped3A : memref<!tpu.dma_semaphore, #tpu.memory_space<semaphore_mem>>)
      %dma_wait3A_70 = arith.constant 0 : i32
      %dma_wait3A_71 = tpu.memref_slice %arg15[%add3A_18, %dma_wait3A_70] : memref<10240x128xf32, #tpu.memory_space<vmem_shared>> -> memref<128x128xf32, #tpu.memory_space<vmem_shared>>
      %dma_wait3A_72 = arith.constant 0 : i32
      %dma_wait3A_73 = tpu.memref_slice %arg15[%add3A_18, %dma_wait3A_72] : memref<10240x128xf32, #tpu.memory_space<vmem_shared>> -> memref<128x128xf32, #tpu.memory_space<vmem_shared>>
      tpu.wait_dma2 semaphore(%run_scoped3A : memref<!tpu.dma_semaphore, #tpu.memory_space<semaphore_mem>>) src(%arg8 : memref<128x128xf32, #tpu.memory_space<vmem>>) dst(%dma_wait3A_73 : memref<128x128xf32, #tpu.memory_space<vmem_shared>>)
      tpu.yield
    }) : () -> ()
    %barrier3A = arith.constant 0 : index
    tpu.barrier barrier_id(%barrier3A)
    %mul3A_19 = arith.constant 10000 : i32
    %mul3A_20 = arith.muli %add3A, %mul3A_19 : i32
    %add3A_21 = arith.constant 0 : i32
    %add3A_22 = arith.addi %mul3A_20, %add3A_21 : i32
    %dma_start3A = tpu.memref_slice %arg3[%add3A_22] : memref<320000xi32, #tpu.memory_space<hbm>> -> memref<128xi32, #tpu.memory_space<hbm>>
    %dma_start3A_23 = tpu.memref_slice %arg3[%add3A_22] : memref<320000xi32, #tpu.memory_space<hbm>> -> memref<128xi32, #tpu.memory_space<hbm>>
    tpu.enqueue_dma source(%dma_start3A_23 : memref<128xi32, #tpu.memory_space<hbm>>) target(%arg6 : memref<128xi32, #tpu.memory_space<vmem>>) target_semaphore(%arg16 : memref<!tpu.dma_semaphore, #tpu.memory_space<semaphore_mem>>)
    %dma_start3A_24 = tpu.memref_slice %arg4[%add3A_22] : memref<320000xi32, #tpu.memory_space<hbm>> -> memref<128xi32, #tpu.memory_space<hbm>>
    %dma_start3A_25 = tpu.memref_slice %arg4[%add3A_22] : memref<320000xi32, #tpu.memory_space<hbm>> -> memref<128xi32, #tpu.memory_space<hbm>>
    tpu.enqueue_dma source(%dma_start3A_25 : memref<128xi32, #tpu.memory_space<hbm>>) target(%arg7 : memref<128xi32, #tpu.memory_space<vmem>>) target_semaphore(%arg16 : memref<!tpu.dma_semaphore, #tpu.memory_space<semaphore_mem>>)
    %dma_wait3A = tpu.memref_slice %arg3[%add3A_22] : memref<320000xi32, #tpu.memory_space<hbm>> -> memref<128xi32, #tpu.memory_space<hbm>>
    %dma_wait3A_26 = tpu.memref_slice %arg3[%add3A_22] : memref<320000xi32, #tpu.memory_space<hbm>> -> memref<128xi32, #tpu.memory_space<hbm>>
    tpu.wait_dma2 semaphore(%arg16 : memref<!tpu.dma_semaphore, #tpu.memory_space<semaphore_mem>>) src(%dma_wait3A_26 : memref<128xi32, #tpu.memory_space<hbm>>) dst(%arg6 : memref<128xi32, #tpu.memory_space<vmem>>)
    %dma_wait3A_27 = tpu.memref_slice %arg4[%add3A_22] : memref<320000xi32, #tpu.memory_space<hbm>> -> memref<128xi32, #tpu.memory_space<hbm>>
    %dma_wait3A_28 = tpu.memref_slice %arg4[%add3A_22] : memref<320000xi32, #tpu.memory_space<hbm>> -> memref<128xi32, #tpu.memory_space<hbm>>
    tpu.wait_dma2 semaphore(%arg16 : memref<!tpu.dma_semaphore, #tpu.memory_space<semaphore_mem>>) src(%dma_wait3A_28 : memref<128xi32, #tpu.memory_space<hbm>>) dst(%arg7 : memref<128xi32, #tpu.memory_space<vmem>>)
    %dma_start3A_29 = arith.constant 0 : i32
    %dma_start3A_30 = arith.constant 0 : i32
    %dma_start3A_31 = tpu.memref_slice %arg2[%dma_start3A_29, %dma_start3A_30] : memref<10000x128xf32, #tpu.memory_space<hbm>> -> memref<10000x128xf32, #tpu.memory_space<hbm>>
    tpu.enqueue_indirect_dma source(%dma_start3A_31 : memref<10000x128xf32, #tpu.memory_space<hbm>>) target(%arg8 : memref<128x128xf32, #tpu.memory_space<vmem>>) offsets(%arg6 : memref<128xi32, #tpu.memory_space<vmem>>) semaphore(%arg18 : memref<!tpu.dma_semaphore, #tpu.memory_space<semaphore_mem>>)
    %add3A_32 = arith.constant 128 : i32
    %add3A_33 = arith.addi %mul3A_20, %add3A_32 : i32
    %dma_start3A_34 = tpu.memref_slice %arg3[%add3A_33] : memref<320000xi32, #tpu.memory_space<hbm>> -> memref<128xi32, #tpu.memory_space<hbm>>
    %dma_start3A_35 = tpu.memref_slice %arg3[%add3A_33] : memref<320000xi32, #tpu.memory_space<hbm>> -> memref<128xi32, #tpu.memory_space<hbm>>
    tpu.enqueue_dma source(%dma_start3A_35 : memref<128xi32, #tpu.memory_space<hbm>>) target(%arg9 : memref<128xi32, #tpu.memory_space<vmem>>) target_semaphore(%arg17 : memref<!tpu.dma_semaphore, #tpu.memory_space<semaphore_mem>>)
    %dma_start3A_36 = tpu.memref_slice %arg4[%add3A_33] : memref<320000xi32, #tpu.memory_space<hbm>> -> memref<128xi32, #tpu.memory_space<hbm>>
    %dma_start3A_37 = tpu.memref_slice %arg4[%add3A_33] : memref<320000xi32, #tpu.memory_space<hbm>> -> memref<128xi32, #tpu.memory_space<hbm>>
    tpu.enqueue_dma source(%dma_start3A_37 : memref<128xi32, #tpu.memory_space<hbm>>) target(%arg10 : memref<128xi32, #tpu.memory_space<vmem>>) target_semaphore(%arg17 : memref<!tpu.dma_semaphore, #tpu.memory_space<semaphore_mem>>)
    %scan3A_38 = arith.constant 0 : i32
    %scan3A_39 = arith.constant 0 : i32
    %scan3A_40 = arith.constant 38 : i32
    %scan3A_41 = arith.addi %scan3A_39, %scan3A_40 : i32
    %scan3A_42 = arith.constant 1 : i32
    scf.for %scan3A_66 = %scan3A_39 to %scan3A_41 step %scan3A_42  : i32 {
      %mul3A_67 = arith.constant 2 : i32
      %mul3A_68 = arith.muli %mul3A_67, %scan3A_66 : i32
      %add3A_69 = arith.constant 1 : i32
      %add3A_70 = arith.addi %mul3A_68, %add3A_69 : i32
      %dma_wait3A_71 = tpu.memref_slice %arg3[%add3A_33] : memref<320000xi32, #tpu.memory_space<hbm>> -> memref<128xi32, #tpu.memory_space<hbm>>
      %dma_wait3A_72 = tpu.memref_slice %arg3[%add3A_33] : memref<320000xi32, #tpu.memory_space<hbm>> -> memref<128xi32, #tpu.memory_space<hbm>>
      tpu.wait_dma2 semaphore(%arg17 : memref<!tpu.dma_semaphore, #tpu.memory_space<semaphore_mem>>) src(%dma_wait3A_72 : memref<128xi32, #tpu.memory_space<hbm>>) dst(%arg9 : memref<128xi32, #tpu.memory_space<vmem>>)
      %dma_wait3A_73 = tpu.memref_slice %arg4[%add3A_33] : memref<320000xi32, #tpu.memory_space<hbm>> -> memref<128xi32, #tpu.memory_space<hbm>>
      %dma_wait3A_74 = tpu.memref_slice %arg4[%add3A_33] : memref<320000xi32, #tpu.memory_space<hbm>> -> memref<128xi32, #tpu.memory_space<hbm>>
      tpu.wait_dma2 semaphore(%arg17 : memref<!tpu.dma_semaphore, #tpu.memory_space<semaphore_mem>>) src(%dma_wait3A_74 : memref<128xi32, #tpu.memory_space<hbm>>) dst(%arg10 : memref<128xi32, #tpu.memory_space<vmem>>)
      %dma_start3A_75 = arith.constant 0 : i32
      %dma_start3A_76 = arith.constant 0 : i32
      %dma_start3A_77 = tpu.memref_slice %arg2[%dma_start3A_75, %dma_start3A_76] : memref<10000x128xf32, #tpu.memory_space<hbm>> -> memref<10000x128xf32, #tpu.memory_space<hbm>>
      tpu.enqueue_indirect_dma source(%dma_start3A_77 : memref<10000x128xf32, #tpu.memory_space<hbm>>) target(%arg11 : memref<128x128xf32, #tpu.memory_space<vmem>>) offsets(%arg9 : memref<128xi32, #tpu.memory_space<vmem>>) semaphore(%arg19 : memref<!tpu.dma_semaphore, #tpu.memory_space<semaphore_mem>>)
      %dma_wait3A_78 = arith.constant 0 : i32
      %dma_wait3A_79 = arith.constant 0 : i32
      %dma_wait3A_80 = tpu.memref_slice %arg2[%dma_wait3A_78, %dma_wait3A_79] : memref<10000x128xf32, #tpu.memory_space<hbm>> -> memref<10000x128xf32, #tpu.memory_space<hbm>>
      tpu.wait_indirect_dma semaphore(%arg18 : memref<!tpu.dma_semaphore, #tpu.memory_space<semaphore_mem>>) src(%dma_wait3A_80 : memref<10000x128xf32, #tpu.memory_space<hbm>>) dst(%arg8 : memref<128x128xf32, #tpu.memory_space<vmem>>)
      "tpu.region"() ({
        %run_scoped3A = tpu.sem_alloc : memref<!tpu.dma_semaphore, #tpu.memory_space<semaphore_mem>>
        %dma_start3A_109 = arith.constant 0 : i32
        %dma_start3A_110 = arith.constant 0 : i32
        %dma_start3A_111 = tpu.memref_slice %arg15[%dma_start3A_109, %dma_start3A_110] : memref<10240x128xf32, #tpu.memory_space<vmem_shared>> -> memref<10240x128xf32, #tpu.memory_space<vmem_shared>>
        tpu.enqueue_indirect_dma source(%arg8 : memref<128x128xf32, #tpu.memory_space<vmem>>) target(%dma_start3A_111 : memref<10240x128xf32, #tpu.memory_space<vmem_shared>>) offsets(%arg7 : memref<128xi32, #tpu.memory_space<vmem>>) semaphore(%run_scoped3A : memref<!tpu.dma_semaphore, #tpu.memory_space<semaphore_mem>>) {add = true}
        %dma_wait3A_112 = arith.constant 0 : i32
        %dma_wait3A_113 = arith.constant 0 : i32
        %dma_wait3A_114 = tpu.memref_slice %arg15[%dma_wait3A_112, %dma_wait3A_113] : memref<10240x128xf32, #tpu.memory_space<vmem_shared>> -> memref<10240x128xf32, #tpu.memory_space<vmem_shared>>
        tpu.wait_indirect_dma semaphore(%run_scoped3A : memref<!tpu.dma_semaphore, #tpu.memory_space<semaphore_mem>>) src(%arg8 : memref<128x128xf32, #tpu.memory_space<vmem>>) dst(%dma_wait3A_114 : memref<10240x128xf32, #tpu.memory_space<vmem_shared>>)
        tpu.yield
      }) : () -> ()
      %add3A_81 = arith.constant 1 : i32
      %add3A_82 = arith.addi %add3A_70, %add3A_81 : i32
      %mul3A_83 = arith.constant 128 : i32
      %mul3A_84 = arith.muli %add3A_82, %mul3A_83 : i32
      %add3A_85 = arith.addi %mul3A_20, %mul3A_84 : i32
      %dma_start3A_86 = tpu.memref_slice %arg3[%add3A_85] : memref<320000xi32, #tpu.memory_space<hbm>> -> memref<128xi32, #tpu.memory_space<hbm>>
      %dma_start3A_87 = tpu.memref_slice %arg3[%add3A_85] : memref<320000xi32, #tpu.memory_space<hbm>> -> memref<128xi32, #tpu.memory_space<hbm>>
      tpu.enqueue_dma source(%dma_start3A_87 : memref<128xi32, #tpu.memory_space<hbm>>) target(%arg6 : memref<128xi32, #tpu.memory_space<vmem>>) target_semaphore(%arg16 : memref<!tpu.dma_semaphore, #tpu.memory_space<semaphore_mem>>)
      %dma_start3A_88 = tpu.memref_slice %arg4[%add3A_85] : memref<320000xi32, #tpu.memory_space<hbm>> -> memref<128xi32, #tpu.memory_space<hbm>>
      %dma_start3A_89 = tpu.memref_slice %arg4[%add3A_85] : memref<320000xi32, #tpu.memory_space<hbm>> -> memref<128xi32, #tpu.memory_space<hbm>>
      tpu.enqueue_dma source(%dma_start3A_89 : memref<128xi32, #tpu.memory_space<hbm>>) target(%arg7 : memref<128xi32, #tpu.memory_space<vmem>>) target_semaphore(%arg16 : memref<!tpu.dma_semaphore, #tpu.memory_space<semaphore_mem>>)
      %dma_wait3A_90 = tpu.memref_slice %arg3[%add3A_85] : memref<320000xi32, #tpu.memory_space<hbm>> -> memref<128xi32, #tpu.memory_space<hbm>>
      %dma_wait3A_91 = tpu.memref_slice %arg3[%add3A_85] : memref<320000xi32, #tpu.memory_space<hbm>> -> memref<128xi32, #tpu.memory_space<hbm>>
      tpu.wait_dma2 semaphore(%arg16 : memref<!tpu.dma_semaphore, #tpu.memory_space<semaphore_mem>>) src(%dma_wait3A_91 : memref<128xi32, #tpu.memory_space<hbm>>) dst(%arg6 : memref<128xi32, #tpu.memory_space<vmem>>)
      %dma_wait3A_92 = tpu.memref_slice %arg4[%add3A_85] : memref<320000xi32, #tpu.memory_space<hbm>> -> memref<128xi32, #tpu.memory_space<hbm>>
      %dma_wait3A_93 = tpu.memref_slice %arg4[%add3A_85] : memref<320000xi32, #tpu.memory_space<hbm>> -> memref<128xi32, #tpu.memory_space<hbm>>
      tpu.wait_dma2 semaphore(%arg16 : memref<!tpu.dma_semaphore, #tpu.memory_space<semaphore_mem>>) src(%dma_wait3A_93 : memref<128xi32, #tpu.memory_space<hbm>>) dst(%arg7 : memref<128xi32, #tpu.memory_space<vmem>>)
      %dma_start3A_94 = arith.constant 0 : i32
      %dma_start3A_95 = arith.constant 0 : i32
      %dma_start3A_96 = tpu.memref_slice %arg2[%dma_start3A_94, %dma_start3A_95] : memref<10000x128xf32, #tpu.memory_space<hbm>> -> memref<10000x128xf32, #tpu.memory_space<hbm>>
      tpu.enqueue_indirect_dma source(%dma_start3A_96 : memref<10000x128xf32, #tpu.memory_space<hbm>>) target(%arg8 : memref<128x128xf32, #tpu.memory_space<vmem>>) offsets(%arg6 : memref<128xi32, #tpu.memory_space<vmem>>) semaphore(%arg18 : memref<!tpu.dma_semaphore, #tpu.memory_space<semaphore_mem>>)
      %dma_wait3A_97 = arith.constant 0 : i32
      %dma_wait3A_98 = arith.constant 0 : i32
      %dma_wait3A_99 = tpu.memref_slice %arg2[%dma_wait3A_97, %dma_wait3A_98] : memref<10000x128xf32, #tpu.memory_space<hbm>> -> memref<10000x128xf32, #tpu.memory_space<hbm>>
      tpu.wait_indirect_dma semaphore(%arg19 : memref<!tpu.dma_semaphore, #tpu.memory_space<semaphore_mem>>) src(%dma_wait3A_99 : memref<10000x128xf32, #tpu.memory_space<hbm>>) dst(%arg11 : memref<128x128xf32, #tpu.memory_space<vmem>>)
      "tpu.region"() ({
        %run_scoped3A = tpu.sem_alloc : memref<!tpu.dma_semaphore, #tpu.memory_space<semaphore_mem>>
        %dma_start3A_109 = arith.constant 0 : i32
        %dma_start3A_110 = arith.constant 0 : i32
        %dma_start3A_111 = tpu.memref_slice %arg15[%dma_start3A_109, %dma_start3A_110] : memref<10240x128xf32, #tpu.memory_space<vmem_shared>> -> memref<10240x128xf32, #tpu.memory_space<vmem_shared>>
        tpu.enqueue_indirect_dma source(%arg11 : memref<128x128xf32, #tpu.memory_space<vmem>>) target(%dma_start3A_111 : memref<10240x128xf32, #tpu.memory_space<vmem_shared>>) offsets(%arg10 : memref<128xi32, #tpu.memory_space<vmem>>) semaphore(%run_scoped3A : memref<!tpu.dma_semaphore, #tpu.memory_space<semaphore_mem>>) {add = true}
        %dma_wait3A_112 = arith.constant 0 : i32
        %dma_wait3A_113 = arith.constant 0 : i32
        %dma_wait3A_114 = tpu.memref_slice %arg15[%dma_wait3A_112, %dma_wait3A_113] : memref<10240x128xf32, #tpu.memory_space<vmem_shared>> -> memref<10240x128xf32, #tpu.memory_space<vmem_shared>>
        tpu.wait_indirect_dma semaphore(%run_scoped3A : memref<!tpu.dma_semaphore, #tpu.memory_space<semaphore_mem>>) src(%arg11 : memref<128x128xf32, #tpu.memory_space<vmem>>) dst(%dma_wait3A_114 : memref<10240x128xf32, #tpu.memory_space<vmem_shared>>)
        tpu.yield
      }) : () -> ()
      %add3A_100 = arith.constant 2 : i32
      %add3A_101 = arith.addi %add3A_70, %add3A_100 : i32
      %mul3A_102 = arith.constant 128 : i32
      %mul3A_103 = arith.muli %add3A_101, %mul3A_102 : i32
      %add3A_104 = arith.addi %mul3A_20, %mul3A_103 : i32
      %dma_start3A_105 = tpu.memref_slice %arg3[%add3A_104] : memref<320000xi32, #tpu.memory_space<hbm>> -> memref<128xi32, #tpu.memory_space<hbm>>
      %dma_start3A_106 = tpu.memref_slice %arg3[%add3A_104] : memref<320000xi32, #tpu.memory_space<hbm>> -> memref<128xi32, #tpu.memory_space<hbm>>
      tpu.enqueue_dma source(%dma_start3A_106 : memref<128xi32, #tpu.memory_space<hbm>>) target(%arg9 : memref<128xi32, #tpu.memory_space<vmem>>) target_semaphore(%arg17 : memref<!tpu.dma_semaphore, #tpu.memory_space<semaphore_mem>>)
      %dma_start3A_107 = tpu.memref_slice %arg4[%add3A_104] : memref<320000xi32, #tpu.memory_space<hbm>> -> memref<128xi32, #tpu.memory_space<hbm>>
      %dma_start3A_108 = tpu.memref_slice %arg4[%add3A_104] : memref<320000xi32, #tpu.memory_space<hbm>> -> memref<128xi32, #tpu.memory_space<hbm>>
      tpu.enqueue_dma source(%dma_start3A_108 : memref<128xi32, #tpu.memory_space<hbm>>) target(%arg10 : memref<128xi32, #tpu.memory_space<vmem>>) target_semaphore(%arg17 : memref<!tpu.dma_semaphore, #tpu.memory_space<semaphore_mem>>)
    }
    %scan3A_43 = arith.constant 38 : i32
    %dma_wait3A_44 = tpu.memref_slice %arg3[%add3A_33] : memref<320000xi32, #tpu.memory_space<hbm>> -> memref<128xi32, #tpu.memory_space<hbm>>
    %dma_wait3A_45 = tpu.memref_slice %arg3[%add3A_33] : memref<320000xi32, #tpu.memory_space<hbm>> -> memref<128xi32, #tpu.memory_space<hbm>>
    tpu.wait_dma2 semaphore(%arg17 : memref<!tpu.dma_semaphore, #tpu.memory_space<semaphore_mem>>) src(%dma_wait3A_45 : memref<128xi32, #tpu.memory_space<hbm>>) dst(%arg9 : memref<128xi32, #tpu.memory_space<vmem>>)
    %dma_wait3A_46 = tpu.memref_slice %arg4[%add3A_33] : memref<320000xi32, #tpu.memory_space<hbm>> -> memref<128xi32, #tpu.memory_space<hbm>>
    %dma_wait3A_47 = tpu.memref_slice %arg4[%add3A_33] : memref<320000xi32, #tpu.memory_space<hbm>> -> memref<128xi32, #tpu.memory_space<hbm>>
    tpu.wait_dma2 semaphore(%arg17 : memref<!tpu.dma_semaphore, #tpu.memory_space<semaphore_mem>>) src(%dma_wait3A_47 : memref<128xi32, #tpu.memory_space<hbm>>) dst(%arg10 : memref<128xi32, #tpu.memory_space<vmem>>)
    %dma_start3A_48 = arith.constant 0 : i32
    %dma_start3A_49 = arith.constant 0 : i32
    %dma_start3A_50 = tpu.memref_slice %arg2[%dma_start3A_48, %dma_start3A_49] : memref<10000x128xf32, #tpu.memory_space<hbm>> -> memref<10000x128xf32, #tpu.memory_space<hbm>>
    tpu.enqueue_indirect_dma source(%dma_start3A_50 : memref<10000x128xf32, #tpu.memory_space<hbm>>) target(%arg11 : memref<128x128xf32, #tpu.memory_space<vmem>>) offsets(%arg9 : memref<128xi32, #tpu.memory_space<vmem>>) semaphore(%arg19 : memref<!tpu.dma_semaphore, #tpu.memory_space<semaphore_mem>>)
    %dma_wait3A_51 = arith.constant 0 : i32
    %dma_wait3A_52 = arith.constant 0 : i32
    %dma_wait3A_53 = tpu.memref_slice %arg2[%dma_wait3A_51, %dma_wait3A_52] : memref<10000x128xf32, #tpu.memory_space<hbm>> -> memref<10000x128xf32, #tpu.memory_space<hbm>>
    tpu.wait_indirect_dma semaphore(%arg18 : memref<!tpu.dma_semaphore, #tpu.memory_space<semaphore_mem>>) src(%dma_wait3A_53 : memref<10000x128xf32, #tpu.memory_space<hbm>>) dst(%arg8 : memref<128x128xf32, #tpu.memory_space<vmem>>)
    "tpu.region"() ({
      %run_scoped3A = tpu.sem_alloc : memref<!tpu.dma_semaphore, #tpu.memory_space<semaphore_mem>>
      %dma_start3A_66 = arith.constant 0 : i32
      %dma_start3A_67 = arith.constant 0 : i32
      %dma_start3A_68 = tpu.memref_slice %arg15[%dma_start3A_66, %dma_start3A_67] : memref<10240x128xf32, #tpu.memory_space<vmem_shared>> -> memref<10240x128xf32, #tpu.memory_space<vmem_shared>>
      tpu.enqueue_indirect_dma source(%arg8 : memref<128x128xf32, #tpu.memory_space<vmem>>) target(%dma_start3A_68 : memref<10240x128xf32, #tpu.memory_space<vmem_shared>>) offsets(%arg7 : memref<128xi32, #tpu.memory_space<vmem>>) semaphore(%run_scoped3A : memref<!tpu.dma_semaphore, #tpu.memory_space<semaphore_mem>>) {add = true}
      %dma_wait3A_69 = arith.constant 0 : i32
      %dma_wait3A_70 = arith.constant 0 : i32
      %dma_wait3A_71 = tpu.memref_slice %arg15[%dma_wait3A_69, %dma_wait3A_70] : memref<10240x128xf32, #tpu.memory_space<vmem_shared>> -> memref<10240x128xf32, #tpu.memory_space<vmem_shared>>
      tpu.wait_indirect_dma semaphore(%run_scoped3A : memref<!tpu.dma_semaphore, #tpu.memory_space<semaphore_mem>>) src(%arg8 : memref<128x128xf32, #tpu.memory_space<vmem>>) dst(%dma_wait3A_71 : memref<10240x128xf32, #tpu.memory_space<vmem_shared>>)
      tpu.yield
    }) : () -> ()
    %dma_wait3A_54 = arith.constant 0 : i32
    %dma_wait3A_55 = arith.constant 0 : i32
    %dma_wait3A_56 = tpu.memref_slice %arg2[%dma_wait3A_54, %dma_wait3A_55] : memref<10000x128xf32, #tpu.memory_space<hbm>> -> memref<10000x128xf32, #tpu.memory_space<hbm>>
    tpu.wait_indirect_dma semaphore(%arg19 : memref<!tpu.dma_semaphore, #tpu.memory_space<semaphore_mem>>) src(%dma_wait3A_56 : memref<10000x128xf32, #tpu.memory_space<hbm>>) dst(%arg11 : memref<128x128xf32, #tpu.memory_space<vmem>>)
    "tpu.region"() ({
      %run_scoped3A = tpu.sem_alloc : memref<!tpu.dma_semaphore, #tpu.memory_space<semaphore_mem>>
      %dma_start3A_66 = arith.constant 0 : i32
      %dma_start3A_67 = arith.constant 0 : i32
      %dma_start3A_68 = tpu.memref_slice %arg15[%dma_start3A_66, %dma_start3A_67] : memref<10240x128xf32, #tpu.memory_space<vmem_shared>> -> memref<10240x128xf32, #tpu.memory_space<vmem_shared>>
      tpu.enqueue_indirect_dma source(%arg11 : memref<128x128xf32, #tpu.memory_space<vmem>>) target(%dma_start3A_68 : memref<10240x128xf32, #tpu.memory_space<vmem_shared>>) offsets(%arg10 : memref<128xi32, #tpu.memory_space<vmem>>) semaphore(%run_scoped3A : memref<!tpu.dma_semaphore, #tpu.memory_space<semaphore_mem>>) {add = true}
      %dma_wait3A_69 = arith.constant 0 : i32
      %dma_wait3A_70 = arith.constant 0 : i32
      %dma_wait3A_71 = tpu.memref_slice %arg15[%dma_wait3A_69, %dma_wait3A_70] : memref<10240x128xf32, #tpu.memory_space<vmem_shared>> -> memref<10240x128xf32, #tpu.memory_space<vmem_shared>>
      tpu.wait_indirect_dma semaphore(%run_scoped3A : memref<!tpu.dma_semaphore, #tpu.memory_space<semaphore_mem>>) src(%arg11 : memref<128x128xf32, #tpu.memory_space<vmem>>) dst(%dma_wait3A_71 : memref<10240x128xf32, #tpu.memory_space<vmem_shared>>)
      tpu.yield
    }) : () -> ()
    %add3A_57 = arith.constant 9984 : i32
    %add3A_58 = arith.addi %mul3A_20, %add3A_57 : i32
    "tpu.region"() ({
      %run_scoped3A = tpu.sem_alloc : memref<!tpu.dma_semaphore, #tpu.memory_space<semaphore_mem>>
      %dma_start3A_66 = tpu.memref_slice %arg3[%add3A_58] : memref<320000xi32, #tpu.memory_space<hbm>> -> memref<16xi32, #tpu.memory_space<hbm>>
      %dma_start3A_67 = tpu.memref_slice %arg3[%add3A_58] : memref<320000xi32, #tpu.memory_space<hbm>> -> memref<16xi32, #tpu.memory_space<hbm>>
      tpu.enqueue_dma source(%dma_start3A_67 : memref<16xi32, #tpu.memory_space<hbm>>) target(%arg12 : memref<16xi32, #tpu.memory_space<vmem>>) target_semaphore(%run_scoped3A : memref<!tpu.dma_semaphore, #tpu.memory_space<semaphore_mem>>)
      %dma_wait3A_68 = tpu.memref_slice %arg3[%add3A_58] : memref<320000xi32, #tpu.memory_space<hbm>> -> memref<16xi32, #tpu.memory_space<hbm>>
      %dma_wait3A_69 = tpu.memref_slice %arg3[%add3A_58] : memref<320000xi32, #tpu.memory_space<hbm>> -> memref<16xi32, #tpu.memory_space<hbm>>
      tpu.wait_dma2 semaphore(%run_scoped3A : memref<!tpu.dma_semaphore, #tpu.memory_space<semaphore_mem>>) src(%dma_wait3A_69 : memref<16xi32, #tpu.memory_space<hbm>>) dst(%arg12 : memref<16xi32, #tpu.memory_space<vmem>>)
      tpu.yield
    }) : () -> ()
    "tpu.region"() ({
      %run_scoped3A = tpu.sem_alloc : memref<!tpu.dma_semaphore, #tpu.memory_space<semaphore_mem>>
      %dma_start3A_66 = tpu.memref_slice %arg4[%add3A_58] : memref<320000xi32, #tpu.memory_space<hbm>> -> memref<16xi32, #tpu.memory_space<hbm>>
      %dma_start3A_67 = tpu.memref_slice %arg4[%add3A_58] : memref<320000xi32, #tpu.memory_space<hbm>> -> memref<16xi32, #tpu.memory_space<hbm>>
      tpu.enqueue_dma source(%dma_start3A_67 : memref<16xi32, #tpu.memory_space<hbm>>) target(%arg13 : memref<16xi32, #tpu.memory_space<vmem>>) target_semaphore(%run_scoped3A : memref<!tpu.dma_semaphore, #tpu.memory_space<semaphore_mem>>)
      %dma_wait3A_68 = tpu.memref_slice %arg4[%add3A_58] : memref<320000xi32, #tpu.memory_space<hbm>> -> memref<16xi32, #tpu.memory_space<hbm>>
      %dma_wait3A_69 = tpu.memref_slice %arg4[%add3A_58] : memref<320000xi32, #tpu.memory_space<hbm>> -> memref<16xi32, #tpu.memory_space<hbm>>
      tpu.wait_dma2 semaphore(%run_scoped3A : memref<!tpu.dma_semaphore, #tpu.memory_space<semaphore_mem>>) src(%dma_wait3A_69 : memref<16xi32, #tpu.memory_space<hbm>>) dst(%arg13 : memref<16xi32, #tpu.memory_space<vmem>>)
      tpu.yield
    }) : () -> ()
    %dma_start3A_59 = arith.constant 0 : i32
    %dma_start3A_60 = arith.constant 0 : i32
    %dma_start3A_61 = tpu.memref_slice %arg2[%dma_start3A_59, %dma_start3A_60] : memref<10000x128xf32, #tpu.memory_space<hbm>> -> memref<10000x128xf32, #tpu.memory_space<hbm>>
    tpu.enqueue_indirect_dma source(%dma_start3A_61 : memref<10000x128xf32, #tpu.memory_space<hbm>>) target(%arg14 : memref<16x128xf32, #tpu.memory_space<vmem>>) offsets(%arg12 : memref<16xi32, #tpu.memory_space<vmem>>) semaphore(%arg18 : memref<!tpu.dma_semaphore, #tpu.memory_space<semaphore_mem>>)
    %dma_wait3A_62 = arith.constant 0 : i32
    %dma_wait3A_63 = arith.constant 0 : i32
    %dma_wait3A_64 = tpu.memref_slice %arg2[%dma_wait3A_62, %dma_wait3A_63] : memref<10000x128xf32, #tpu.memory_space<hbm>> -> memref<10000x128xf32, #tpu.memory_space<hbm>>
    tpu.wait_indirect_dma semaphore(%arg18 : memref<!tpu.dma_semaphore, #tpu.memory_space<semaphore_mem>>) src(%dma_wait3A_64 : memref<10000x128xf32, #tpu.memory_space<hbm>>) dst(%arg14 : memref<16x128xf32, #tpu.memory_space<vmem>>)
    "tpu.region"() ({
      %run_scoped3A = tpu.sem_alloc : memref<!tpu.dma_semaphore, #tpu.memory_space<semaphore_mem>>
      %dma_start3A_66 = arith.constant 0 : i32
      %dma_start3A_67 = arith.constant 0 : i32
      %dma_start3A_68 = tpu.memref_slice %arg15[%dma_start3A_66, %dma_start3A_67] : memref<10240x128xf32, #tpu.memory_space<vmem_shared>> -> memref<10240x128xf32, #tpu.memory_space<vmem_shared>>
      tpu.enqueue_indirect_dma source(%arg14 : memref<16x128xf32, #tpu.memory_space<vmem>>) target(%dma_start3A_68 : memref<10240x128xf32, #tpu.memory_space<vmem_shared>>) offsets(%arg13 : memref<16xi32, #tpu.memory_space<vmem>>) semaphore(%run_scoped3A : memref<!tpu.dma_semaphore, #tpu.memory_space<semaphore_mem>>) {add = true}
      %dma_wait3A_69 = arith.constant 0 : i32
      %dma_wait3A_70 = arith.constant 0 : i32
      %dma_wait3A_71 = tpu.memref_slice %arg15[%dma_wait3A_69, %dma_wait3A_70] : memref<10240x128xf32, #tpu.memory_space<vmem_shared>> -> memref<10240x128xf32, #tpu.memory_space<vmem_shared>>
      tpu.wait_indirect_dma semaphore(%run_scoped3A : memref<!tpu.dma_semaphore, #tpu.memory_space<semaphore_mem>>) src(%arg14 : memref<16x128xf32, #tpu.memory_space<vmem>>) dst(%dma_wait3A_71 : memref<10240x128xf32, #tpu.memory_space<vmem_shared>>)
      tpu.yield
    }) : () -> ()
    %barrier3A_65 = arith.constant 0 : index
    tpu.barrier barrier_id(%barrier3A_65)
    "tpu.region"() ({
      %run_scoped3A = tpu.sem_alloc : memref<!tpu.dma_semaphore, #tpu.memory_space<semaphore_mem>>
      %dma_start3A_66 = arith.constant 0 : i32
      %dma_start3A_67 = tpu.memref_slice %arg5[%arg0, %mul3A_8, %dma_start3A_66] : memref<2x10240x128xf32, #tpu.memory_space<hbm>> -> memref<1x640x128xf32, #tpu.memory_space<hbm>>
      %dma_start3A_68 = tpu.memref_squeeze %dma_start3A_67 : memref<1x640x128xf32, #tpu.memory_space<hbm>> -> memref<640x128xf32, #tpu.memory_space<hbm>>
      %dma_start3A_69 = arith.constant 0 : i32
      %dma_start3A_70 = tpu.memref_slice %arg15[%mul3A_8, %dma_start3A_69] : memref<10240x128xf32, #tpu.memory_space<vmem_shared>> -> memref<640x128xf32, #tpu.memory_space<vmem_shared>>
      tpu.enqueue_dma source(%dma_start3A_70 : memref<640x128xf32, #tpu.memory_space<vmem_shared>>) target(%dma_start3A_68 : memref<640x128xf32, #tpu.memory_space<hbm>>) target_semaphore(%run_scoped3A : memref<!tpu.dma_semaphore, #tpu.memory_space<semaphore_mem>>)
      %dma_wait3A_71 = arith.constant 0 : i32
      %dma_wait3A_72 = tpu.memref_slice %arg5[%arg0, %mul3A_8, %dma_wait3A_71] : memref<2x10240x128xf32, #tpu.memory_space<hbm>> -> memref<1x640x128xf32, #tpu.memory_space<hbm>>
      %dma_wait3A_73 = tpu.memref_squeeze %dma_wait3A_72 : memref<1x640x128xf32, #tpu.memory_space<hbm>> -> memref<640x128xf32, #tpu.memory_space<hbm>>
      %dma_wait3A_74 = arith.constant 0 : i32
      %dma_wait3A_75 = tpu.memref_slice %arg15[%mul3A_8, %dma_wait3A_74] : memref<10240x128xf32, #tpu.memory_space<vmem_shared>> -> memref<640x128xf32, #tpu.memory_space<vmem_shared>>
      tpu.wait_dma2 semaphore(%run_scoped3A : memref<!tpu.dma_semaphore, #tpu.memory_space<semaphore_mem>>) src(%dma_wait3A_75 : memref<640x128xf32, #tpu.memory_space<vmem_shared>>) dst(%dma_wait3A_73 : memref<640x128xf32, #tpu.memory_space<hbm>>)
      tpu.yield
    }) : () -> ()
    return
  }
}

#map = affine_map<(d0, d1) -> (0)>
#map1 = affine_map<(d0, d1) -> (0, 0, 0)>
module attributes {stable_mosaic.version = 14 : i64} {
  func.func @_sc_deg_body(%arg0: i32, %arg1: i32, %arg2: memref<320000xi32, #tpu.memory_space<hbm>>, %arg3: memref<2x10240x128xf32, #tpu.memory_space<hbm>>, %arg4: memref<80xi32, #tpu.memory_space<vmem>>, %arg5: memref<80xi32, #tpu.memory_space<vmem>>, %arg6: memref<80x128xf32, #tpu.memory_space<vmem>>, %arg7: memref<80x128xf32, #tpu.memory_space<vmem>>, %arg8: memref<10240x128xf32, #tpu.memory_space<vmem_shared>>, %arg9: memref<!tpu.dma_semaphore, #tpu.memory_space<semaphore_mem>>, %arg10: memref<!tpu.dma_semaphore, #tpu.memory_space<semaphore_mem>>) attributes {dimension_semantics = [#tpu.dimension_semantics<core_parallel>, #tpu.dimension_semantics<subcore_parallel>], iteration_bounds = array<i64: 2, 16>, scalar_prefetch = 0 : i64, scratch_operands = 7 : i64, tpu.core_type = #tpu.core_type<sc_vector_subcore>, window_params = [{transform_indices = #map}, {transform_indices = #map1}]} {
    %mul3A = arith.constant 2 : i32
    %mul3A_0 = arith.muli %arg1, %mul3A : i32
    %add3A = arith.addi %mul3A_0, %arg0 : i32
    %broadcast_in_dim3A = arith.constant 0.000000e+00 : f32
    %broadcast_in_dim3A_1 = vector.broadcast %broadcast_in_dim3A : f32 to vector<16xf32>
    %broadcast_in_dim3A_2 = arith.constant 1.000000e+00 : f32
    %broadcast_in_dim3A_3 = vector.broadcast %broadcast_in_dim3A_2 : f32 to vector<16xf32>
    %scan3A = arith.constant 0 : i32
    %scan3A_4 = arith.constant 0 : i32
    %scan3A_5 = arith.constant 640 : i32
    %scan3A_6 = arith.addi %scan3A_4, %scan3A_5 : i32
    %scan3A_7 = arith.constant 1 : i32
    scf.for %scan3A_49 = %scan3A_4 to %scan3A_6 step %scan3A_7  : i32 {
      %jit3A = arith.constant 8 : i32
      %div3A = arith.divsi %scan3A_49, %jit3A : i32
      %sign3A = arith.constant 0 : i32
      %sign3A_50 = arith.cmpi sgt, %scan3A_49, %sign3A : i32
      %sign3A_51 = arith.extui %sign3A_50 : i1 to i32
      %sign3A_52 = arith.constant 0 : i32
      %sign3A_53 = arith.cmpi slt, %scan3A_49, %sign3A_52 : i32
      %sign3A_54 = arith.extui %sign3A_53 : i1 to i32
      %sign3A_55 = arith.subi %sign3A_51, %sign3A_54 : i32
      %sign3A_56 = arith.constant 0 : i32
      %sign3A_57 = arith.cmpi sgt, %jit3A, %sign3A_56 : i32
      %sign3A_58 = arith.extui %sign3A_57 : i1 to i32
      %sign3A_59 = arith.constant 0 : i32
      %sign3A_60 = arith.cmpi slt, %jit3A, %sign3A_59 : i32
      %sign3A_61 = arith.extui %sign3A_60 : i1 to i32
      %sign3A_62 = arith.subi %sign3A_58, %sign3A_61 : i32
      %ne3A = arith.cmpi ne, %sign3A_55, %sign3A_62 : i32
      %rem3A = arith.remsi %scan3A_49, %jit3A : i32
      %ne3A_63 = arith.constant 0 : i32
      %ne3A_64 = arith.cmpi ne, %rem3A, %ne3A_63 : i32
      %and3A = arith.andi %ne3A, %ne3A_64 : i1
      %sub3A = arith.constant 1 : i32
      %sub3A_65 = arith.subi %div3A, %sub3A : i32
      %select_n3A = arith.select %and3A, %sub3A_65, %div3A : i32
      %jit3A_66 = arith.constant 8 : i32
      %eq3A = arith.constant 0 : i32
      %eq3A_67 = arith.cmpi eq, %jit3A_66, %eq3A : i32
      %jit3A_68 = arith.constant 1 : i32
      %select_n3A_69 = arith.select %eq3A_67, %jit3A_68, %jit3A_66 : i32
      %rem3A_70 = arith.remsi %scan3A_49, %select_n3A_69 : i32
      %ne3A_71 = arith.constant 0 : i32
      %ne3A_72 = arith.cmpi ne, %rem3A_70, %ne3A_71 : i32
      %lt3A = arith.constant 0 : i32
      %lt3A_73 = arith.cmpi slt, %rem3A_70, %lt3A : i32
      %lt3A_74 = arith.constant 0 : i32
      %lt3A_75 = arith.cmpi slt, %select_n3A_69, %lt3A_74 : i32
      %ne3A_76 = arith.xori %lt3A_73, %lt3A_75 : i1
      %and3A_77 = arith.andi %ne3A_76, %ne3A_72 : i1
      %add3A_78 = arith.addi %rem3A_70, %select_n3A_69 : i32
      %select_n3A_79 = arith.select %and3A_77, %add3A_78, %rem3A_70 : i32
      %mul3A_80 = arith.constant 16 : i32
      %mul3A_81 = arith.muli %select_n3A_79, %mul3A_80 : i32
      %swap3A = arith.index_cast %select_n3A : i32 to index
      %swap3A_82 = arith.index_cast %mul3A_81 : i32 to index
      %swap3A_83 = tpu.vector_load %arg7[%swap3A, %swap3A_82] {strides = array<i32>} : memref<80x128xf32, #tpu.memory_space<vmem>>, vector<1x16xf32>,
      %swap3A_84 = vector.shape_cast %swap3A_83 : vector<1x16xf32> to vector<16xf32>
      %swap3A_85 = vector.shape_cast %broadcast_in_dim3A_1 : vector<16xf32> to vector<1x16xf32>
      tpu.vector_store %arg7[%swap3A, %swap3A_82], %swap3A_85 {strides = array<i32>} : memref<80x128xf32, #tpu.memory_space<vmem>>, vector<1x16xf32>,
      %mul3A_86 = arith.constant 16 : i32
      %mul3A_87 = arith.muli %select_n3A_79, %mul3A_86 : i32
      %swap3A_88 = arith.index_cast %select_n3A : i32 to index
      %swap3A_89 = arith.index_cast %mul3A_87 : i32 to index
      %swap3A_90 = tpu.vector_load %arg6[%swap3A_88, %swap3A_89] {strides = array<i32>} : memref<80x128xf32, #tpu.memory_space<vmem>>, vector<1x16xf32>,
      %swap3A_91 = vector.shape_cast %swap3A_90 : vector<1x16xf32> to vector<16xf32>
      %swap3A_92 = vector.shape_cast %broadcast_in_dim3A_3 : vector<16xf32> to vector<1x16xf32>
      tpu.vector_store %arg6[%swap3A_88, %swap3A_89], %swap3A_92 {strides = array<i32>} : memref<80x128xf32, #tpu.memory_space<vmem>>, vector<1x16xf32>,
    }
    %scan3A_8 = arith.constant 640 : i32
    %mul3A_9 = arith.constant 640 : i32
    %mul3A_10 = arith.muli %arg1, %mul3A_9 : i32
    %add3A_11 = arith.constant 0 : i32
    %add3A_12 = arith.addi %mul3A_10, %add3A_11 : i32
    "tpu.region"() ({
      %run_scoped3A = tpu.sem_alloc : memref<!tpu.dma_semaphore, #tpu.memory_space<semaphore_mem>>
      %dma_start3A_49 = arith.constant 0 : i32
      %dma_start3A_50 = tpu.memref_slice %arg8[%add3A_12, %dma_start3A_49] : memref<10240x128xf32, #tpu.memory_space<vmem_shared>> -> memref<80x128xf32, #tpu.memory_space<vmem_shared>>
      %dma_start3A_51 = arith.constant 0 : i32
      %dma_start3A_52 = tpu.memref_slice %arg8[%add3A_12, %dma_start3A_51] : memref<10240x128xf32, #tpu.memory_space<vmem_shared>> -> memref<80x128xf32, #tpu.memory_space<vmem_shared>>
      tpu.enqueue_dma source(%arg7 : memref<80x128xf32, #tpu.memory_space<vmem>>) target(%dma_start3A_52 : memref<80x128xf32, #tpu.memory_space<vmem_shared>>) target_semaphore(%run_scoped3A : memref<!tpu.dma_semaphore, #tpu.memory_space<semaphore_mem>>)
      %dma_wait3A_53 = arith.constant 0 : i32
      %dma_wait3A_54 = tpu.memref_slice %arg8[%add3A_12, %dma_wait3A_53] : memref<10240x128xf32, #tpu.memory_space<vmem_shared>> -> memref<80x128xf32, #tpu.memory_space<vmem_shared>>
      %dma_wait3A_55 = arith.constant 0 : i32
      %dma_wait3A_56 = tpu.memref_slice %arg8[%add3A_12, %dma_wait3A_55] : memref<10240x128xf32, #tpu.memory_space<vmem_shared>> -> memref<80x128xf32, #tpu.memory_space<vmem_shared>>
      tpu.wait_dma2 semaphore(%run_scoped3A : memref<!tpu.dma_semaphore, #tpu.memory_space<semaphore_mem>>) src(%arg7 : memref<80x128xf32, #tpu.memory_space<vmem>>) dst(%dma_wait3A_56 : memref<80x128xf32, #tpu.memory_space<vmem_shared>>)
      tpu.yield
    }) : () -> ()
    %add3A_13 = arith.constant 80 : i32
    %add3A_14 = arith.addi %mul3A_10, %add3A_13 : i32
    "tpu.region"() ({
      %run_scoped3A = tpu.sem_alloc : memref<!tpu.dma_semaphore, #tpu.memory_space<semaphore_mem>>
      %dma_start3A_49 = arith.constant 0 : i32
      %dma_start3A_50 = tpu.memref_slice %arg8[%add3A_14, %dma_start3A_49] : memref<10240x128xf32, #tpu.memory_space<vmem_shared>> -> memref<80x128xf32, #tpu.memory_space<vmem_shared>>
      %dma_start3A_51 = arith.constant 0 : i32
      %dma_start3A_52 = tpu.memref_slice %arg8[%add3A_14, %dma_start3A_51] : memref<10240x128xf32, #tpu.memory_space<vmem_shared>> -> memref<80x128xf32, #tpu.memory_space<vmem_shared>>
      tpu.enqueue_dma source(%arg7 : memref<80x128xf32, #tpu.memory_space<vmem>>) target(%dma_start3A_52 : memref<80x128xf32, #tpu.memory_space<vmem_shared>>) target_semaphore(%run_scoped3A : memref<!tpu.dma_semaphore, #tpu.memory_space<semaphore_mem>>)
      %dma_wait3A_53 = arith.constant 0 : i32
      %dma_wait3A_54 = tpu.memref_slice %arg8[%add3A_14, %dma_wait3A_53] : memref<10240x128xf32, #tpu.memory_space<vmem_shared>> -> memref<80x128xf32, #tpu.memory_space<vmem_shared>>
      %dma_wait3A_55 = arith.constant 0 : i32
      %dma_wait3A_56 = tpu.memref_slice %arg8[%add3A_14, %dma_wait3A_55] : memref<10240x128xf32, #tpu.memory_space<vmem_shared>> -> memref<80x128xf32, #tpu.memory_space<vmem_shared>>
      tpu.wait_dma2 semaphore(%run_scoped3A : memref<!tpu.dma_semaphore, #tpu.memory_space<semaphore_mem>>) src(%arg7 : memref<80x128xf32, #tpu.memory_space<vmem>>) dst(%dma_wait3A_56 : memref<80x128xf32, #tpu.memory_space<vmem_shared>>)
      tpu.yield
    }) : () -> ()
    %add3A_15 = arith.constant 160 : i32
    %add3A_16 = arith.addi %mul3A_10, %add3A_15 : i32
    "tpu.region"() ({
      %run_scoped3A = tpu.sem_alloc : memref<!tpu.dma_semaphore, #tpu.memory_space<semaphore_mem>>
      %dma_start3A_49 = arith.constant 0 : i32
      %dma_start3A_50 = tpu.memref_slice %arg8[%add3A_16, %dma_start3A_49] : memref<10240x128xf32, #tpu.memory_space<vmem_shared>> -> memref<80x128xf32, #tpu.memory_space<vmem_shared>>
      %dma_start3A_51 = arith.constant 0 : i32
      %dma_start3A_52 = tpu.memref_slice %arg8[%add3A_16, %dma_start3A_51] : memref<10240x128xf32, #tpu.memory_space<vmem_shared>> -> memref<80x128xf32, #tpu.memory_space<vmem_shared>>
      tpu.enqueue_dma source(%arg7 : memref<80x128xf32, #tpu.memory_space<vmem>>) target(%dma_start3A_52 : memref<80x128xf32, #tpu.memory_space<vmem_shared>>) target_semaphore(%run_scoped3A : memref<!tpu.dma_semaphore, #tpu.memory_space<semaphore_mem>>)
      %dma_wait3A_53 = arith.constant 0 : i32
      %dma_wait3A_54 = tpu.memref_slice %arg8[%add3A_16, %dma_wait3A_53] : memref<10240x128xf32, #tpu.memory_space<vmem_shared>> -> memref<80x128xf32, #tpu.memory_space<vmem_shared>>
      %dma_wait3A_55 = arith.constant 0 : i32
      %dma_wait3A_56 = tpu.memref_slice %arg8[%add3A_16, %dma_wait3A_55] : memref<10240x128xf32, #tpu.memory_space<vmem_shared>> -> memref<80x128xf32, #tpu.memory_space<vmem_shared>>
      tpu.wait_dma2 semaphore(%run_scoped3A : memref<!tpu.dma_semaphore, #tpu.memory_space<semaphore_mem>>) src(%arg7 : memref<80x128xf32, #tpu.memory_space<vmem>>) dst(%dma_wait3A_56 : memref<80x128xf32, #tpu.memory_space<vmem_shared>>)
      tpu.yield
    }) : () -> ()
    %add3A_17 = arith.constant 240 : i32
    %add3A_18 = arith.addi %mul3A_10, %add3A_17 : i32
    "tpu.region"() ({
      %run_scoped3A = tpu.sem_alloc : memref<!tpu.dma_semaphore, #tpu.memory_space<semaphore_mem>>
      %dma_start3A_49 = arith.constant 0 : i32
      %dma_start3A_50 = tpu.memref_slice %arg8[%add3A_18, %dma_start3A_49] : memref<10240x128xf32, #tpu.memory_space<vmem_shared>> -> memref<80x128xf32, #tpu.memory_space<vmem_shared>>
      %dma_start3A_51 = arith.constant 0 : i32
      %dma_start3A_52 = tpu.memref_slice %arg8[%add3A_18, %dma_start3A_51] : memref<10240x128xf32, #tpu.memory_space<vmem_shared>> -> memref<80x128xf32, #tpu.memory_space<vmem_shared>>
      tpu.enqueue_dma source(%arg7 : memref<80x128xf32, #tpu.memory_space<vmem>>) target(%dma_start3A_52 : memref<80x128xf32, #tpu.memory_space<vmem_shared>>) target_semaphore(%run_scoped3A : memref<!tpu.dma_semaphore, #tpu.memory_space<semaphore_mem>>)
      %dma_wait3A_53 = arith.constant 0 : i32
      %dma_wait3A_54 = tpu.memref_slice %arg8[%add3A_18, %dma_wait3A_53] : memref<10240x128xf32, #tpu.memory_space<vmem_shared>> -> memref<80x128xf32, #tpu.memory_space<vmem_shared>>
      %dma_wait3A_55 = arith.constant 0 : i32
      %dma_wait3A_56 = tpu.memref_slice %arg8[%add3A_18, %dma_wait3A_55] : memref<10240x128xf32, #tpu.memory_space<vmem_shared>> -> memref<80x128xf32, #tpu.memory_space<vmem_shared>>
      tpu.wait_dma2 semaphore(%run_scoped3A : memref<!tpu.dma_semaphore, #tpu.memory_space<semaphore_mem>>) src(%arg7 : memref<80x128xf32, #tpu.memory_space<vmem>>) dst(%dma_wait3A_56 : memref<80x128xf32, #tpu.memory_space<vmem_shared>>)
      tpu.yield
    }) : () -> ()
    %add3A_19 = arith.constant 320 : i32
    %add3A_20 = arith.addi %mul3A_10, %add3A_19 : i32
    "tpu.region"() ({
      %run_scoped3A = tpu.sem_alloc : memref<!tpu.dma_semaphore, #tpu.memory_space<semaphore_mem>>
      %dma_start3A_49 = arith.constant 0 : i32
      %dma_start3A_50 = tpu.memref_slice %arg8[%add3A_20, %dma_start3A_49] : memref<10240x128xf32, #tpu.memory_space<vmem_shared>> -> memref<80x128xf32, #tpu.memory_space<vmem_shared>>
      %dma_start3A_51 = arith.constant 0 : i32
      %dma_start3A_52 = tpu.memref_slice %arg8[%add3A_20, %dma_start3A_51] : memref<10240x128xf32, #tpu.memory_space<vmem_shared>> -> memref<80x128xf32, #tpu.memory_space<vmem_shared>>
      tpu.enqueue_dma source(%arg7 : memref<80x128xf32, #tpu.memory_space<vmem>>) target(%dma_start3A_52 : memref<80x128xf32, #tpu.memory_space<vmem_shared>>) target_semaphore(%run_scoped3A : memref<!tpu.dma_semaphore, #tpu.memory_space<semaphore_mem>>)
      %dma_wait3A_53 = arith.constant 0 : i32
      %dma_wait3A_54 = tpu.memref_slice %arg8[%add3A_20, %dma_wait3A_53] : memref<10240x128xf32, #tpu.memory_space<vmem_shared>> -> memref<80x128xf32, #tpu.memory_space<vmem_shared>>
      %dma_wait3A_55 = arith.constant 0 : i32
      %dma_wait3A_56 = tpu.memref_slice %arg8[%add3A_20, %dma_wait3A_55] : memref<10240x128xf32, #tpu.memory_space<vmem_shared>> -> memref<80x128xf32, #tpu.memory_space<vmem_shared>>
      tpu.wait_dma2 semaphore(%run_scoped3A : memref<!tpu.dma_semaphore, #tpu.memory_space<semaphore_mem>>) src(%arg7 : memref<80x128xf32, #tpu.memory_space<vmem>>) dst(%dma_wait3A_56 : memref<80x128xf32, #tpu.memory_space<vmem_shared>>)
      tpu.yield
    }) : () -> ()
    %add3A_21 = arith.constant 400 : i32
    %add3A_22 = arith.addi %mul3A_10, %add3A_21 : i32
    "tpu.region"() ({
      %run_scoped3A = tpu.sem_alloc : memref<!tpu.dma_semaphore, #tpu.memory_space<semaphore_mem>>
      %dma_start3A_49 = arith.constant 0 : i32
      %dma_start3A_50 = tpu.memref_slice %arg8[%add3A_22, %dma_start3A_49] : memref<10240x128xf32, #tpu.memory_space<vmem_shared>> -> memref<80x128xf32, #tpu.memory_space<vmem_shared>>
      %dma_start3A_51 = arith.constant 0 : i32
      %dma_start3A_52 = tpu.memref_slice %arg8[%add3A_22, %dma_start3A_51] : memref<10240x128xf32, #tpu.memory_space<vmem_shared>> -> memref<80x128xf32, #tpu.memory_space<vmem_shared>>
      tpu.enqueue_dma source(%arg7 : memref<80x128xf32, #tpu.memory_space<vmem>>) target(%dma_start3A_52 : memref<80x128xf32, #tpu.memory_space<vmem_shared>>) target_semaphore(%run_scoped3A : memref<!tpu.dma_semaphore, #tpu.memory_space<semaphore_mem>>)
      %dma_wait3A_53 = arith.constant 0 : i32
      %dma_wait3A_54 = tpu.memref_slice %arg8[%add3A_22, %dma_wait3A_53] : memref<10240x128xf32, #tpu.memory_space<vmem_shared>> -> memref<80x128xf32, #tpu.memory_space<vmem_shared>>
      %dma_wait3A_55 = arith.constant 0 : i32
      %dma_wait3A_56 = tpu.memref_slice %arg8[%add3A_22, %dma_wait3A_55] : memref<10240x128xf32, #tpu.memory_space<vmem_shared>> -> memref<80x128xf32, #tpu.memory_space<vmem_shared>>
      tpu.wait_dma2 semaphore(%run_scoped3A : memref<!tpu.dma_semaphore, #tpu.memory_space<semaphore_mem>>) src(%arg7 : memref<80x128xf32, #tpu.memory_space<vmem>>) dst(%dma_wait3A_56 : memref<80x128xf32, #tpu.memory_space<vmem_shared>>)
      tpu.yield
    }) : () -> ()
    %add3A_23 = arith.constant 480 : i32
    %add3A_24 = arith.addi %mul3A_10, %add3A_23 : i32
    "tpu.region"() ({
      %run_scoped3A = tpu.sem_alloc : memref<!tpu.dma_semaphore, #tpu.memory_space<semaphore_mem>>
      %dma_start3A_49 = arith.constant 0 : i32
      %dma_start3A_50 = tpu.memref_slice %arg8[%add3A_24, %dma_start3A_49] : memref<10240x128xf32, #tpu.memory_space<vmem_shared>> -> memref<80x128xf32, #tpu.memory_space<vmem_shared>>
      %dma_start3A_51 = arith.constant 0 : i32
      %dma_start3A_52 = tpu.memref_slice %arg8[%add3A_24, %dma_start3A_51] : memref<10240x128xf32, #tpu.memory_space<vmem_shared>> -> memref<80x128xf32, #tpu.memory_space<vmem_shared>>
      tpu.enqueue_dma source(%arg7 : memref<80x128xf32, #tpu.memory_space<vmem>>) target(%dma_start3A_52 : memref<80x128xf32, #tpu.memory_space<vmem_shared>>) target_semaphore(%run_scoped3A : memref<!tpu.dma_semaphore, #tpu.memory_space<semaphore_mem>>)
      %dma_wait3A_53 = arith.constant 0 : i32
      %dma_wait3A_54 = tpu.memref_slice %arg8[%add3A_24, %dma_wait3A_53] : memref<10240x128xf32, #tpu.memory_space<vmem_shared>> -> memref<80x128xf32, #tpu.memory_space<vmem_shared>>
      %dma_wait3A_55 = arith.constant 0 : i32
      %dma_wait3A_56 = tpu.memref_slice %arg8[%add3A_24, %dma_wait3A_55] : memref<10240x128xf32, #tpu.memory_space<vmem_shared>> -> memref<80x128xf32, #tpu.memory_space<vmem_shared>>
      tpu.wait_dma2 semaphore(%run_scoped3A : memref<!tpu.dma_semaphore, #tpu.memory_space<semaphore_mem>>) src(%arg7 : memref<80x128xf32, #tpu.memory_space<vmem>>) dst(%dma_wait3A_56 : memref<80x128xf32, #tpu.memory_space<vmem_shared>>)
      tpu.yield
    }) : () -> ()
    %add3A_25 = arith.constant 560 : i32
    %add3A_26 = arith.addi %mul3A_10, %add3A_25 : i32
    "tpu.region"() ({
      %run_scoped3A = tpu.sem_alloc : memref<!tpu.dma_semaphore, #tpu.memory_space<semaphore_mem>>
      %dma_start3A_49 = arith.constant 0 : i32
      %dma_start3A_50 = tpu.memref_slice %arg8[%add3A_26, %dma_start3A_49] : memref<10240x128xf32, #tpu.memory_space<vmem_shared>> -> memref<80x128xf32, #tpu.memory_space<vmem_shared>>
      %dma_start3A_51 = arith.constant 0 : i32
      %dma_start3A_52 = tpu.memref_slice %arg8[%add3A_26, %dma_start3A_51] : memref<10240x128xf32, #tpu.memory_space<vmem_shared>> -> memref<80x128xf32, #tpu.memory_space<vmem_shared>>
      tpu.enqueue_dma source(%arg7 : memref<80x128xf32, #tpu.memory_space<vmem>>) target(%dma_start3A_52 : memref<80x128xf32, #tpu.memory_space<vmem_shared>>) target_semaphore(%run_scoped3A : memref<!tpu.dma_semaphore, #tpu.memory_space<semaphore_mem>>)
      %dma_wait3A_53 = arith.constant 0 : i32
      %dma_wait3A_54 = tpu.memref_slice %arg8[%add3A_26, %dma_wait3A_53] : memref<10240x128xf32, #tpu.memory_space<vmem_shared>> -> memref<80x128xf32, #tpu.memory_space<vmem_shared>>
      %dma_wait3A_55 = arith.constant 0 : i32
      %dma_wait3A_56 = tpu.memref_slice %arg8[%add3A_26, %dma_wait3A_55] : memref<10240x128xf32, #tpu.memory_space<vmem_shared>> -> memref<80x128xf32, #tpu.memory_space<vmem_shared>>
      tpu.wait_dma2 semaphore(%run_scoped3A : memref<!tpu.dma_semaphore, #tpu.memory_space<semaphore_mem>>) src(%arg7 : memref<80x128xf32, #tpu.memory_space<vmem>>) dst(%dma_wait3A_56 : memref<80x128xf32, #tpu.memory_space<vmem_shared>>)
      tpu.yield
    }) : () -> ()
    %barrier3A = arith.constant 0 : index
    tpu.barrier barrier_id(%barrier3A)
    %mul3A_27 = arith.constant 10000 : i32
    %mul3A_28 = arith.muli %add3A, %mul3A_27 : i32
    %add3A_29 = arith.constant 0 : i32
    %add3A_30 = arith.addi %mul3A_28, %add3A_29 : i32
    %min3A = arith.constant 319920 : i32
    %min3A_31 = arith.minsi %add3A_30, %min3A : i32
    %dma_start3A = tpu.memref_slice %arg2[%min3A_31] : memref<320000xi32, #tpu.memory_space<hbm>> -> memref<80xi32, #tpu.memory_space<hbm>>
    %dma_start3A_32 = tpu.memref_slice %arg2[%min3A_31] : memref<320000xi32, #tpu.memory_space<hbm>> -> memref<80xi32, #tpu.memory_space<hbm>>
    tpu.enqueue_dma source(%dma_start3A_32 : memref<80xi32, #tpu.memory_space<hbm>>) target(%arg4 : memref<80xi32, #tpu.memory_space<vmem>>) target_semaphore(%arg9 : memref<!tpu.dma_semaphore, #tpu.memory_space<semaphore_mem>>)
    %add3A_33 = arith.constant 80 : i32
    %add3A_34 = arith.addi %mul3A_28, %add3A_33 : i32
    %min3A_35 = arith.constant 319920 : i32
    %min3A_36 = arith.minsi %add3A_34, %min3A_35 : i32
    %dma_start3A_37 = tpu.memref_slice %arg2[%min3A_36] : memref<320000xi32, #tpu.memory_space<hbm>> -> memref<80xi32, #tpu.memory_space<hbm>>
    %dma_start3A_38 = tpu.memref_slice %arg2[%min3A_36] : memref<320000xi32, #tpu.memory_space<hbm>> -> memref<80xi32, #tpu.memory_space<hbm>>
    tpu.enqueue_dma source(%dma_start3A_38 : memref<80xi32, #tpu.memory_space<hbm>>) target(%arg5 : memref<80xi32, #tpu.memory_space<vmem>>) target_semaphore(%arg10 : memref<!tpu.dma_semaphore, #tpu.memory_space<semaphore_mem>>)
    %scan3A_39 = arith.constant 0 : i32
    %scan3A_40 = arith.constant 0 : i32
    %scan3A_41 = arith.constant 62 : i32
    %scan3A_42 = arith.addi %scan3A_40, %scan3A_41 : i32
    %scan3A_43 = arith.constant 1 : i32
    scf.for %scan3A_49 = %scan3A_40 to %scan3A_42 step %scan3A_43  : i32 {
      %mul3A_50 = arith.constant 2 : i32
      %mul3A_51 = arith.muli %mul3A_50, %scan3A_49 : i32
      %dma_wait3A_52 = tpu.memref_slice %arg2[%min3A_31] : memref<320000xi32, #tpu.memory_space<hbm>> -> memref<80xi32, #tpu.memory_space<hbm>>
      %dma_wait3A_53 = tpu.memref_slice %arg2[%min3A_31] : memref<320000xi32, #tpu.memory_space<hbm>> -> memref<80xi32, #tpu.memory_space<hbm>>
      tpu.wait_dma2 semaphore(%arg9 : memref<!tpu.dma_semaphore, #tpu.memory_space<semaphore_mem>>) src(%dma_wait3A_53 : memref<80xi32, #tpu.memory_space<hbm>>) dst(%arg4 : memref<80xi32, #tpu.memory_space<vmem>>)
      "tpu.region"() ({
        %run_scoped3A = tpu.sem_alloc : memref<!tpu.dma_semaphore, #tpu.memory_space<semaphore_mem>>
        %dma_start3A_74 = arith.constant 0 : i32
        %dma_start3A_75 = arith.constant 0 : i32
        %dma_start3A_76 = tpu.memref_slice %arg8[%dma_start3A_74, %dma_start3A_75] : memref<10240x128xf32, #tpu.memory_space<vmem_shared>> -> memref<10240x128xf32, #tpu.memory_space<vmem_shared>>
        tpu.enqueue_indirect_dma source(%arg6 : memref<80x128xf32, #tpu.memory_space<vmem>>) target(%dma_start3A_76 : memref<10240x128xf32, #tpu.memory_space<vmem_shared>>) offsets(%arg4 : memref<80xi32, #tpu.memory_space<vmem>>) semaphore(%run_scoped3A : memref<!tpu.dma_semaphore, #tpu.memory_space<semaphore_mem>>) {add = true}
        %dma_wait3A_77 = arith.constant 0 : i32
        %dma_wait3A_78 = arith.constant 0 : i32
        %dma_wait3A_79 = tpu.memref_slice %arg8[%dma_wait3A_77, %dma_wait3A_78] : memref<10240x128xf32, #tpu.memory_space<vmem_shared>> -> memref<10240x128xf32, #tpu.memory_space<vmem_shared>>
        tpu.wait_indirect_dma semaphore(%run_scoped3A : memref<!tpu.dma_semaphore, #tpu.memory_space<semaphore_mem>>) src(%arg6 : memref<80x128xf32, #tpu.memory_space<vmem>>) dst(%dma_wait3A_79 : memref<10240x128xf32, #tpu.memory_space<vmem_shared>>)
        tpu.yield
      }) : () -> ()
      %add3A_54 = arith.constant 2 : i32
      %add3A_55 = arith.addi %mul3A_51, %add3A_54 : i32
      %mul3A_56 = arith.constant 80 : i32
      %mul3A_57 = arith.muli %add3A_55, %mul3A_56 : i32
      %add3A_58 = arith.addi %mul3A_28, %mul3A_57 : i32
      %min3A_59 = arith.constant 319920 : i32
      %min3A_60 = arith.minsi %add3A_58, %min3A_59 : i32
      %dma_start3A_61 = tpu.memref_slice %arg2[%min3A_60] : memref<320000xi32, #tpu.memory_space<hbm>> -> memref<80xi32, #tpu.memory_space<hbm>>
      %dma_start3A_62 = tpu.memref_slice %arg2[%min3A_60] : memref<320000xi32, #tpu.memory_space<hbm>> -> memref<80xi32, #tpu.memory_space<hbm>>
      tpu.enqueue_dma source(%dma_start3A_62 : memref<80xi32, #tpu.memory_space<hbm>>) target(%arg4 : memref<80xi32, #tpu.memory_space<vmem>>) target_semaphore(%arg9 : memref<!tpu.dma_semaphore, #tpu.memory_space<semaphore_mem>>)
      %dma_wait3A_63 = tpu.memref_slice %arg2[%min3A_36] : memref<320000xi32, #tpu.memory_space<hbm>> -> memref<80xi32, #tpu.memory_space<hbm>>
      %dma_wait3A_64 = tpu.memref_slice %arg2[%min3A_36] : memref<320000xi32, #tpu.memory_space<hbm>> -> memref<80xi32, #tpu.memory_space<hbm>>
      tpu.wait_dma2 semaphore(%arg10 : memref<!tpu.dma_semaphore, #tpu.memory_space<semaphore_mem>>) src(%dma_wait3A_64 : memref<80xi32, #tpu.memory_space<hbm>>) dst(%arg5 : memref<80xi32, #tpu.memory_space<vmem>>)
      "tpu.region"() ({
        %run_scoped3A = tpu.sem_alloc : memref<!tpu.dma_semaphore, #tpu.memory_space<semaphore_mem>>
        %dma_start3A_74 = arith.constant 0 : i32
        %dma_start3A_75 = arith.constant 0 : i32
        %dma_start3A_76 = tpu.memref_slice %arg8[%dma_start3A_74, %dma_start3A_75] : memref<10240x128xf32, #tpu.memory_space<vmem_shared>> -> memref<10240x128xf32, #tpu.memory_space<vmem_shared>>
        tpu.enqueue_indirect_dma source(%arg6 : memref<80x128xf32, #tpu.memory_space<vmem>>) target(%dma_start3A_76 : memref<10240x128xf32, #tpu.memory_space<vmem_shared>>) offsets(%arg5 : memref<80xi32, #tpu.memory_space<vmem>>) semaphore(%run_scoped3A : memref<!tpu.dma_semaphore, #tpu.memory_space<semaphore_mem>>) {add = true}
        %dma_wait3A_77 = arith.constant 0 : i32
        %dma_wait3A_78 = arith.constant 0 : i32
        %dma_wait3A_79 = tpu.memref_slice %arg8[%dma_wait3A_77, %dma_wait3A_78] : memref<10240x128xf32, #tpu.memory_space<vmem_shared>> -> memref<10240x128xf32, #tpu.memory_space<vmem_shared>>
        tpu.wait_indirect_dma semaphore(%run_scoped3A : memref<!tpu.dma_semaphore, #tpu.memory_space<semaphore_mem>>) src(%arg6 : memref<80x128xf32, #tpu.memory_space<vmem>>) dst(%dma_wait3A_79 : memref<10240x128xf32, #tpu.memory_space<vmem_shared>>)
        tpu.yield
      }) : () -> ()
      %add3A_65 = arith.constant 3 : i32
      %add3A_66 = arith.addi %mul3A_51, %add3A_65 : i32
      %mul3A_67 = arith.constant 80 : i32
      %mul3A_68 = arith.muli %add3A_66, %mul3A_67 : i32
      %add3A_69 = arith.addi %mul3A_28, %mul3A_68 : i32
      %min3A_70 = arith.constant 319920 : i32
      %min3A_71 = arith.minsi %add3A_69, %min3A_70 : i32
      %dma_start3A_72 = tpu.memref_slice %arg2[%min3A_71] : memref<320000xi32, #tpu.memory_space<hbm>> -> memref<80xi32, #tpu.memory_space<hbm>>
      %dma_start3A_73 = tpu.memref_slice %arg2[%min3A_71] : memref<320000xi32, #tpu.memory_space<hbm>> -> memref<80xi32, #tpu.memory_space<hbm>>
      tpu.enqueue_dma source(%dma_start3A_73 : memref<80xi32, #tpu.memory_space<hbm>>) target(%arg5 : memref<80xi32, #tpu.memory_space<vmem>>) target_semaphore(%arg10 : memref<!tpu.dma_semaphore, #tpu.memory_space<semaphore_mem>>)
    }
    %scan3A_44 = arith.constant 62 : i32
    %dma_wait3A = tpu.memref_slice %arg2[%min3A_31] : memref<320000xi32, #tpu.memory_space<hbm>> -> memref<80xi32, #tpu.memory_space<hbm>>
    %dma_wait3A_45 = tpu.memref_slice %arg2[%min3A_31] : memref<320000xi32, #tpu.memory_space<hbm>> -> memref<80xi32, #tpu.memory_space<hbm>>
    tpu.wait_dma2 semaphore(%arg9 : memref<!tpu.dma_semaphore, #tpu.memory_space<semaphore_mem>>) src(%dma_wait3A_45 : memref<80xi32, #tpu.memory_space<hbm>>) dst(%arg4 : memref<80xi32, #tpu.memory_space<vmem>>)
    "tpu.region"() ({
      %run_scoped3A = tpu.sem_alloc : memref<!tpu.dma_semaphore, #tpu.memory_space<semaphore_mem>>
      %dma_start3A_49 = arith.constant 0 : i32
      %dma_start3A_50 = arith.constant 0 : i32
      %dma_start3A_51 = tpu.memref_slice %arg8[%dma_start3A_49, %dma_start3A_50] : memref<10240x128xf32, #tpu.memory_space<vmem_shared>> -> memref<10240x128xf32, #tpu.memory_space<vmem_shared>>
      tpu.enqueue_indirect_dma source(%arg6 : memref<80x128xf32, #tpu.memory_space<vmem>>) target(%dma_start3A_51 : memref<10240x128xf32, #tpu.memory_space<vmem_shared>>) offsets(%arg4 : memref<80xi32, #tpu.memory_space<vmem>>) semaphore(%run_scoped3A : memref<!tpu.dma_semaphore, #tpu.memory_space<semaphore_mem>>) {add = true}
      %dma_wait3A_52 = arith.constant 0 : i32
      %dma_wait3A_53 = arith.constant 0 : i32
      %dma_wait3A_54 = tpu.memref_slice %arg8[%dma_wait3A_52, %dma_wait3A_53] : memref<10240x128xf32, #tpu.memory_space<vmem_shared>> -> memref<10240x128xf32, #tpu.memory_space<vmem_shared>>
      tpu.wait_indirect_dma semaphore(%run_scoped3A : memref<!tpu.dma_semaphore, #tpu.memory_space<semaphore_mem>>) src(%arg6 : memref<80x128xf32, #tpu.memory_space<vmem>>) dst(%dma_wait3A_54 : memref<10240x128xf32, #tpu.memory_space<vmem_shared>>)
      tpu.yield
    }) : () -> ()
    %dma_wait3A_46 = tpu.memref_slice %arg2[%min3A_36] : memref<320000xi32, #tpu.memory_space<hbm>> -> memref<80xi32, #tpu.memory_space<hbm>>
    %dma_wait3A_47 = tpu.memref_slice %arg2[%min3A_36] : memref<320000xi32, #tpu.memory_space<hbm>> -> memref<80xi32, #tpu.memory_space<hbm>>
    tpu.wait_dma2 semaphore(%arg10 : memref<!tpu.dma_semaphore, #tpu.memory_space<semaphore_mem>>) src(%dma_wait3A_47 : memref<80xi32, #tpu.memory_space<hbm>>) dst(%arg5 : memref<80xi32, #tpu.memory_space<vmem>>)
    %barrier3A_48 = arith.constant 0 : index
    tpu.barrier barrier_id(%barrier3A_48)
    "tpu.region"() ({
      %run_scoped3A = tpu.sem_alloc : memref<!tpu.dma_semaphore, #tpu.memory_space<semaphore_mem>>
      %dma_start3A_49 = arith.constant 0 : i32
      %dma_start3A_50 = tpu.memref_slice %arg3[%arg0, %mul3A_10, %dma_start3A_49] : memref<2x10240x128xf32, #tpu.memory_space<hbm>> -> memref<1x640x128xf32, #tpu.memory_space<hbm>>
      %dma_start3A_51 = tpu.memref_squeeze %dma_start3A_50 : memref<1x640x128xf32, #tpu.memory_space<hbm>> -> memref<640x128xf32, #tpu.memory_space<hbm>>
      %dma_start3A_52 = arith.constant 0 : i32
      %dma_start3A_53 = tpu.memref_slice %arg8[%mul3A_10, %dma_start3A_52] : memref<10240x128xf32, #tpu.memory_space<vmem_shared>> -> memref<640x128xf32, #tpu.memory_space<vmem_shared>>
      tpu.enqueue_dma source(%dma_start3A_53 : memref<640x128xf32, #tpu.memory_space<vmem_shared>>) target(%dma_start3A_51 : memref<640x128xf32, #tpu.memory_space<hbm>>) target_semaphore(%run_scoped3A : memref<!tpu.dma_semaphore, #tpu.memory_space<semaphore_mem>>)
      %dma_wait3A_54 = arith.constant 0 : i32
      %dma_wait3A_55 = tpu.memref_slice %arg3[%arg0, %mul3A_10, %dma_wait3A_54] : memref<2x10240x128xf32, #tpu.memory_space<hbm>> -> memref<1x640x128xf32, #tpu.memory_space<hbm>>
      %dma_wait3A_56 = tpu.memref_squeeze %dma_wait3A_55 : memref<1x640x128xf32, #tpu.memory_space<hbm>> -> memref<640x128xf32, #tpu.memory_space<hbm>>
      %dma_wait3A_57 = arith.constant 0 : i32
      %dma_wait3A_58 = tpu.memref_slice %arg8[%mul3A_10, %dma_wait3A_57] : memref<10240x128xf32, #tpu.memory_space<vmem_shared>> -> memref<640x128xf32, #tpu.memory_space<vmem_shared>>
      tpu.wait_dma2 semaphore(%run_scoped3A : memref<!tpu.dma_semaphore, #tpu.memory_space<semaphore_mem>>) src(%dma_wait3A_58 : memref<640x128xf32, #tpu.memory_space<vmem_shared>>) dst(%dma_wait3A_56 : memref<640x128xf32, #tpu.memory_space<hbm>>)
      tpu.yield
    }) : () -> ()
    return
  }
}

#map = affine_map<(d0, d1) -> (0, 0)>
#map1 = affine_map<(d0, d1) -> (0)>
#map2 = affine_map<(d0, d1) -> (0, 0, 0)>
module attributes {stable_mosaic.version = 14 : i64} {
  func.func @_sc_agg_body(%arg0: i32, %arg1: i32, %arg2: memref<10000x128xf32, #tpu.memory_space<hbm>>, %arg3: memref<320000xi32, #tpu.memory_space<hbm>>, %arg4: memref<320000xi32, #tpu.memory_space<hbm>>, %arg5: memref<2x10240x128xf32, #tpu.memory_space<hbm>>, %arg6: memref<128xi32, #tpu.memory_space<vmem>>, %arg7: memref<128xi32, #tpu.memory_space<vmem>>, %arg8: memref<128x128xf32, #tpu.memory_space<vmem>>, %arg9: memref<128xi32, #tpu.memory_space<vmem>>, %arg10: memref<128xi32, #tpu.memory_space<vmem>>, %arg11: memref<128x128xf32, #tpu.memory_space<vmem>>, %arg12: memref<16xi32, #tpu.memory_space<vmem>>, %arg13: memref<16xi32, #tpu.memory_space<vmem>>, %arg14: memref<16x128xf32, #tpu.memory_space<vmem>>, %arg15: memref<10240x128xf32, #tpu.memory_space<vmem_shared>>, %arg16: memref<!tpu.dma_semaphore, #tpu.memory_space<semaphore_mem>>, %arg17: memref<!tpu.dma_semaphore, #tpu.memory_space<semaphore_mem>>, %arg18: memref<!tpu.dma_semaphore, #tpu.memory_space<semaphore_mem>>, %arg19: memref<!tpu.dma_semaphore, #tpu.memory_space<semaphore_mem>>) attributes {dimension_semantics = [#tpu.dimension_semantics<core_parallel>, #tpu.dimension_semantics<subcore_parallel>], iteration_bounds = array<i64: 2, 16>, scalar_prefetch = 0 : i64, scratch_operands = 14 : i64, tpu.core_type = #tpu.core_type<sc_vector_subcore>, window_params = [{transform_indices = #map}, {transform_indices = #map1}, {transform_indices = #map1}, {transform_indices = #map2}]} {
    %mul3A = arith.constant 2 : i32
    %mul3A_0 = arith.muli %arg1, %mul3A : i32
    %add3A = arith.addi %mul3A_0, %arg0 : i32
    %broadcast_in_dim3A = arith.constant 0.000000e+00 : f32
    %broadcast_in_dim3A_1 = vector.broadcast %broadcast_in_dim3A : f32 to vector<16xf32>
    %scan3A = arith.constant 0 : i32
    %scan3A_2 = arith.constant 0 : i32
    %scan3A_3 = arith.constant 1024 : i32
    %scan3A_4 = arith.addi %scan3A_2, %scan3A_3 : i32
    %scan3A_5 = arith.constant 1 : i32
    scf.for %scan3A_66 = %scan3A_2 to %scan3A_4 step %scan3A_5  : i32 {
      %jit3A = arith.constant 8 : i32
      %div3A = arith.divsi %scan3A_66, %jit3A : i32
      %sign3A = arith.constant 0 : i32
      %sign3A_67 = arith.cmpi sgt, %scan3A_66, %sign3A : i32
      %sign3A_68 = arith.extui %sign3A_67 : i1 to i32
      %sign3A_69 = arith.constant 0 : i32
      %sign3A_70 = arith.cmpi slt, %scan3A_66, %sign3A_69 : i32
      %sign3A_71 = arith.extui %sign3A_70 : i1 to i32
      %sign3A_72 = arith.subi %sign3A_68, %sign3A_71 : i32
      %sign3A_73 = arith.constant 0 : i32
      %sign3A_74 = arith.cmpi sgt, %jit3A, %sign3A_73 : i32
      %sign3A_75 = arith.extui %sign3A_74 : i1 to i32
      %sign3A_76 = arith.constant 0 : i32
      %sign3A_77 = arith.cmpi slt, %jit3A, %sign3A_76 : i32
      %sign3A_78 = arith.extui %sign3A_77 : i1 to i32
      %sign3A_79 = arith.subi %sign3A_75, %sign3A_78 : i32
      %ne3A = arith.cmpi ne, %sign3A_72, %sign3A_79 : i32
      %rem3A = arith.remsi %scan3A_66, %jit3A : i32
      %ne3A_80 = arith.constant 0 : i32
      %ne3A_81 = arith.cmpi ne, %rem3A, %ne3A_80 : i32
      %and3A = arith.andi %ne3A, %ne3A_81 : i1
      %sub3A = arith.constant 1 : i32
      %sub3A_82 = arith.subi %div3A, %sub3A : i32
      %select_n3A = arith.select %and3A, %sub3A_82, %div3A : i32
      %jit3A_83 = arith.constant 8 : i32
      %eq3A = arith.constant 0 : i32
      %eq3A_84 = arith.cmpi eq, %jit3A_83, %eq3A : i32
      %jit3A_85 = arith.constant 1 : i32
      %select_n3A_86 = arith.select %eq3A_84, %jit3A_85, %jit3A_83 : i32
      %rem3A_87 = arith.remsi %scan3A_66, %select_n3A_86 : i32
      %ne3A_88 = arith.constant 0 : i32
      %ne3A_89 = arith.cmpi ne, %rem3A_87, %ne3A_88 : i32
      %lt3A = arith.constant 0 : i32
      %lt3A_90 = arith.cmpi slt, %rem3A_87, %lt3A : i32
      %lt3A_91 = arith.constant 0 : i32
      %lt3A_92 = arith.cmpi slt, %select_n3A_86, %lt3A_91 : i32
      %ne3A_93 = arith.xori %lt3A_90, %lt3A_92 : i1
      %and3A_94 = arith.andi %ne3A_93, %ne3A_89 : i1
      %add3A_95 = arith.addi %rem3A_87, %select_n3A_86 : i32
      %select_n3A_96 = arith.select %and3A_94, %add3A_95, %rem3A_87 : i32
      %mul3A_97 = arith.constant 16 : i32
      %mul3A_98 = arith.muli %select_n3A_96, %mul3A_97 : i32
      %swap3A = arith.index_cast %select_n3A : i32 to index
      %swap3A_99 = arith.index_cast %mul3A_98 : i32 to index
      %swap3A_100 = tpu.vector_load %arg8[%swap3A, %swap3A_99] {strides = array<i32>} : memref<128x128xf32, #tpu.memory_space<vmem>>, vector<1x16xf32>,
      %swap3A_101 = vector.shape_cast %swap3A_100 : vector<1x16xf32> to vector<16xf32>
      %swap3A_102 = vector.shape_cast %broadcast_in_dim3A_1 : vector<16xf32> to vector<1x16xf32>
      tpu.vector_store %arg8[%swap3A, %swap3A_99], %swap3A_102 {strides = array<i32>} : memref<128x128xf32, #tpu.memory_space<vmem>>, vector<1x16xf32>,
    }
    %scan3A_6 = arith.constant 1024 : i32
    %mul3A_7 = arith.constant 640 : i32
    %mul3A_8 = arith.muli %arg1, %mul3A_7 : i32
    %add3A_9 = arith.constant 0 : i32
    %add3A_10 = arith.addi %mul3A_8, %add3A_9 : i32
    "tpu.region"() ({
      %run_scoped3A = tpu.sem_alloc : memref<!tpu.dma_semaphore, #tpu.memory_space<semaphore_mem>>
      %dma_start3A_66 = arith.constant 0 : i32
      %dma_start3A_67 = tpu.memref_slice %arg15[%add3A_10, %dma_start3A_66] : memref<10240x128xf32, #tpu.memory_space<vmem_shared>> -> memref<128x128xf32, #tpu.memory_space<vmem_shared>>
      %dma_start3A_68 = arith.constant 0 : i32
      %dma_start3A_69 = tpu.memref_slice %arg15[%add3A_10, %dma_start3A_68] : memref<10240x128xf32, #tpu.memory_space<vmem_shared>> -> memref<128x128xf32, #tpu.memory_space<vmem_shared>>
      tpu.enqueue_dma source(%arg8 : memref<128x128xf32, #tpu.memory_space<vmem>>) target(%dma_start3A_69 : memref<128x128xf32, #tpu.memory_space<vmem_shared>>) target_semaphore(%run_scoped3A : memref<!tpu.dma_semaphore, #tpu.memory_space<semaphore_mem>>)
      %dma_wait3A_70 = arith.constant 0 : i32
      %dma_wait3A_71 = tpu.memref_slice %arg15[%add3A_10, %dma_wait3A_70] : memref<10240x128xf32, #tpu.memory_space<vmem_shared>> -> memref<128x128xf32, #tpu.memory_space<vmem_shared>>
      %dma_wait3A_72 = arith.constant 0 : i32
      %dma_wait3A_73 = tpu.memref_slice %arg15[%add3A_10, %dma_wait3A_72] : memref<10240x128xf32, #tpu.memory_space<vmem_shared>> -> memref<128x128xf32, #tpu.memory_space<vmem_shared>>
      tpu.wait_dma2 semaphore(%run_scoped3A : memref<!tpu.dma_semaphore, #tpu.memory_space<semaphore_mem>>) src(%arg8 : memref<128x128xf32, #tpu.memory_space<vmem>>) dst(%dma_wait3A_73 : memref<128x128xf32, #tpu.memory_space<vmem_shared>>)
      tpu.yield
    }) : () -> ()
    %add3A_11 = arith.constant 128 : i32
    %add3A_12 = arith.addi %mul3A_8, %add3A_11 : i32
    "tpu.region"() ({
      %run_scoped3A = tpu.sem_alloc : memref<!tpu.dma_semaphore, #tpu.memory_space<semaphore_mem>>
      %dma_start3A_66 = arith.constant 0 : i32
      %dma_start3A_67 = tpu.memref_slice %arg15[%add3A_12, %dma_start3A_66] : memref<10240x128xf32, #tpu.memory_space<vmem_shared>> -> memref<128x128xf32, #tpu.memory_space<vmem_shared>>
      %dma_start3A_68 = arith.constant 0 : i32
      %dma_start3A_69 = tpu.memref_slice %arg15[%add3A_12, %dma_start3A_68] : memref<10240x128xf32, #tpu.memory_space<vmem_shared>> -> memref<128x128xf32, #tpu.memory_space<vmem_shared>>
      tpu.enqueue_dma source(%arg8 : memref<128x128xf32, #tpu.memory_space<vmem>>) target(%dma_start3A_69 : memref<128x128xf32, #tpu.memory_space<vmem_shared>>) target_semaphore(%run_scoped3A : memref<!tpu.dma_semaphore, #tpu.memory_space<semaphore_mem>>)
      %dma_wait3A_70 = arith.constant 0 : i32
      %dma_wait3A_71 = tpu.memref_slice %arg15[%add3A_12, %dma_wait3A_70] : memref<10240x128xf32, #tpu.memory_space<vmem_shared>> -> memref<128x128xf32, #tpu.memory_space<vmem_shared>>
      %dma_wait3A_72 = arith.constant 0 : i32
      %dma_wait3A_73 = tpu.memref_slice %arg15[%add3A_12, %dma_wait3A_72] : memref<10240x128xf32, #tpu.memory_space<vmem_shared>> -> memref<128x128xf32, #tpu.memory_space<vmem_shared>>
      tpu.wait_dma2 semaphore(%run_scoped3A : memref<!tpu.dma_semaphore, #tpu.memory_space<semaphore_mem>>) src(%arg8 : memref<128x128xf32, #tpu.memory_space<vmem>>) dst(%dma_wait3A_73 : memref<128x128xf32, #tpu.memory_space<vmem_shared>>)
      tpu.yield
    }) : () -> ()
    %add3A_13 = arith.constant 256 : i32
    %add3A_14 = arith.addi %mul3A_8, %add3A_13 : i32
    "tpu.region"() ({
      %run_scoped3A = tpu.sem_alloc : memref<!tpu.dma_semaphore, #tpu.memory_space<semaphore_mem>>
      %dma_start3A_66 = arith.constant 0 : i32
      %dma_start3A_67 = tpu.memref_slice %arg15[%add3A_14, %dma_start3A_66] : memref<10240x128xf32, #tpu.memory_space<vmem_shared>> -> memref<128x128xf32, #tpu.memory_space<vmem_shared>>
      %dma_start3A_68 = arith.constant 0 : i32
      %dma_start3A_69 = tpu.memref_slice %arg15[%add3A_14, %dma_start3A_68] : memref<10240x128xf32, #tpu.memory_space<vmem_shared>> -> memref<128x128xf32, #tpu.memory_space<vmem_shared>>
      tpu.enqueue_dma source(%arg8 : memref<128x128xf32, #tpu.memory_space<vmem>>) target(%dma_start3A_69 : memref<128x128xf32, #tpu.memory_space<vmem_shared>>) target_semaphore(%run_scoped3A : memref<!tpu.dma_semaphore, #tpu.memory_space<semaphore_mem>>)
      %dma_wait3A_70 = arith.constant 0 : i32
      %dma_wait3A_71 = tpu.memref_slice %arg15[%add3A_14, %dma_wait3A_70] : memref<10240x128xf32, #tpu.memory_space<vmem_shared>> -> memref<128x128xf32, #tpu.memory_space<vmem_shared>>
      %dma_wait3A_72 = arith.constant 0 : i32
      %dma_wait3A_73 = tpu.memref_slice %arg15[%add3A_14, %dma_wait3A_72] : memref<10240x128xf32, #tpu.memory_space<vmem_shared>> -> memref<128x128xf32, #tpu.memory_space<vmem_shared>>
      tpu.wait_dma2 semaphore(%run_scoped3A : memref<!tpu.dma_semaphore, #tpu.memory_space<semaphore_mem>>) src(%arg8 : memref<128x128xf32, #tpu.memory_space<vmem>>) dst(%dma_wait3A_73 : memref<128x128xf32, #tpu.memory_space<vmem_shared>>)
      tpu.yield
    }) : () -> ()
    %add3A_15 = arith.constant 384 : i32
    %add3A_16 = arith.addi %mul3A_8, %add3A_15 : i32
    "tpu.region"() ({
      %run_scoped3A = tpu.sem_alloc : memref<!tpu.dma_semaphore, #tpu.memory_space<semaphore_mem>>
      %dma_start3A_66 = arith.constant 0 : i32
      %dma_start3A_67 = tpu.memref_slice %arg15[%add3A_16, %dma_start3A_66] : memref<10240x128xf32, #tpu.memory_space<vmem_shared>> -> memref<128x128xf32, #tpu.memory_space<vmem_shared>>
      %dma_start3A_68 = arith.constant 0 : i32
      %dma_start3A_69 = tpu.memref_slice %arg15[%add3A_16, %dma_start3A_68] : memref<10240x128xf32, #tpu.memory_space<vmem_shared>> -> memref<128x128xf32, #tpu.memory_space<vmem_shared>>
      tpu.enqueue_dma source(%arg8 : memref<128x128xf32, #tpu.memory_space<vmem>>) target(%dma_start3A_69 : memref<128x128xf32, #tpu.memory_space<vmem_shared>>) target_semaphore(%run_scoped3A : memref<!tpu.dma_semaphore, #tpu.memory_space<semaphore_mem>>)
      %dma_wait3A_70 = arith.constant 0 : i32
      %dma_wait3A_71 = tpu.memref_slice %arg15[%add3A_16, %dma_wait3A_70] : memref<10240x128xf32, #tpu.memory_space<vmem_shared>> -> memref<128x128xf32, #tpu.memory_space<vmem_shared>>
      %dma_wait3A_72 = arith.constant 0 : i32
      %dma_wait3A_73 = tpu.memref_slice %arg15[%add3A_16, %dma_wait3A_72] : memref<10240x128xf32, #tpu.memory_space<vmem_shared>> -> memref<128x128xf32, #tpu.memory_space<vmem_shared>>
      tpu.wait_dma2 semaphore(%run_scoped3A : memref<!tpu.dma_semaphore, #tpu.memory_space<semaphore_mem>>) src(%arg8 : memref<128x128xf32, #tpu.memory_space<vmem>>) dst(%dma_wait3A_73 : memref<128x128xf32, #tpu.memory_space<vmem_shared>>)
      tpu.yield
    }) : () -> ()
    %add3A_17 = arith.constant 512 : i32
    %add3A_18 = arith.addi %mul3A_8, %add3A_17 : i32
    "tpu.region"() ({
      %run_scoped3A = tpu.sem_alloc : memref<!tpu.dma_semaphore, #tpu.memory_space<semaphore_mem>>
      %dma_start3A_66 = arith.constant 0 : i32
      %dma_start3A_67 = tpu.memref_slice %arg15[%add3A_18, %dma_start3A_66] : memref<10240x128xf32, #tpu.memory_space<vmem_shared>> -> memref<128x128xf32, #tpu.memory_space<vmem_shared>>
      %dma_start3A_68 = arith.constant 0 : i32
      %dma_start3A_69 = tpu.memref_slice %arg15[%add3A_18, %dma_start3A_68] : memref<10240x128xf32, #tpu.memory_space<vmem_shared>> -> memref<128x128xf32, #tpu.memory_space<vmem_shared>>
      tpu.enqueue_dma source(%arg8 : memref<128x128xf32, #tpu.memory_space<vmem>>) target(%dma_start3A_69 : memref<128x128xf32, #tpu.memory_space<vmem_shared>>) target_semaphore(%run_scoped3A : memref<!tpu.dma_semaphore, #tpu.memory_space<semaphore_mem>>)
      %dma_wait3A_70 = arith.constant 0 : i32
      %dma_wait3A_71 = tpu.memref_slice %arg15[%add3A_18, %dma_wait3A_70] : memref<10240x128xf32, #tpu.memory_space<vmem_shared>> -> memref<128x128xf32, #tpu.memory_space<vmem_shared>>
      %dma_wait3A_72 = arith.constant 0 : i32
      %dma_wait3A_73 = tpu.memref_slice %arg15[%add3A_18, %dma_wait3A_72] : memref<10240x128xf32, #tpu.memory_space<vmem_shared>> -> memref<128x128xf32, #tpu.memory_space<vmem_shared>>
      tpu.wait_dma2 semaphore(%run_scoped3A : memref<!tpu.dma_semaphore, #tpu.memory_space<semaphore_mem>>) src(%arg8 : memref<128x128xf32, #tpu.memory_space<vmem>>) dst(%dma_wait3A_73 : memref<128x128xf32, #tpu.memory_space<vmem_shared>>)
      tpu.yield
    }) : () -> ()
    %barrier3A = arith.constant 0 : index
    tpu.barrier barrier_id(%barrier3A)
    %mul3A_19 = arith.constant 10000 : i32
    %mul3A_20 = arith.muli %add3A, %mul3A_19 : i32
    %add3A_21 = arith.constant 0 : i32
    %add3A_22 = arith.addi %mul3A_20, %add3A_21 : i32
    %dma_start3A = tpu.memref_slice %arg3[%add3A_22] : memref<320000xi32, #tpu.memory_space<hbm>> -> memref<128xi32, #tpu.memory_space<hbm>>
    %dma_start3A_23 = tpu.memref_slice %arg3[%add3A_22] : memref<320000xi32, #tpu.memory_space<hbm>> -> memref<128xi32, #tpu.memory_space<hbm>>
    tpu.enqueue_dma source(%dma_start3A_23 : memref<128xi32, #tpu.memory_space<hbm>>) target(%arg6 : memref<128xi32, #tpu.memory_space<vmem>>) target_semaphore(%arg16 : memref<!tpu.dma_semaphore, #tpu.memory_space<semaphore_mem>>)
    %dma_start3A_24 = tpu.memref_slice %arg4[%add3A_22] : memref<320000xi32, #tpu.memory_space<hbm>> -> memref<128xi32, #tpu.memory_space<hbm>>
    %dma_start3A_25 = tpu.memref_slice %arg4[%add3A_22] : memref<320000xi32, #tpu.memory_space<hbm>> -> memref<128xi32, #tpu.memory_space<hbm>>
    tpu.enqueue_dma source(%dma_start3A_25 : memref<128xi32, #tpu.memory_space<hbm>>) target(%arg7 : memref<128xi32, #tpu.memory_space<vmem>>) target_semaphore(%arg16 : memref<!tpu.dma_semaphore, #tpu.memory_space<semaphore_mem>>)
    %dma_wait3A = tpu.memref_slice %arg3[%add3A_22] : memref<320000xi32, #tpu.memory_space<hbm>> -> memref<128xi32, #tpu.memory_space<hbm>>
    %dma_wait3A_26 = tpu.memref_slice %arg3[%add3A_22] : memref<320000xi32, #tpu.memory_space<hbm>> -> memref<128xi32, #tpu.memory_space<hbm>>
    tpu.wait_dma2 semaphore(%arg16 : memref<!tpu.dma_semaphore, #tpu.memory_space<semaphore_mem>>) src(%dma_wait3A_26 : memref<128xi32, #tpu.memory_space<hbm>>) dst(%arg6 : memref<128xi32, #tpu.memory_space<vmem>>)
    %dma_wait3A_27 = tpu.memref_slice %arg4[%add3A_22] : memref<320000xi32, #tpu.memory_space<hbm>> -> memref<128xi32, #tpu.memory_space<hbm>>
    %dma_wait3A_28 = tpu.memref_slice %arg4[%add3A_22] : memref<320000xi32, #tpu.memory_space<hbm>> -> memref<128xi32, #tpu.memory_space<hbm>>
    tpu.wait_dma2 semaphore(%arg16 : memref<!tpu.dma_semaphore, #tpu.memory_space<semaphore_mem>>) src(%dma_wait3A_28 : memref<128xi32, #tpu.memory_space<hbm>>) dst(%arg7 : memref<128xi32, #tpu.memory_space<vmem>>)
    %dma_start3A_29 = arith.constant 0 : i32
    %dma_start3A_30 = arith.constant 0 : i32
    %dma_start3A_31 = tpu.memref_slice %arg2[%dma_start3A_29, %dma_start3A_30] : memref<10000x128xf32, #tpu.memory_space<hbm>> -> memref<10000x128xf32, #tpu.memory_space<hbm>>
    tpu.enqueue_indirect_dma source(%dma_start3A_31 : memref<10000x128xf32, #tpu.memory_space<hbm>>) target(%arg8 : memref<128x128xf32, #tpu.memory_space<vmem>>) offsets(%arg6 : memref<128xi32, #tpu.memory_space<vmem>>) semaphore(%arg18 : memref<!tpu.dma_semaphore, #tpu.memory_space<semaphore_mem>>)
    %add3A_32 = arith.constant 128 : i32
    %add3A_33 = arith.addi %mul3A_20, %add3A_32 : i32
    %dma_start3A_34 = tpu.memref_slice %arg3[%add3A_33] : memref<320000xi32, #tpu.memory_space<hbm>> -> memref<128xi32, #tpu.memory_space<hbm>>
    %dma_start3A_35 = tpu.memref_slice %arg3[%add3A_33] : memref<320000xi32, #tpu.memory_space<hbm>> -> memref<128xi32, #tpu.memory_space<hbm>>
    tpu.enqueue_dma source(%dma_start3A_35 : memref<128xi32, #tpu.memory_space<hbm>>) target(%arg9 : memref<128xi32, #tpu.memory_space<vmem>>) target_semaphore(%arg17 : memref<!tpu.dma_semaphore, #tpu.memory_space<semaphore_mem>>)
    %dma_start3A_36 = tpu.memref_slice %arg4[%add3A_33] : memref<320000xi32, #tpu.memory_space<hbm>> -> memref<128xi32, #tpu.memory_space<hbm>>
    %dma_start3A_37 = tpu.memref_slice %arg4[%add3A_33] : memref<320000xi32, #tpu.memory_space<hbm>> -> memref<128xi32, #tpu.memory_space<hbm>>
    tpu.enqueue_dma source(%dma_start3A_37 : memref<128xi32, #tpu.memory_space<hbm>>) target(%arg10 : memref<128xi32, #tpu.memory_space<vmem>>) target_semaphore(%arg17 : memref<!tpu.dma_semaphore, #tpu.memory_space<semaphore_mem>>)
    %scan3A_38 = arith.constant 0 : i32
    %scan3A_39 = arith.constant 0 : i32
    %scan3A_40 = arith.constant 38 : i32
    %scan3A_41 = arith.addi %scan3A_39, %scan3A_40 : i32
    %scan3A_42 = arith.constant 1 : i32
    scf.for %scan3A_66 = %scan3A_39 to %scan3A_41 step %scan3A_42  : i32 {
      %mul3A_67 = arith.constant 2 : i32
      %mul3A_68 = arith.muli %mul3A_67, %scan3A_66 : i32
      %add3A_69 = arith.constant 1 : i32
      %add3A_70 = arith.addi %mul3A_68, %add3A_69 : i32
      %dma_wait3A_71 = tpu.memref_slice %arg3[%add3A_33] : memref<320000xi32, #tpu.memory_space<hbm>> -> memref<128xi32, #tpu.memory_space<hbm>>
      %dma_wait3A_72 = tpu.memref_slice %arg3[%add3A_33] : memref<320000xi32, #tpu.memory_space<hbm>> -> memref<128xi32, #tpu.memory_space<hbm>>
      tpu.wait_dma2 semaphore(%arg17 : memref<!tpu.dma_semaphore, #tpu.memory_space<semaphore_mem>>) src(%dma_wait3A_72 : memref<128xi32, #tpu.memory_space<hbm>>) dst(%arg9 : memref<128xi32, #tpu.memory_space<vmem>>)
      %dma_wait3A_73 = tpu.memref_slice %arg4[%add3A_33] : memref<320000xi32, #tpu.memory_space<hbm>> -> memref<128xi32, #tpu.memory_space<hbm>>
      %dma_wait3A_74 = tpu.memref_slice %arg4[%add3A_33] : memref<320000xi32, #tpu.memory_space<hbm>> -> memref<128xi32, #tpu.memory_space<hbm>>
      tpu.wait_dma2 semaphore(%arg17 : memref<!tpu.dma_semaphore, #tpu.memory_space<semaphore_mem>>) src(%dma_wait3A_74 : memref<128xi32, #tpu.memory_space<hbm>>) dst(%arg10 : memref<128xi32, #tpu.memory_space<vmem>>)
      %dma_start3A_75 = arith.constant 0 : i32
      %dma_start3A_76 = arith.constant 0 : i32
      %dma_start3A_77 = tpu.memref_slice %arg2[%dma_start3A_75, %dma_start3A_76] : memref<10000x128xf32, #tpu.memory_space<hbm>> -> memref<10000x128xf32, #tpu.memory_space<hbm>>
      tpu.enqueue_indirect_dma source(%dma_start3A_77 : memref<10000x128xf32, #tpu.memory_space<hbm>>) target(%arg11 : memref<128x128xf32, #tpu.memory_space<vmem>>) offsets(%arg9 : memref<128xi32, #tpu.memory_space<vmem>>) semaphore(%arg19 : memref<!tpu.dma_semaphore, #tpu.memory_space<semaphore_mem>>)
      %dma_wait3A_78 = arith.constant 0 : i32
      %dma_wait3A_79 = arith.constant 0 : i32
      %dma_wait3A_80 = tpu.memref_slice %arg2[%dma_wait3A_78, %dma_wait3A_79] : memref<10000x128xf32, #tpu.memory_space<hbm>> -> memref<10000x128xf32, #tpu.memory_space<hbm>>
      tpu.wait_indirect_dma semaphore(%arg18 : memref<!tpu.dma_semaphore, #tpu.memory_space<semaphore_mem>>) src(%dma_wait3A_80 : memref<10000x128xf32, #tpu.memory_space<hbm>>) dst(%arg8 : memref<128x128xf32, #tpu.memory_space<vmem>>)
      "tpu.region"() ({
        %run_scoped3A = tpu.sem_alloc : memref<!tpu.dma_semaphore, #tpu.memory_space<semaphore_mem>>
        %dma_start3A_109 = arith.constant 0 : i32
        %dma_start3A_110 = arith.constant 0 : i32
        %dma_start3A_111 = tpu.memref_slice %arg15[%dma_start3A_109, %dma_start3A_110] : memref<10240x128xf32, #tpu.memory_space<vmem_shared>> -> memref<10240x128xf32, #tpu.memory_space<vmem_shared>>
        tpu.enqueue_indirect_dma source(%arg8 : memref<128x128xf32, #tpu.memory_space<vmem>>) target(%dma_start3A_111 : memref<10240x128xf32, #tpu.memory_space<vmem_shared>>) offsets(%arg7 : memref<128xi32, #tpu.memory_space<vmem>>) semaphore(%run_scoped3A : memref<!tpu.dma_semaphore, #tpu.memory_space<semaphore_mem>>) {add = true}
        %dma_wait3A_112 = arith.constant 0 : i32
        %dma_wait3A_113 = arith.constant 0 : i32
        %dma_wait3A_114 = tpu.memref_slice %arg15[%dma_wait3A_112, %dma_wait3A_113] : memref<10240x128xf32, #tpu.memory_space<vmem_shared>> -> memref<10240x128xf32, #tpu.memory_space<vmem_shared>>
        tpu.wait_indirect_dma semaphore(%run_scoped3A : memref<!tpu.dma_semaphore, #tpu.memory_space<semaphore_mem>>) src(%arg8 : memref<128x128xf32, #tpu.memory_space<vmem>>) dst(%dma_wait3A_114 : memref<10240x128xf32, #tpu.memory_space<vmem_shared>>)
        tpu.yield
      }) : () -> ()
      %add3A_81 = arith.constant 1 : i32
      %add3A_82 = arith.addi %add3A_70, %add3A_81 : i32
      %mul3A_83 = arith.constant 128 : i32
      %mul3A_84 = arith.muli %add3A_82, %mul3A_83 : i32
      %add3A_85 = arith.addi %mul3A_20, %mul3A_84 : i32
      %dma_start3A_86 = tpu.memref_slice %arg3[%add3A_85] : memref<320000xi32, #tpu.memory_space<hbm>> -> memref<128xi32, #tpu.memory_space<hbm>>
      %dma_start3A_87 = tpu.memref_slice %arg3[%add3A_85] : memref<320000xi32, #tpu.memory_space<hbm>> -> memref<128xi32, #tpu.memory_space<hbm>>
      tpu.enqueue_dma source(%dma_start3A_87 : memref<128xi32, #tpu.memory_space<hbm>>) target(%arg6 : memref<128xi32, #tpu.memory_space<vmem>>) target_semaphore(%arg16 : memref<!tpu.dma_semaphore, #tpu.memory_space<semaphore_mem>>)
      %dma_start3A_88 = tpu.memref_slice %arg4[%add3A_85] : memref<320000xi32, #tpu.memory_space<hbm>> -> memref<128xi32, #tpu.memory_space<hbm>>
      %dma_start3A_89 = tpu.memref_slice %arg4[%add3A_85] : memref<320000xi32, #tpu.memory_space<hbm>> -> memref<128xi32, #tpu.memory_space<hbm>>
      tpu.enqueue_dma source(%dma_start3A_89 : memref<128xi32, #tpu.memory_space<hbm>>) target(%arg7 : memref<128xi32, #tpu.memory_space<vmem>>) target_semaphore(%arg16 : memref<!tpu.dma_semaphore, #tpu.memory_space<semaphore_mem>>)
      %dma_wait3A_90 = tpu.memref_slice %arg3[%add3A_85] : memref<320000xi32, #tpu.memory_space<hbm>> -> memref<128xi32, #tpu.memory_space<hbm>>
      %dma_wait3A_91 = tpu.memref_slice %arg3[%add3A_85] : memref<320000xi32, #tpu.memory_space<hbm>> -> memref<128xi32, #tpu.memory_space<hbm>>
      tpu.wait_dma2 semaphore(%arg16 : memref<!tpu.dma_semaphore, #tpu.memory_space<semaphore_mem>>) src(%dma_wait3A_91 : memref<128xi32, #tpu.memory_space<hbm>>) dst(%arg6 : memref<128xi32, #tpu.memory_space<vmem>>)
      %dma_wait3A_92 = tpu.memref_slice %arg4[%add3A_85] : memref<320000xi32, #tpu.memory_space<hbm>> -> memref<128xi32, #tpu.memory_space<hbm>>
      %dma_wait3A_93 = tpu.memref_slice %arg4[%add3A_85] : memref<320000xi32, #tpu.memory_space<hbm>> -> memref<128xi32, #tpu.memory_space<hbm>>
      tpu.wait_dma2 semaphore(%arg16 : memref<!tpu.dma_semaphore, #tpu.memory_space<semaphore_mem>>) src(%dma_wait3A_93 : memref<128xi32, #tpu.memory_space<hbm>>) dst(%arg7 : memref<128xi32, #tpu.memory_space<vmem>>)
      %dma_start3A_94 = arith.constant 0 : i32
      %dma_start3A_95 = arith.constant 0 : i32
      %dma_start3A_96 = tpu.memref_slice %arg2[%dma_start3A_94, %dma_start3A_95] : memref<10000x128xf32, #tpu.memory_space<hbm>> -> memref<10000x128xf32, #tpu.memory_space<hbm>>
      tpu.enqueue_indirect_dma source(%dma_start3A_96 : memref<10000x128xf32, #tpu.memory_space<hbm>>) target(%arg8 : memref<128x128xf32, #tpu.memory_space<vmem>>) offsets(%arg6 : memref<128xi32, #tpu.memory_space<vmem>>) semaphore(%arg18 : memref<!tpu.dma_semaphore, #tpu.memory_space<semaphore_mem>>)
      %dma_wait3A_97 = arith.constant 0 : i32
      %dma_wait3A_98 = arith.constant 0 : i32
      %dma_wait3A_99 = tpu.memref_slice %arg2[%dma_wait3A_97, %dma_wait3A_98] : memref<10000x128xf32, #tpu.memory_space<hbm>> -> memref<10000x128xf32, #tpu.memory_space<hbm>>
      tpu.wait_indirect_dma semaphore(%arg19 : memref<!tpu.dma_semaphore, #tpu.memory_space<semaphore_mem>>) src(%dma_wait3A_99 : memref<10000x128xf32, #tpu.memory_space<hbm>>) dst(%arg11 : memref<128x128xf32, #tpu.memory_space<vmem>>)
      "tpu.region"() ({
        %run_scoped3A = tpu.sem_alloc : memref<!tpu.dma_semaphore, #tpu.memory_space<semaphore_mem>>
        %dma_start3A_109 = arith.constant 0 : i32
        %dma_start3A_110 = arith.constant 0 : i32
        %dma_start3A_111 = tpu.memref_slice %arg15[%dma_start3A_109, %dma_start3A_110] : memref<10240x128xf32, #tpu.memory_space<vmem_shared>> -> memref<10240x128xf32, #tpu.memory_space<vmem_shared>>
        tpu.enqueue_indirect_dma source(%arg11 : memref<128x128xf32, #tpu.memory_space<vmem>>) target(%dma_start3A_111 : memref<10240x128xf32, #tpu.memory_space<vmem_shared>>) offsets(%arg10 : memref<128xi32, #tpu.memory_space<vmem>>) semaphore(%run_scoped3A : memref<!tpu.dma_semaphore, #tpu.memory_space<semaphore_mem>>) {add = true}
        %dma_wait3A_112 = arith.constant 0 : i32
        %dma_wait3A_113 = arith.constant 0 : i32
        %dma_wait3A_114 = tpu.memref_slice %arg15[%dma_wait3A_112, %dma_wait3A_113] : memref<10240x128xf32, #tpu.memory_space<vmem_shared>> -> memref<10240x128xf32, #tpu.memory_space<vmem_shared>>
        tpu.wait_indirect_dma semaphore(%run_scoped3A : memref<!tpu.dma_semaphore, #tpu.memory_space<semaphore_mem>>) src(%arg11 : memref<128x128xf32, #tpu.memory_space<vmem>>) dst(%dma_wait3A_114 : memref<10240x128xf32, #tpu.memory_space<vmem_shared>>)
        tpu.yield
      }) : () -> ()
      %add3A_100 = arith.constant 2 : i32
      %add3A_101 = arith.addi %add3A_70, %add3A_100 : i32
      %mul3A_102 = arith.constant 128 : i32
      %mul3A_103 = arith.muli %add3A_101, %mul3A_102 : i32
      %add3A_104 = arith.addi %mul3A_20, %mul3A_103 : i32
      %dma_start3A_105 = tpu.memref_slice %arg3[%add3A_104] : memref<320000xi32, #tpu.memory_space<hbm>> -> memref<128xi32, #tpu.memory_space<hbm>>
      %dma_start3A_106 = tpu.memref_slice %arg3[%add3A_104] : memref<320000xi32, #tpu.memory_space<hbm>> -> memref<128xi32, #tpu.memory_space<hbm>>
      tpu.enqueue_dma source(%dma_start3A_106 : memref<128xi32, #tpu.memory_space<hbm>>) target(%arg9 : memref<128xi32, #tpu.memory_space<vmem>>) target_semaphore(%arg17 : memref<!tpu.dma_semaphore, #tpu.memory_space<semaphore_mem>>)
      %dma_start3A_107 = tpu.memref_slice %arg4[%add3A_104] : memref<320000xi32, #tpu.memory_space<hbm>> -> memref<128xi32, #tpu.memory_space<hbm>>
      %dma_start3A_108 = tpu.memref_slice %arg4[%add3A_104] : memref<320000xi32, #tpu.memory_space<hbm>> -> memref<128xi32, #tpu.memory_space<hbm>>
      tpu.enqueue_dma source(%dma_start3A_108 : memref<128xi32, #tpu.memory_space<hbm>>) target(%arg10 : memref<128xi32, #tpu.memory_space<vmem>>) target_semaphore(%arg17 : memref<!tpu.dma_semaphore, #tpu.memory_space<semaphore_mem>>)
    }
    %scan3A_43 = arith.constant 38 : i32
    %dma_wait3A_44 = tpu.memref_slice %arg3[%add3A_33] : memref<320000xi32, #tpu.memory_space<hbm>> -> memref<128xi32, #tpu.memory_space<hbm>>
    %dma_wait3A_45 = tpu.memref_slice %arg3[%add3A_33] : memref<320000xi32, #tpu.memory_space<hbm>> -> memref<128xi32, #tpu.memory_space<hbm>>
    tpu.wait_dma2 semaphore(%arg17 : memref<!tpu.dma_semaphore, #tpu.memory_space<semaphore_mem>>) src(%dma_wait3A_45 : memref<128xi32, #tpu.memory_space<hbm>>) dst(%arg9 : memref<128xi32, #tpu.memory_space<vmem>>)
    %dma_wait3A_46 = tpu.memref_slice %arg4[%add3A_33] : memref<320000xi32, #tpu.memory_space<hbm>> -> memref<128xi32, #tpu.memory_space<hbm>>
    %dma_wait3A_47 = tpu.memref_slice %arg4[%add3A_33] : memref<320000xi32, #tpu.memory_space<hbm>> -> memref<128xi32, #tpu.memory_space<hbm>>
    tpu.wait_dma2 semaphore(%arg17 : memref<!tpu.dma_semaphore, #tpu.memory_space<semaphore_mem>>) src(%dma_wait3A_47 : memref<128xi32, #tpu.memory_space<hbm>>) dst(%arg10 : memref<128xi32, #tpu.memory_space<vmem>>)
    %dma_start3A_48 = arith.constant 0 : i32
    %dma_start3A_49 = arith.constant 0 : i32
    %dma_start3A_50 = tpu.memref_slice %arg2[%dma_start3A_48, %dma_start3A_49] : memref<10000x128xf32, #tpu.memory_space<hbm>> -> memref<10000x128xf32, #tpu.memory_space<hbm>>
    tpu.enqueue_indirect_dma source(%dma_start3A_50 : memref<10000x128xf32, #tpu.memory_space<hbm>>) target(%arg11 : memref<128x128xf32, #tpu.memory_space<vmem>>) offsets(%arg9 : memref<128xi32, #tpu.memory_space<vmem>>) semaphore(%arg19 : memref<!tpu.dma_semaphore, #tpu.memory_space<semaphore_mem>>)
    %dma_wait3A_51 = arith.constant 0 : i32
    %dma_wait3A_52 = arith.constant 0 : i32
    %dma_wait3A_53 = tpu.memref_slice %arg2[%dma_wait3A_51, %dma_wait3A_52] : memref<10000x128xf32, #tpu.memory_space<hbm>> -> memref<10000x128xf32, #tpu.memory_space<hbm>>
    tpu.wait_indirect_dma semaphore(%arg18 : memref<!tpu.dma_semaphore, #tpu.memory_space<semaphore_mem>>) src(%dma_wait3A_53 : memref<10000x128xf32, #tpu.memory_space<hbm>>) dst(%arg8 : memref<128x128xf32, #tpu.memory_space<vmem>>)
    "tpu.region"() ({
      %run_scoped3A = tpu.sem_alloc : memref<!tpu.dma_semaphore, #tpu.memory_space<semaphore_mem>>
      %dma_start3A_66 = arith.constant 0 : i32
      %dma_start3A_67 = arith.constant 0 : i32
      %dma_start3A_68 = tpu.memref_slice %arg15[%dma_start3A_66, %dma_start3A_67] : memref<10240x128xf32, #tpu.memory_space<vmem_shared>> -> memref<10240x128xf32, #tpu.memory_space<vmem_shared>>
      tpu.enqueue_indirect_dma source(%arg8 : memref<128x128xf32, #tpu.memory_space<vmem>>) target(%dma_start3A_68 : memref<10240x128xf32, #tpu.memory_space<vmem_shared>>) offsets(%arg7 : memref<128xi32, #tpu.memory_space<vmem>>) semaphore(%run_scoped3A : memref<!tpu.dma_semaphore, #tpu.memory_space<semaphore_mem>>) {add = true}
      %dma_wait3A_69 = arith.constant 0 : i32
      %dma_wait3A_70 = arith.constant 0 : i32
      %dma_wait3A_71 = tpu.memref_slice %arg15[%dma_wait3A_69, %dma_wait3A_70] : memref<10240x128xf32, #tpu.memory_space<vmem_shared>> -> memref<10240x128xf32, #tpu.memory_space<vmem_shared>>
      tpu.wait_indirect_dma semaphore(%run_scoped3A : memref<!tpu.dma_semaphore, #tpu.memory_space<semaphore_mem>>) src(%arg8 : memref<128x128xf32, #tpu.memory_space<vmem>>) dst(%dma_wait3A_71 : memref<10240x128xf32, #tpu.memory_space<vmem_shared>>)
      tpu.yield
    }) : () -> ()
    %dma_wait3A_54 = arith.constant 0 : i32
    %dma_wait3A_55 = arith.constant 0 : i32
    %dma_wait3A_56 = tpu.memref_slice %arg2[%dma_wait3A_54, %dma_wait3A_55] : memref<10000x128xf32, #tpu.memory_space<hbm>> -> memref<10000x128xf32, #tpu.memory_space<hbm>>
    tpu.wait_indirect_dma semaphore(%arg19 : memref<!tpu.dma_semaphore, #tpu.memory_space<semaphore_mem>>) src(%dma_wait3A_56 : memref<10000x128xf32, #tpu.memory_space<hbm>>) dst(%arg11 : memref<128x128xf32, #tpu.memory_space<vmem>>)
    "tpu.region"() ({
      %run_scoped3A = tpu.sem_alloc : memref<!tpu.dma_semaphore, #tpu.memory_space<semaphore_mem>>
      %dma_start3A_66 = arith.constant 0 : i32
      %dma_start3A_67 = arith.constant 0 : i32
      %dma_start3A_68 = tpu.memref_slice %arg15[%dma_start3A_66, %dma_start3A_67] : memref<10240x128xf32, #tpu.memory_space<vmem_shared>> -> memref<10240x128xf32, #tpu.memory_space<vmem_shared>>
      tpu.enqueue_indirect_dma source(%arg11 : memref<128x128xf32, #tpu.memory_space<vmem>>) target(%dma_start3A_68 : memref<10240x128xf32, #tpu.memory_space<vmem_shared>>) offsets(%arg10 : memref<128xi32, #tpu.memory_space<vmem>>) semaphore(%run_scoped3A : memref<!tpu.dma_semaphore, #tpu.memory_space<semaphore_mem>>) {add = true}
      %dma_wait3A_69 = arith.constant 0 : i32
      %dma_wait3A_70 = arith.constant 0 : i32
      %dma_wait3A_71 = tpu.memref_slice %arg15[%dma_wait3A_69, %dma_wait3A_70] : memref<10240x128xf32, #tpu.memory_space<vmem_shared>> -> memref<10240x128xf32, #tpu.memory_space<vmem_shared>>
      tpu.wait_indirect_dma semaphore(%run_scoped3A : memref<!tpu.dma_semaphore, #tpu.memory_space<semaphore_mem>>) src(%arg11 : memref<128x128xf32, #tpu.memory_space<vmem>>) dst(%dma_wait3A_71 : memref<10240x128xf32, #tpu.memory_space<vmem_shared>>)
      tpu.yield
    }) : () -> ()
    %add3A_57 = arith.constant 9984 : i32
    %add3A_58 = arith.addi %mul3A_20, %add3A_57 : i32
    "tpu.region"() ({
      %run_scoped3A = tpu.sem_alloc : memref<!tpu.dma_semaphore, #tpu.memory_space<semaphore_mem>>
      %dma_start3A_66 = tpu.memref_slice %arg3[%add3A_58] : memref<320000xi32, #tpu.memory_space<hbm>> -> memref<16xi32, #tpu.memory_space<hbm>>
      %dma_start3A_67 = tpu.memref_slice %arg3[%add3A_58] : memref<320000xi32, #tpu.memory_space<hbm>> -> memref<16xi32, #tpu.memory_space<hbm>>
      tpu.enqueue_dma source(%dma_start3A_67 : memref<16xi32, #tpu.memory_space<hbm>>) target(%arg12 : memref<16xi32, #tpu.memory_space<vmem>>) target_semaphore(%run_scoped3A : memref<!tpu.dma_semaphore, #tpu.memory_space<semaphore_mem>>)
      %dma_wait3A_68 = tpu.memref_slice %arg3[%add3A_58] : memref<320000xi32, #tpu.memory_space<hbm>> -> memref<16xi32, #tpu.memory_space<hbm>>
      %dma_wait3A_69 = tpu.memref_slice %arg3[%add3A_58] : memref<320000xi32, #tpu.memory_space<hbm>> -> memref<16xi32, #tpu.memory_space<hbm>>
      tpu.wait_dma2 semaphore(%run_scoped3A : memref<!tpu.dma_semaphore, #tpu.memory_space<semaphore_mem>>) src(%dma_wait3A_69 : memref<16xi32, #tpu.memory_space<hbm>>) dst(%arg12 : memref<16xi32, #tpu.memory_space<vmem>>)
      tpu.yield
    }) : () -> ()
    "tpu.region"() ({
      %run_scoped3A = tpu.sem_alloc : memref<!tpu.dma_semaphore, #tpu.memory_space<semaphore_mem>>
      %dma_start3A_66 = tpu.memref_slice %arg4[%add3A_58] : memref<320000xi32, #tpu.memory_space<hbm>> -> memref<16xi32, #tpu.memory_space<hbm>>
      %dma_start3A_67 = tpu.memref_slice %arg4[%add3A_58] : memref<320000xi32, #tpu.memory_space<hbm>> -> memref<16xi32, #tpu.memory_space<hbm>>
      tpu.enqueue_dma source(%dma_start3A_67 : memref<16xi32, #tpu.memory_space<hbm>>) target(%arg13 : memref<16xi32, #tpu.memory_space<vmem>>) target_semaphore(%run_scoped3A : memref<!tpu.dma_semaphore, #tpu.memory_space<semaphore_mem>>)
      %dma_wait3A_68 = tpu.memref_slice %arg4[%add3A_58] : memref<320000xi32, #tpu.memory_space<hbm>> -> memref<16xi32, #tpu.memory_space<hbm>>
      %dma_wait3A_69 = tpu.memref_slice %arg4[%add3A_58] : memref<320000xi32, #tpu.memory_space<hbm>> -> memref<16xi32, #tpu.memory_space<hbm>>
      tpu.wait_dma2 semaphore(%run_scoped3A : memref<!tpu.dma_semaphore, #tpu.memory_space<semaphore_mem>>) src(%dma_wait3A_69 : memref<16xi32, #tpu.memory_space<hbm>>) dst(%arg13 : memref<16xi32, #tpu.memory_space<vmem>>)
      tpu.yield
    }) : () -> ()
    %dma_start3A_59 = arith.constant 0 : i32
    %dma_start3A_60 = arith.constant 0 : i32
    %dma_start3A_61 = tpu.memref_slice %arg2[%dma_start3A_59, %dma_start3A_60] : memref<10000x128xf32, #tpu.memory_space<hbm>> -> memref<10000x128xf32, #tpu.memory_space<hbm>>
    tpu.enqueue_indirect_dma source(%dma_start3A_61 : memref<10000x128xf32, #tpu.memory_space<hbm>>) target(%arg14 : memref<16x128xf32, #tpu.memory_space<vmem>>) offsets(%arg12 : memref<16xi32, #tpu.memory_space<vmem>>) semaphore(%arg18 : memref<!tpu.dma_semaphore, #tpu.memory_space<semaphore_mem>>)
    %dma_wait3A_62 = arith.constant 0 : i32
    %dma_wait3A_63 = arith.constant 0 : i32
    %dma_wait3A_64 = tpu.memref_slice %arg2[%dma_wait3A_62, %dma_wait3A_63] : memref<10000x128xf32, #tpu.memory_space<hbm>> -> memref<10000x128xf32, #tpu.memory_space<hbm>>
    tpu.wait_indirect_dma semaphore(%arg18 : memref<!tpu.dma_semaphore, #tpu.memory_space<semaphore_mem>>) src(%dma_wait3A_64 : memref<10000x128xf32, #tpu.memory_space<hbm>>) dst(%arg14 : memref<16x128xf32, #tpu.memory_space<vmem>>)
    "tpu.region"() ({
      %run_scoped3A = tpu.sem_alloc : memref<!tpu.dma_semaphore, #tpu.memory_space<semaphore_mem>>
      %dma_start3A_66 = arith.constant 0 : i32
      %dma_start3A_67 = arith.constant 0 : i32
      %dma_start3A_68 = tpu.memref_slice %arg15[%dma_start3A_66, %dma_start3A_67] : memref<10240x128xf32, #tpu.memory_space<vmem_shared>> -> memref<10240x128xf32, #tpu.memory_space<vmem_shared>>
      tpu.enqueue_indirect_dma source(%arg14 : memref<16x128xf32, #tpu.memory_space<vmem>>) target(%dma_start3A_68 : memref<10240x128xf32, #tpu.memory_space<vmem_shared>>) offsets(%arg13 : memref<16xi32, #tpu.memory_space<vmem>>) semaphore(%run_scoped3A : memref<!tpu.dma_semaphore, #tpu.memory_space<semaphore_mem>>) {add = true}
      %dma_wait3A_69 = arith.constant 0 : i32
      %dma_wait3A_70 = arith.constant 0 : i32
      %dma_wait3A_71 = tpu.memref_slice %arg15[%dma_wait3A_69, %dma_wait3A_70] : memref<10240x128xf32, #tpu.memory_space<vmem_shared>> -> memref<10240x128xf32, #tpu.memory_space<vmem_shared>>
      tpu.wait_indirect_dma semaphore(%run_scoped3A : memref<!tpu.dma_semaphore, #tpu.memory_space<semaphore_mem>>) src(%arg14 : memref<16x128xf32, #tpu.memory_space<vmem>>) dst(%dma_wait3A_71 : memref<10240x128xf32, #tpu.memory_space<vmem_shared>>)
      tpu.yield
    }) : () -> ()
    %barrier3A_65 = arith.constant 0 : index
    tpu.barrier barrier_id(%barrier3A_65)
    "tpu.region"() ({
      %run_scoped3A = tpu.sem_alloc : memref<!tpu.dma_semaphore, #tpu.memory_space<semaphore_mem>>
      %dma_start3A_66 = arith.constant 0 : i32
      %dma_start3A_67 = tpu.memref_slice %arg5[%arg0, %mul3A_8, %dma_start3A_66] : memref<2x10240x128xf32, #tpu.memory_space<hbm>> -> memref<1x640x128xf32, #tpu.memory_space<hbm>>
      %dma_start3A_68 = tpu.memref_squeeze %dma_start3A_67 : memref<1x640x128xf32, #tpu.memory_space<hbm>> -> memref<640x128xf32, #tpu.memory_space<hbm>>
      %dma_start3A_69 = arith.constant 0 : i32
      %dma_start3A_70 = tpu.memref_slice %arg15[%mul3A_8, %dma_start3A_69] : memref<10240x128xf32, #tpu.memory_space<vmem_shared>> -> memref<640x128xf32, #tpu.memory_space<vmem_shared>>
      tpu.enqueue_dma source(%dma_start3A_70 : memref<640x128xf32, #tpu.memory_space<vmem_shared>>) target(%dma_start3A_68 : memref<640x128xf32, #tpu.memory_space<hbm>>) target_semaphore(%run_scoped3A : memref<!tpu.dma_semaphore, #tpu.memory_space<semaphore_mem>>)
      %dma_wait3A_71 = arith.constant 0 : i32
      %dma_wait3A_72 = tpu.memref_slice %arg5[%arg0, %mul3A_8, %dma_wait3A_71] : memref<2x10240x128xf32, #tpu.memory_space<hbm>> -> memref<1x640x128xf32, #tpu.memory_space<hbm>>
      %dma_wait3A_73 = tpu.memref_squeeze %dma_wait3A_72 : memref<1x640x128xf32, #tpu.memory_space<hbm>> -> memref<640x128xf32, #tpu.memory_space<hbm>>
      %dma_wait3A_74 = arith.constant 0 : i32
      %dma_wait3A_75 = tpu.memref_slice %arg15[%mul3A_8, %dma_wait3A_74] : memref<10240x128xf32, #tpu.memory_space<vmem_shared>> -> memref<640x128xf32, #tpu.memory_space<vmem_shared>>
      tpu.wait_dma2 semaphore(%run_scoped3A : memref<!tpu.dma_semaphore, #tpu.memory_space<semaphore_mem>>) src(%dma_wait3A_75 : memref<640x128xf32, #tpu.memory_space<vmem_shared>>) dst(%dma_wait3A_73 : memref<640x128xf32, #tpu.memory_space<hbm>>)
      tpu.yield
    }) : () -> ()
    return
  }
}

#map = affine_map<(d0, d1) -> (0, 0)>
#map1 = affine_map<(d0, d1) -> (0)>
#map2 = affine_map<(d0, d1) -> (0, 0, 0)>
module attributes {stable_mosaic.version = 14 : i64} {
  func.func @_sc_agg_body(%arg0: i32, %arg1: i32, %arg2: memref<10000x128xf32, #tpu.memory_space<hbm>>, %arg3: memref<320000xi32, #tpu.memory_space<hbm>>, %arg4: memref<320000xi32, #tpu.memory_space<hbm>>, %arg5: memref<2x10240x128xf32, #tpu.memory_space<hbm>>, %arg6: memref<128xi32, #tpu.memory_space<vmem>>, %arg7: memref<128xi32, #tpu.memory_space<vmem>>, %arg8: memref<128x128xf32, #tpu.memory_space<vmem>>, %arg9: memref<128xi32, #tpu.memory_space<vmem>>, %arg10: memref<128xi32, #tpu.memory_space<vmem>>, %arg11: memref<128x128xf32, #tpu.memory_space<vmem>>, %arg12: memref<16xi32, #tpu.memory_space<vmem>>, %arg13: memref<16xi32, #tpu.memory_space<vmem>>, %arg14: memref<16x128xf32, #tpu.memory_space<vmem>>, %arg15: memref<10240x128xf32, #tpu.memory_space<vmem_shared>>, %arg16: memref<!tpu.dma_semaphore, #tpu.memory_space<semaphore_mem>>, %arg17: memref<!tpu.dma_semaphore, #tpu.memory_space<semaphore_mem>>, %arg18: memref<!tpu.dma_semaphore, #tpu.memory_space<semaphore_mem>>, %arg19: memref<!tpu.dma_semaphore, #tpu.memory_space<semaphore_mem>>) attributes {dimension_semantics = [#tpu.dimension_semantics<core_parallel>, #tpu.dimension_semantics<subcore_parallel>], iteration_bounds = array<i64: 2, 16>, scalar_prefetch = 0 : i64, scratch_operands = 14 : i64, tpu.core_type = #tpu.core_type<sc_vector_subcore>, window_params = [{transform_indices = #map}, {transform_indices = #map1}, {transform_indices = #map1}, {transform_indices = #map2}]} {
    %mul3A = arith.constant 2 : i32
    %mul3A_0 = arith.muli %arg1, %mul3A : i32
    %add3A = arith.addi %mul3A_0, %arg0 : i32
    %broadcast_in_dim3A = arith.constant 0.000000e+00 : f32
    %broadcast_in_dim3A_1 = vector.broadcast %broadcast_in_dim3A : f32 to vector<16xf32>
    %scan3A = arith.constant 0 : i32
    %scan3A_2 = arith.constant 0 : i32
    %scan3A_3 = arith.constant 1024 : i32
    %scan3A_4 = arith.addi %scan3A_2, %scan3A_3 : i32
    %scan3A_5 = arith.constant 1 : i32
    scf.for %scan3A_66 = %scan3A_2 to %scan3A_4 step %scan3A_5  : i32 {
      %jit3A = arith.constant 8 : i32
      %div3A = arith.divsi %scan3A_66, %jit3A : i32
      %sign3A = arith.constant 0 : i32
      %sign3A_67 = arith.cmpi sgt, %scan3A_66, %sign3A : i32
      %sign3A_68 = arith.extui %sign3A_67 : i1 to i32
      %sign3A_69 = arith.constant 0 : i32
      %sign3A_70 = arith.cmpi slt, %scan3A_66, %sign3A_69 : i32
      %sign3A_71 = arith.extui %sign3A_70 : i1 to i32
      %sign3A_72 = arith.subi %sign3A_68, %sign3A_71 : i32
      %sign3A_73 = arith.constant 0 : i32
      %sign3A_74 = arith.cmpi sgt, %jit3A, %sign3A_73 : i32
      %sign3A_75 = arith.extui %sign3A_74 : i1 to i32
      %sign3A_76 = arith.constant 0 : i32
      %sign3A_77 = arith.cmpi slt, %jit3A, %sign3A_76 : i32
      %sign3A_78 = arith.extui %sign3A_77 : i1 to i32
      %sign3A_79 = arith.subi %sign3A_75, %sign3A_78 : i32
      %ne3A = arith.cmpi ne, %sign3A_72, %sign3A_79 : i32
      %rem3A = arith.remsi %scan3A_66, %jit3A : i32
      %ne3A_80 = arith.constant 0 : i32
      %ne3A_81 = arith.cmpi ne, %rem3A, %ne3A_80 : i32
      %and3A = arith.andi %ne3A, %ne3A_81 : i1
      %sub3A = arith.constant 1 : i32
      %sub3A_82 = arith.subi %div3A, %sub3A : i32
      %select_n3A = arith.select %and3A, %sub3A_82, %div3A : i32
      %jit3A_83 = arith.constant 8 : i32
      %eq3A = arith.constant 0 : i32
      %eq3A_84 = arith.cmpi eq, %jit3A_83, %eq3A : i32
      %jit3A_85 = arith.constant 1 : i32
      %select_n3A_86 = arith.select %eq3A_84, %jit3A_85, %jit3A_83 : i32
      %rem3A_87 = arith.remsi %scan3A_66, %select_n3A_86 : i32
      %ne3A_88 = arith.constant 0 : i32
      %ne3A_89 = arith.cmpi ne, %rem3A_87, %ne3A_88 : i32
      %lt3A = arith.constant 0 : i32
      %lt3A_90 = arith.cmpi slt, %rem3A_87, %lt3A : i32
      %lt3A_91 = arith.constant 0 : i32
      %lt3A_92 = arith.cmpi slt, %select_n3A_86, %lt3A_91 : i32
      %ne3A_93 = arith.xori %lt3A_90, %lt3A_92 : i1
      %and3A_94 = arith.andi %ne3A_93, %ne3A_89 : i1
      %add3A_95 = arith.addi %rem3A_87, %select_n3A_86 : i32
      %select_n3A_96 = arith.select %and3A_94, %add3A_95, %rem3A_87 : i32
      %mul3A_97 = arith.constant 16 : i32
      %mul3A_98 = arith.muli %select_n3A_96, %mul3A_97 : i32
      %swap3A = arith.index_cast %select_n3A : i32 to index
      %swap3A_99 = arith.index_cast %mul3A_98 : i32 to index
      %swap3A_100 = tpu.vector_load %arg8[%swap3A, %swap3A_99] {strides = array<i32>} : memref<128x128xf32, #tpu.memory_space<vmem>>, vector<1x16xf32>,
      %swap3A_101 = vector.shape_cast %swap3A_100 : vector<1x16xf32> to vector<16xf32>
      %swap3A_102 = vector.shape_cast %broadcast_in_dim3A_1 : vector<16xf32> to vector<1x16xf32>
      tpu.vector_store %arg8[%swap3A, %swap3A_99], %swap3A_102 {strides = array<i32>} : memref<128x128xf32, #tpu.memory_space<vmem>>, vector<1x16xf32>,
    }
    %scan3A_6 = arith.constant 1024 : i32
    %mul3A_7 = arith.constant 640 : i32
    %mul3A_8 = arith.muli %arg1, %mul3A_7 : i32
    %add3A_9 = arith.constant 0 : i32
    %add3A_10 = arith.addi %mul3A_8, %add3A_9 : i32
    "tpu.region"() ({
      %run_scoped3A = tpu.sem_alloc : memref<!tpu.dma_semaphore, #tpu.memory_space<semaphore_mem>>
      %dma_start3A_66 = arith.constant 0 : i32
      %dma_start3A_67 = tpu.memref_slice %arg15[%add3A_10, %dma_start3A_66] : memref<10240x128xf32, #tpu.memory_space<vmem_shared>> -> memref<128x128xf32, #tpu.memory_space<vmem_shared>>
      %dma_start3A_68 = arith.constant 0 : i32
      %dma_start3A_69 = tpu.memref_slice %arg15[%add3A_10, %dma_start3A_68] : memref<10240x128xf32, #tpu.memory_space<vmem_shared>> -> memref<128x128xf32, #tpu.memory_space<vmem_shared>>
      tpu.enqueue_dma source(%arg8 : memref<128x128xf32, #tpu.memory_space<vmem>>) target(%dma_start3A_69 : memref<128x128xf32, #tpu.memory_space<vmem_shared>>) target_semaphore(%run_scoped3A : memref<!tpu.dma_semaphore, #tpu.memory_space<semaphore_mem>>)
      %dma_wait3A_70 = arith.constant 0 : i32
      %dma_wait3A_71 = tpu.memref_slice %arg15[%add3A_10, %dma_wait3A_70] : memref<10240x128xf32, #tpu.memory_space<vmem_shared>> -> memref<128x128xf32, #tpu.memory_space<vmem_shared>>
      %dma_wait3A_72 = arith.constant 0 : i32
      %dma_wait3A_73 = tpu.memref_slice %arg15[%add3A_10, %dma_wait3A_72] : memref<10240x128xf32, #tpu.memory_space<vmem_shared>> -> memref<128x128xf32, #tpu.memory_space<vmem_shared>>
      tpu.wait_dma2 semaphore(%run_scoped3A : memref<!tpu.dma_semaphore, #tpu.memory_space<semaphore_mem>>) src(%arg8 : memref<128x128xf32, #tpu.memory_space<vmem>>) dst(%dma_wait3A_73 : memref<128x128xf32, #tpu.memory_space<vmem_shared>>)
      tpu.yield
    }) : () -> ()
    %add3A_11 = arith.constant 128 : i32
    %add3A_12 = arith.addi %mul3A_8, %add3A_11 : i32
    "tpu.region"() ({
      %run_scoped3A = tpu.sem_alloc : memref<!tpu.dma_semaphore, #tpu.memory_space<semaphore_mem>>
      %dma_start3A_66 = arith.constant 0 : i32
      %dma_start3A_67 = tpu.memref_slice %arg15[%add3A_12, %dma_start3A_66] : memref<10240x128xf32, #tpu.memory_space<vmem_shared>> -> memref<128x128xf32, #tpu.memory_space<vmem_shared>>
      %dma_start3A_68 = arith.constant 0 : i32
      %dma_start3A_69 = tpu.memref_slice %arg15[%add3A_12, %dma_start3A_68] : memref<10240x128xf32, #tpu.memory_space<vmem_shared>> -> memref<128x128xf32, #tpu.memory_space<vmem_shared>>
      tpu.enqueue_dma source(%arg8 : memref<128x128xf32, #tpu.memory_space<vmem>>) target(%dma_start3A_69 : memref<128x128xf32, #tpu.memory_space<vmem_shared>>) target_semaphore(%run_scoped3A : memref<!tpu.dma_semaphore, #tpu.memory_space<semaphore_mem>>)
      %dma_wait3A_70 = arith.constant 0 : i32
      %dma_wait3A_71 = tpu.memref_slice %arg15[%add3A_12, %dma_wait3A_70] : memref<10240x128xf32, #tpu.memory_space<vmem_shared>> -> memref<128x128xf32, #tpu.memory_space<vmem_shared>>
      %dma_wait3A_72 = arith.constant 0 : i32
      %dma_wait3A_73 = tpu.memref_slice %arg15[%add3A_12, %dma_wait3A_72] : memref<10240x128xf32, #tpu.memory_space<vmem_shared>> -> memref<128x128xf32, #tpu.memory_space<vmem_shared>>
      tpu.wait_dma2 semaphore(%run_scoped3A : memref<!tpu.dma_semaphore, #tpu.memory_space<semaphore_mem>>) src(%arg8 : memref<128x128xf32, #tpu.memory_space<vmem>>) dst(%dma_wait3A_73 : memref<128x128xf32, #tpu.memory_space<vmem_shared>>)
      tpu.yield
    }) : () -> ()
    %add3A_13 = arith.constant 256 : i32
    %add3A_14 = arith.addi %mul3A_8, %add3A_13 : i32
    "tpu.region"() ({
      %run_scoped3A = tpu.sem_alloc : memref<!tpu.dma_semaphore, #tpu.memory_space<semaphore_mem>>
      %dma_start3A_66 = arith.constant 0 : i32
      %dma_start3A_67 = tpu.memref_slice %arg15[%add3A_14, %dma_start3A_66] : memref<10240x128xf32, #tpu.memory_space<vmem_shared>> -> memref<128x128xf32, #tpu.memory_space<vmem_shared>>
      %dma_start3A_68 = arith.constant 0 : i32
      %dma_start3A_69 = tpu.memref_slice %arg15[%add3A_14, %dma_start3A_68] : memref<10240x128xf32, #tpu.memory_space<vmem_shared>> -> memref<128x128xf32, #tpu.memory_space<vmem_shared>>
      tpu.enqueue_dma source(%arg8 : memref<128x128xf32, #tpu.memory_space<vmem>>) target(%dma_start3A_69 : memref<128x128xf32, #tpu.memory_space<vmem_shared>>) target_semaphore(%run_scoped3A : memref<!tpu.dma_semaphore, #tpu.memory_space<semaphore_mem>>)
      %dma_wait3A_70 = arith.constant 0 : i32
      %dma_wait3A_71 = tpu.memref_slice %arg15[%add3A_14, %dma_wait3A_70] : memref<10240x128xf32, #tpu.memory_space<vmem_shared>> -> memref<128x128xf32, #tpu.memory_space<vmem_shared>>
      %dma_wait3A_72 = arith.constant 0 : i32
      %dma_wait3A_73 = tpu.memref_slice %arg15[%add3A_14, %dma_wait3A_72] : memref<10240x128xf32, #tpu.memory_space<vmem_shared>> -> memref<128x128xf32, #tpu.memory_space<vmem_shared>>
      tpu.wait_dma2 semaphore(%run_scoped3A : memref<!tpu.dma_semaphore, #tpu.memory_space<semaphore_mem>>) src(%arg8 : memref<128x128xf32, #tpu.memory_space<vmem>>) dst(%dma_wait3A_73 : memref<128x128xf32, #tpu.memory_space<vmem_shared>>)
      tpu.yield
    }) : () -> ()
    %add3A_15 = arith.constant 384 : i32
    %add3A_16 = arith.addi %mul3A_8, %add3A_15 : i32
    "tpu.region"() ({
      %run_scoped3A = tpu.sem_alloc : memref<!tpu.dma_semaphore, #tpu.memory_space<semaphore_mem>>
      %dma_start3A_66 = arith.constant 0 : i32
      %dma_start3A_67 = tpu.memref_slice %arg15[%add3A_16, %dma_start3A_66] : memref<10240x128xf32, #tpu.memory_space<vmem_shared>> -> memref<128x128xf32, #tpu.memory_space<vmem_shared>>
      %dma_start3A_68 = arith.constant 0 : i32
      %dma_start3A_69 = tpu.memref_slice %arg15[%add3A_16, %dma_start3A_68] : memref<10240x128xf32, #tpu.memory_space<vmem_shared>> -> memref<128x128xf32, #tpu.memory_space<vmem_shared>>
      tpu.enqueue_dma source(%arg8 : memref<128x128xf32, #tpu.memory_space<vmem>>) target(%dma_start3A_69 : memref<128x128xf32, #tpu.memory_space<vmem_shared>>) target_semaphore(%run_scoped3A : memref<!tpu.dma_semaphore, #tpu.memory_space<semaphore_mem>>)
      %dma_wait3A_70 = arith.constant 0 : i32
      %dma_wait3A_71 = tpu.memref_slice %arg15[%add3A_16, %dma_wait3A_70] : memref<10240x128xf32, #tpu.memory_space<vmem_shared>> -> memref<128x128xf32, #tpu.memory_space<vmem_shared>>
      %dma_wait3A_72 = arith.constant 0 : i32
      %dma_wait3A_73 = tpu.memref_slice %arg15[%add3A_16, %dma_wait3A_72] : memref<10240x128xf32, #tpu.memory_space<vmem_shared>> -> memref<128x128xf32, #tpu.memory_space<vmem_shared>>
      tpu.wait_dma2 semaphore(%run_scoped3A : memref<!tpu.dma_semaphore, #tpu.memory_space<semaphore_mem>>) src(%arg8 : memref<128x128xf32, #tpu.memory_space<vmem>>) dst(%dma_wait3A_73 : memref<128x128xf32, #tpu.memory_space<vmem_shared>>)
      tpu.yield
    }) : () -> ()
    %add3A_17 = arith.constant 512 : i32
    %add3A_18 = arith.addi %mul3A_8, %add3A_17 : i32
    "tpu.region"() ({
      %run_scoped3A = tpu.sem_alloc : memref<!tpu.dma_semaphore, #tpu.memory_space<semaphore_mem>>
      %dma_start3A_66 = arith.constant 0 : i32
      %dma_start3A_67 = tpu.memref_slice %arg15[%add3A_18, %dma_start3A_66] : memref<10240x128xf32, #tpu.memory_space<vmem_shared>> -> memref<128x128xf32, #tpu.memory_space<vmem_shared>>
      %dma_start3A_68 = arith.constant 0 : i32
      %dma_start3A_69 = tpu.memref_slice %arg15[%add3A_18, %dma_start3A_68] : memref<10240x128xf32, #tpu.memory_space<vmem_shared>> -> memref<128x128xf32, #tpu.memory_space<vmem_shared>>
      tpu.enqueue_dma source(%arg8 : memref<128x128xf32, #tpu.memory_space<vmem>>) target(%dma_start3A_69 : memref<128x128xf32, #tpu.memory_space<vmem_shared>>) target_semaphore(%run_scoped3A : memref<!tpu.dma_semaphore, #tpu.memory_space<semaphore_mem>>)
      %dma_wait3A_70 = arith.constant 0 : i32
      %dma_wait3A_71 = tpu.memref_slice %arg15[%add3A_18, %dma_wait3A_70] : memref<10240x128xf32, #tpu.memory_space<vmem_shared>> -> memref<128x128xf32, #tpu.memory_space<vmem_shared>>
      %dma_wait3A_72 = arith.constant 0 : i32
      %dma_wait3A_73 = tpu.memref_slice %arg15[%add3A_18, %dma_wait3A_72] : memref<10240x128xf32, #tpu.memory_space<vmem_shared>> -> memref<128x128xf32, #tpu.memory_space<vmem_shared>>
      tpu.wait_dma2 semaphore(%run_scoped3A : memref<!tpu.dma_semaphore, #tpu.memory_space<semaphore_mem>>) src(%arg8 : memref<128x128xf32, #tpu.memory_space<vmem>>) dst(%dma_wait3A_73 : memref<128x128xf32, #tpu.memory_space<vmem_shared>>)
      tpu.yield
    }) : () -> ()
    %barrier3A = arith.constant 0 : index
    tpu.barrier barrier_id(%barrier3A)
    %mul3A_19 = arith.constant 10000 : i32
    %mul3A_20 = arith.muli %add3A, %mul3A_19 : i32
    %add3A_21 = arith.constant 0 : i32
    %add3A_22 = arith.addi %mul3A_20, %add3A_21 : i32
    %dma_start3A = tpu.memref_slice %arg3[%add3A_22] : memref<320000xi32, #tpu.memory_space<hbm>> -> memref<128xi32, #tpu.memory_space<hbm>>
    %dma_start3A_23 = tpu.memref_slice %arg3[%add3A_22] : memref<320000xi32, #tpu.memory_space<hbm>> -> memref<128xi32, #tpu.memory_space<hbm>>
    tpu.enqueue_dma source(%dma_start3A_23 : memref<128xi32, #tpu.memory_space<hbm>>) target(%arg6 : memref<128xi32, #tpu.memory_space<vmem>>) target_semaphore(%arg16 : memref<!tpu.dma_semaphore, #tpu.memory_space<semaphore_mem>>)
    %dma_start3A_24 = tpu.memref_slice %arg4[%add3A_22] : memref<320000xi32, #tpu.memory_space<hbm>> -> memref<128xi32, #tpu.memory_space<hbm>>
    %dma_start3A_25 = tpu.memref_slice %arg4[%add3A_22] : memref<320000xi32, #tpu.memory_space<hbm>> -> memref<128xi32, #tpu.memory_space<hbm>>
    tpu.enqueue_dma source(%dma_start3A_25 : memref<128xi32, #tpu.memory_space<hbm>>) target(%arg7 : memref<128xi32, #tpu.memory_space<vmem>>) target_semaphore(%arg16 : memref<!tpu.dma_semaphore, #tpu.memory_space<semaphore_mem>>)
    %dma_wait3A = tpu.memref_slice %arg3[%add3A_22] : memref<320000xi32, #tpu.memory_space<hbm>> -> memref<128xi32, #tpu.memory_space<hbm>>
    %dma_wait3A_26 = tpu.memref_slice %arg3[%add3A_22] : memref<320000xi32, #tpu.memory_space<hbm>> -> memref<128xi32, #tpu.memory_space<hbm>>
    tpu.wait_dma2 semaphore(%arg16 : memref<!tpu.dma_semaphore, #tpu.memory_space<semaphore_mem>>) src(%dma_wait3A_26 : memref<128xi32, #tpu.memory_space<hbm>>) dst(%arg6 : memref<128xi32, #tpu.memory_space<vmem>>)
    %dma_wait3A_27 = tpu.memref_slice %arg4[%add3A_22] : memref<320000xi32, #tpu.memory_space<hbm>> -> memref<128xi32, #tpu.memory_space<hbm>>
    %dma_wait3A_28 = tpu.memref_slice %arg4[%add3A_22] : memref<320000xi32, #tpu.memory_space<hbm>> -> memref<128xi32, #tpu.memory_space<hbm>>
    tpu.wait_dma2 semaphore(%arg16 : memref<!tpu.dma_semaphore, #tpu.memory_space<semaphore_mem>>) src(%dma_wait3A_28 : memref<128xi32, #tpu.memory_space<hbm>>) dst(%arg7 : memref<128xi32, #tpu.memory_space<vmem>>)
    %dma_start3A_29 = arith.constant 0 : i32
    %dma_start3A_30 = arith.constant 0 : i32
    %dma_start3A_31 = tpu.memref_slice %arg2[%dma_start3A_29, %dma_start3A_30] : memref<10000x128xf32, #tpu.memory_space<hbm>> -> memref<10000x128xf32, #tpu.memory_space<hbm>>
    tpu.enqueue_indirect_dma source(%dma_start3A_31 : memref<10000x128xf32, #tpu.memory_space<hbm>>) target(%arg8 : memref<128x128xf32, #tpu.memory_space<vmem>>) offsets(%arg6 : memref<128xi32, #tpu.memory_space<vmem>>) semaphore(%arg18 : memref<!tpu.dma_semaphore, #tpu.memory_space<semaphore_mem>>)
    %add3A_32 = arith.constant 128 : i32
    %add3A_33 = arith.addi %mul3A_20, %add3A_32 : i32
    %dma_start3A_34 = tpu.memref_slice %arg3[%add3A_33] : memref<320000xi32, #tpu.memory_space<hbm>> -> memref<128xi32, #tpu.memory_space<hbm>>
    %dma_start3A_35 = tpu.memref_slice %arg3[%add3A_33] : memref<320000xi32, #tpu.memory_space<hbm>> -> memref<128xi32, #tpu.memory_space<hbm>>
    tpu.enqueue_dma source(%dma_start3A_35 : memref<128xi32, #tpu.memory_space<hbm>>) target(%arg9 : memref<128xi32, #tpu.memory_space<vmem>>) target_semaphore(%arg17 : memref<!tpu.dma_semaphore, #tpu.memory_space<semaphore_mem>>)
    %dma_start3A_36 = tpu.memref_slice %arg4[%add3A_33] : memref<320000xi32, #tpu.memory_space<hbm>> -> memref<128xi32, #tpu.memory_space<hbm>>
    %dma_start3A_37 = tpu.memref_slice %arg4[%add3A_33] : memref<320000xi32, #tpu.memory_space<hbm>> -> memref<128xi32, #tpu.memory_space<hbm>>
    tpu.enqueue_dma source(%dma_start3A_37 : memref<128xi32, #tpu.memory_space<hbm>>) target(%arg10 : memref<128xi32, #tpu.memory_space<vmem>>) target_semaphore(%arg17 : memref<!tpu.dma_semaphore, #tpu.memory_space<semaphore_mem>>)
    %scan3A_38 = arith.constant 0 : i32
    %scan3A_39 = arith.constant 0 : i32
    %scan3A_40 = arith.constant 38 : i32
    %scan3A_41 = arith.addi %scan3A_39, %scan3A_40 : i32
    %scan3A_42 = arith.constant 1 : i32
    scf.for %scan3A_66 = %scan3A_39 to %scan3A_41 step %scan3A_42  : i32 {
      %mul3A_67 = arith.constant 2 : i32
      %mul3A_68 = arith.muli %mul3A_67, %scan3A_66 : i32
      %add3A_69 = arith.constant 1 : i32
      %add3A_70 = arith.addi %mul3A_68, %add3A_69 : i32
      %dma_wait3A_71 = tpu.memref_slice %arg3[%add3A_33] : memref<320000xi32, #tpu.memory_space<hbm>> -> memref<128xi32, #tpu.memory_space<hbm>>
      %dma_wait3A_72 = tpu.memref_slice %arg3[%add3A_33] : memref<320000xi32, #tpu.memory_space<hbm>> -> memref<128xi32, #tpu.memory_space<hbm>>
      tpu.wait_dma2 semaphore(%arg17 : memref<!tpu.dma_semaphore, #tpu.memory_space<semaphore_mem>>) src(%dma_wait3A_72 : memref<128xi32, #tpu.memory_space<hbm>>) dst(%arg9 : memref<128xi32, #tpu.memory_space<vmem>>)
      %dma_wait3A_73 = tpu.memref_slice %arg4[%add3A_33] : memref<320000xi32, #tpu.memory_space<hbm>> -> memref<128xi32, #tpu.memory_space<hbm>>
      %dma_wait3A_74 = tpu.memref_slice %arg4[%add3A_33] : memref<320000xi32, #tpu.memory_space<hbm>> -> memref<128xi32, #tpu.memory_space<hbm>>
      tpu.wait_dma2 semaphore(%arg17 : memref<!tpu.dma_semaphore, #tpu.memory_space<semaphore_mem>>) src(%dma_wait3A_74 : memref<128xi32, #tpu.memory_space<hbm>>) dst(%arg10 : memref<128xi32, #tpu.memory_space<vmem>>)
      %dma_start3A_75 = arith.constant 0 : i32
      %dma_start3A_76 = arith.constant 0 : i32
      %dma_start3A_77 = tpu.memref_slice %arg2[%dma_start3A_75, %dma_start3A_76] : memref<10000x128xf32, #tpu.memory_space<hbm>> -> memref<10000x128xf32, #tpu.memory_space<hbm>>
      tpu.enqueue_indirect_dma source(%dma_start3A_77 : memref<10000x128xf32, #tpu.memory_space<hbm>>) target(%arg11 : memref<128x128xf32, #tpu.memory_space<vmem>>) offsets(%arg9 : memref<128xi32, #tpu.memory_space<vmem>>) semaphore(%arg19 : memref<!tpu.dma_semaphore, #tpu.memory_space<semaphore_mem>>)
      %dma_wait3A_78 = arith.constant 0 : i32
      %dma_wait3A_79 = arith.constant 0 : i32
      %dma_wait3A_80 = tpu.memref_slice %arg2[%dma_wait3A_78, %dma_wait3A_79] : memref<10000x128xf32, #tpu.memory_space<hbm>> -> memref<10000x128xf32, #tpu.memory_space<hbm>>
      tpu.wait_indirect_dma semaphore(%arg18 : memref<!tpu.dma_semaphore, #tpu.memory_space<semaphore_mem>>) src(%dma_wait3A_80 : memref<10000x128xf32, #tpu.memory_space<hbm>>) dst(%arg8 : memref<128x128xf32, #tpu.memory_space<vmem>>)
      "tpu.region"() ({
        %run_scoped3A = tpu.sem_alloc : memref<!tpu.dma_semaphore, #tpu.memory_space<semaphore_mem>>
        %dma_start3A_109 = arith.constant 0 : i32
        %dma_start3A_110 = arith.constant 0 : i32
        %dma_start3A_111 = tpu.memref_slice %arg15[%dma_start3A_109, %dma_start3A_110] : memref<10240x128xf32, #tpu.memory_space<vmem_shared>> -> memref<10240x128xf32, #tpu.memory_space<vmem_shared>>
        tpu.enqueue_indirect_dma source(%arg8 : memref<128x128xf32, #tpu.memory_space<vmem>>) target(%dma_start3A_111 : memref<10240x128xf32, #tpu.memory_space<vmem_shared>>) offsets(%arg7 : memref<128xi32, #tpu.memory_space<vmem>>) semaphore(%run_scoped3A : memref<!tpu.dma_semaphore, #tpu.memory_space<semaphore_mem>>) {add = true}
        %dma_wait3A_112 = arith.constant 0 : i32
        %dma_wait3A_113 = arith.constant 0 : i32
        %dma_wait3A_114 = tpu.memref_slice %arg15[%dma_wait3A_112, %dma_wait3A_113] : memref<10240x128xf32, #tpu.memory_space<vmem_shared>> -> memref<10240x128xf32, #tpu.memory_space<vmem_shared>>
        tpu.wait_indirect_dma semaphore(%run_scoped3A : memref<!tpu.dma_semaphore, #tpu.memory_space<semaphore_mem>>) src(%arg8 : memref<128x128xf32, #tpu.memory_space<vmem>>) dst(%dma_wait3A_114 : memref<10240x128xf32, #tpu.memory_space<vmem_shared>>)
        tpu.yield
      }) : () -> ()
      %add3A_81 = arith.constant 1 : i32
      %add3A_82 = arith.addi %add3A_70, %add3A_81 : i32
      %mul3A_83 = arith.constant 128 : i32
      %mul3A_84 = arith.muli %add3A_82, %mul3A_83 : i32
      %add3A_85 = arith.addi %mul3A_20, %mul3A_84 : i32
      %dma_start3A_86 = tpu.memref_slice %arg3[%add3A_85] : memref<320000xi32, #tpu.memory_space<hbm>> -> memref<128xi32, #tpu.memory_space<hbm>>
      %dma_start3A_87 = tpu.memref_slice %arg3[%add3A_85] : memref<320000xi32, #tpu.memory_space<hbm>> -> memref<128xi32, #tpu.memory_space<hbm>>
      tpu.enqueue_dma source(%dma_start3A_87 : memref<128xi32, #tpu.memory_space<hbm>>) target(%arg6 : memref<128xi32, #tpu.memory_space<vmem>>) target_semaphore(%arg16 : memref<!tpu.dma_semaphore, #tpu.memory_space<semaphore_mem>>)
      %dma_start3A_88 = tpu.memref_slice %arg4[%add3A_85] : memref<320000xi32, #tpu.memory_space<hbm>> -> memref<128xi32, #tpu.memory_space<hbm>>
      %dma_start3A_89 = tpu.memref_slice %arg4[%add3A_85] : memref<320000xi32, #tpu.memory_space<hbm>> -> memref<128xi32, #tpu.memory_space<hbm>>
      tpu.enqueue_dma source(%dma_start3A_89 : memref<128xi32, #tpu.memory_space<hbm>>) target(%arg7 : memref<128xi32, #tpu.memory_space<vmem>>) target_semaphore(%arg16 : memref<!tpu.dma_semaphore, #tpu.memory_space<semaphore_mem>>)
      %dma_wait3A_90 = tpu.memref_slice %arg3[%add3A_85] : memref<320000xi32, #tpu.memory_space<hbm>> -> memref<128xi32, #tpu.memory_space<hbm>>
      %dma_wait3A_91 = tpu.memref_slice %arg3[%add3A_85] : memref<320000xi32, #tpu.memory_space<hbm>> -> memref<128xi32, #tpu.memory_space<hbm>>
      tpu.wait_dma2 semaphore(%arg16 : memref<!tpu.dma_semaphore, #tpu.memory_space<semaphore_mem>>) src(%dma_wait3A_91 : memref<128xi32, #tpu.memory_space<hbm>>) dst(%arg6 : memref<128xi32, #tpu.memory_space<vmem>>)
      %dma_wait3A_92 = tpu.memref_slice %arg4[%add3A_85] : memref<320000xi32, #tpu.memory_space<hbm>> -> memref<128xi32, #tpu.memory_space<hbm>>
      %dma_wait3A_93 = tpu.memref_slice %arg4[%add3A_85] : memref<320000xi32, #tpu.memory_space<hbm>> -> memref<128xi32, #tpu.memory_space<hbm>>
      tpu.wait_dma2 semaphore(%arg16 : memref<!tpu.dma_semaphore, #tpu.memory_space<semaphore_mem>>) src(%dma_wait3A_93 : memref<128xi32, #tpu.memory_space<hbm>>) dst(%arg7 : memref<128xi32, #tpu.memory_space<vmem>>)
      %dma_start3A_94 = arith.constant 0 : i32
      %dma_start3A_95 = arith.constant 0 : i32
      %dma_start3A_96 = tpu.memref_slice %arg2[%dma_start3A_94, %dma_start3A_95] : memref<10000x128xf32, #tpu.memory_space<hbm>> -> memref<10000x128xf32, #tpu.memory_space<hbm>>
      tpu.enqueue_indirect_dma source(%dma_start3A_96 : memref<10000x128xf32, #tpu.memory_space<hbm>>) target(%arg8 : memref<128x128xf32, #tpu.memory_space<vmem>>) offsets(%arg6 : memref<128xi32, #tpu.memory_space<vmem>>) semaphore(%arg18 : memref<!tpu.dma_semaphore, #tpu.memory_space<semaphore_mem>>)
      %dma_wait3A_97 = arith.constant 0 : i32
      %dma_wait3A_98 = arith.constant 0 : i32
      %dma_wait3A_99 = tpu.memref_slice %arg2[%dma_wait3A_97, %dma_wait3A_98] : memref<10000x128xf32, #tpu.memory_space<hbm>> -> memref<10000x128xf32, #tpu.memory_space<hbm>>
      tpu.wait_indirect_dma semaphore(%arg19 : memref<!tpu.dma_semaphore, #tpu.memory_space<semaphore_mem>>) src(%dma_wait3A_99 : memref<10000x128xf32, #tpu.memory_space<hbm>>) dst(%arg11 : memref<128x128xf32, #tpu.memory_space<vmem>>)
      "tpu.region"() ({
        %run_scoped3A = tpu.sem_alloc : memref<!tpu.dma_semaphore, #tpu.memory_space<semaphore_mem>>
        %dma_start3A_109 = arith.constant 0 : i32
        %dma_start3A_110 = arith.constant 0 : i32
        %dma_start3A_111 = tpu.memref_slice %arg15[%dma_start3A_109, %dma_start3A_110] : memref<10240x128xf32, #tpu.memory_space<vmem_shared>> -> memref<10240x128xf32, #tpu.memory_space<vmem_shared>>
        tpu.enqueue_indirect_dma source(%arg11 : memref<128x128xf32, #tpu.memory_space<vmem>>) target(%dma_start3A_111 : memref<10240x128xf32, #tpu.memory_space<vmem_shared>>) offsets(%arg10 : memref<128xi32, #tpu.memory_space<vmem>>) semaphore(%run_scoped3A : memref<!tpu.dma_semaphore, #tpu.memory_space<semaphore_mem>>) {add = true}
        %dma_wait3A_112 = arith.constant 0 : i32
        %dma_wait3A_113 = arith.constant 0 : i32
        %dma_wait3A_114 = tpu.memref_slice %arg15[%dma_wait3A_112, %dma_wait3A_113] : memref<10240x128xf32, #tpu.memory_space<vmem_shared>> -> memref<10240x128xf32, #tpu.memory_space<vmem_shared>>
        tpu.wait_indirect_dma semaphore(%run_scoped3A : memref<!tpu.dma_semaphore, #tpu.memory_space<semaphore_mem>>) src(%arg11 : memref<128x128xf32, #tpu.memory_space<vmem>>) dst(%dma_wait3A_114 : memref<10240x128xf32, #tpu.memory_space<vmem_shared>>)
        tpu.yield
      }) : () -> ()
      %add3A_100 = arith.constant 2 : i32
      %add3A_101 = arith.addi %add3A_70, %add3A_100 : i32
      %mul3A_102 = arith.constant 128 : i32
      %mul3A_103 = arith.muli %add3A_101, %mul3A_102 : i32
      %add3A_104 = arith.addi %mul3A_20, %mul3A_103 : i32
      %dma_start3A_105 = tpu.memref_slice %arg3[%add3A_104] : memref<320000xi32, #tpu.memory_space<hbm>> -> memref<128xi32, #tpu.memory_space<hbm>>
      %dma_start3A_106 = tpu.memref_slice %arg3[%add3A_104] : memref<320000xi32, #tpu.memory_space<hbm>> -> memref<128xi32, #tpu.memory_space<hbm>>
      tpu.enqueue_dma source(%dma_start3A_106 : memref<128xi32, #tpu.memory_space<hbm>>) target(%arg9 : memref<128xi32, #tpu.memory_space<vmem>>) target_semaphore(%arg17 : memref<!tpu.dma_semaphore, #tpu.memory_space<semaphore_mem>>)
      %dma_start3A_107 = tpu.memref_slice %arg4[%add3A_104] : memref<320000xi32, #tpu.memory_space<hbm>> -> memref<128xi32, #tpu.memory_space<hbm>>
      %dma_start3A_108 = tpu.memref_slice %arg4[%add3A_104] : memref<320000xi32, #tpu.memory_space<hbm>> -> memref<128xi32, #tpu.memory_space<hbm>>
      tpu.enqueue_dma source(%dma_start3A_108 : memref<128xi32, #tpu.memory_space<hbm>>) target(%arg10 : memref<128xi32, #tpu.memory_space<vmem>>) target_semaphore(%arg17 : memref<!tpu.dma_semaphore, #tpu.memory_space<semaphore_mem>>)
    }
    %scan3A_43 = arith.constant 38 : i32
    %dma_wait3A_44 = tpu.memref_slice %arg3[%add3A_33] : memref<320000xi32, #tpu.memory_space<hbm>> -> memref<128xi32, #tpu.memory_space<hbm>>
    %dma_wait3A_45 = tpu.memref_slice %arg3[%add3A_33] : memref<320000xi32, #tpu.memory_space<hbm>> -> memref<128xi32, #tpu.memory_space<hbm>>
    tpu.wait_dma2 semaphore(%arg17 : memref<!tpu.dma_semaphore, #tpu.memory_space<semaphore_mem>>) src(%dma_wait3A_45 : memref<128xi32, #tpu.memory_space<hbm>>) dst(%arg9 : memref<128xi32, #tpu.memory_space<vmem>>)
    %dma_wait3A_46 = tpu.memref_slice %arg4[%add3A_33] : memref<320000xi32, #tpu.memory_space<hbm>> -> memref<128xi32, #tpu.memory_space<hbm>>
    %dma_wait3A_47 = tpu.memref_slice %arg4[%add3A_33] : memref<320000xi32, #tpu.memory_space<hbm>> -> memref<128xi32, #tpu.memory_space<hbm>>
    tpu.wait_dma2 semaphore(%arg17 : memref<!tpu.dma_semaphore, #tpu.memory_space<semaphore_mem>>) src(%dma_wait3A_47 : memref<128xi32, #tpu.memory_space<hbm>>) dst(%arg10 : memref<128xi32, #tpu.memory_space<vmem>>)
    %dma_start3A_48 = arith.constant 0 : i32
    %dma_start3A_49 = arith.constant 0 : i32
    %dma_start3A_50 = tpu.memref_slice %arg2[%dma_start3A_48, %dma_start3A_49] : memref<10000x128xf32, #tpu.memory_space<hbm>> -> memref<10000x128xf32, #tpu.memory_space<hbm>>
    tpu.enqueue_indirect_dma source(%dma_start3A_50 : memref<10000x128xf32, #tpu.memory_space<hbm>>) target(%arg11 : memref<128x128xf32, #tpu.memory_space<vmem>>) offsets(%arg9 : memref<128xi32, #tpu.memory_space<vmem>>) semaphore(%arg19 : memref<!tpu.dma_semaphore, #tpu.memory_space<semaphore_mem>>)
    %dma_wait3A_51 = arith.constant 0 : i32
    %dma_wait3A_52 = arith.constant 0 : i32
    %dma_wait3A_53 = tpu.memref_slice %arg2[%dma_wait3A_51, %dma_wait3A_52] : memref<10000x128xf32, #tpu.memory_space<hbm>> -> memref<10000x128xf32, #tpu.memory_space<hbm>>
    tpu.wait_indirect_dma semaphore(%arg18 : memref<!tpu.dma_semaphore, #tpu.memory_space<semaphore_mem>>) src(%dma_wait3A_53 : memref<10000x128xf32, #tpu.memory_space<hbm>>) dst(%arg8 : memref<128x128xf32, #tpu.memory_space<vmem>>)
    "tpu.region"() ({
      %run_scoped3A = tpu.sem_alloc : memref<!tpu.dma_semaphore, #tpu.memory_space<semaphore_mem>>
      %dma_start3A_66 = arith.constant 0 : i32
      %dma_start3A_67 = arith.constant 0 : i32
      %dma_start3A_68 = tpu.memref_slice %arg15[%dma_start3A_66, %dma_start3A_67] : memref<10240x128xf32, #tpu.memory_space<vmem_shared>> -> memref<10240x128xf32, #tpu.memory_space<vmem_shared>>
      tpu.enqueue_indirect_dma source(%arg8 : memref<128x128xf32, #tpu.memory_space<vmem>>) target(%dma_start3A_68 : memref<10240x128xf32, #tpu.memory_space<vmem_shared>>) offsets(%arg7 : memref<128xi32, #tpu.memory_space<vmem>>) semaphore(%run_scoped3A : memref<!tpu.dma_semaphore, #tpu.memory_space<semaphore_mem>>) {add = true}
      %dma_wait3A_69 = arith.constant 0 : i32
      %dma_wait3A_70 = arith.constant 0 : i32
      %dma_wait3A_71 = tpu.memref_slice %arg15[%dma_wait3A_69, %dma_wait3A_70] : memref<10240x128xf32, #tpu.memory_space<vmem_shared>> -> memref<10240x128xf32, #tpu.memory_space<vmem_shared>>
      tpu.wait_indirect_dma semaphore(%run_scoped3A : memref<!tpu.dma_semaphore, #tpu.memory_space<semaphore_mem>>) src(%arg8 : memref<128x128xf32, #tpu.memory_space<vmem>>) dst(%dma_wait3A_71 : memref<10240x128xf32, #tpu.memory_space<vmem_shared>>)
      tpu.yield
    }) : () -> ()
    %dma_wait3A_54 = arith.constant 0 : i32
    %dma_wait3A_55 = arith.constant 0 : i32
    %dma_wait3A_56 = tpu.memref_slice %arg2[%dma_wait3A_54, %dma_wait3A_55] : memref<10000x128xf32, #tpu.memory_space<hbm>> -> memref<10000x128xf32, #tpu.memory_space<hbm>>
    tpu.wait_indirect_dma semaphore(%arg19 : memref<!tpu.dma_semaphore, #tpu.memory_space<semaphore_mem>>) src(%dma_wait3A_56 : memref<10000x128xf32, #tpu.memory_space<hbm>>) dst(%arg11 : memref<128x128xf32, #tpu.memory_space<vmem>>)
    "tpu.region"() ({
      %run_scoped3A = tpu.sem_alloc : memref<!tpu.dma_semaphore, #tpu.memory_space<semaphore_mem>>
      %dma_start3A_66 = arith.constant 0 : i32
      %dma_start3A_67 = arith.constant 0 : i32
      %dma_start3A_68 = tpu.memref_slice %arg15[%dma_start3A_66, %dma_start3A_67] : memref<10240x128xf32, #tpu.memory_space<vmem_shared>> -> memref<10240x128xf32, #tpu.memory_space<vmem_shared>>
      tpu.enqueue_indirect_dma source(%arg11 : memref<128x128xf32, #tpu.memory_space<vmem>>) target(%dma_start3A_68 : memref<10240x128xf32, #tpu.memory_space<vmem_shared>>) offsets(%arg10 : memref<128xi32, #tpu.memory_space<vmem>>) semaphore(%run_scoped3A : memref<!tpu.dma_semaphore, #tpu.memory_space<semaphore_mem>>) {add = true}
      %dma_wait3A_69 = arith.constant 0 : i32
      %dma_wait3A_70 = arith.constant 0 : i32
      %dma_wait3A_71 = tpu.memref_slice %arg15[%dma_wait3A_69, %dma_wait3A_70] : memref<10240x128xf32, #tpu.memory_space<vmem_shared>> -> memref<10240x128xf32, #tpu.memory_space<vmem_shared>>
      tpu.wait_indirect_dma semaphore(%run_scoped3A : memref<!tpu.dma_semaphore, #tpu.memory_space<semaphore_mem>>) src(%arg11 : memref<128x128xf32, #tpu.memory_space<vmem>>) dst(%dma_wait3A_71 : memref<10240x128xf32, #tpu.memory_space<vmem_shared>>)
      tpu.yield
    }) : () -> ()
    %add3A_57 = arith.constant 9984 : i32
    %add3A_58 = arith.addi %mul3A_20, %add3A_57 : i32
    "tpu.region"() ({
      %run_scoped3A = tpu.sem_alloc : memref<!tpu.dma_semaphore, #tpu.memory_space<semaphore_mem>>
      %dma_start3A_66 = tpu.memref_slice %arg3[%add3A_58] : memref<320000xi32, #tpu.memory_space<hbm>> -> memref<16xi32, #tpu.memory_space<hbm>>
      %dma_start3A_67 = tpu.memref_slice %arg3[%add3A_58] : memref<320000xi32, #tpu.memory_space<hbm>> -> memref<16xi32, #tpu.memory_space<hbm>>
      tpu.enqueue_dma source(%dma_start3A_67 : memref<16xi32, #tpu.memory_space<hbm>>) target(%arg12 : memref<16xi32, #tpu.memory_space<vmem>>) target_semaphore(%run_scoped3A : memref<!tpu.dma_semaphore, #tpu.memory_space<semaphore_mem>>)
      %dma_wait3A_68 = tpu.memref_slice %arg3[%add3A_58] : memref<320000xi32, #tpu.memory_space<hbm>> -> memref<16xi32, #tpu.memory_space<hbm>>
      %dma_wait3A_69 = tpu.memref_slice %arg3[%add3A_58] : memref<320000xi32, #tpu.memory_space<hbm>> -> memref<16xi32, #tpu.memory_space<hbm>>
      tpu.wait_dma2 semaphore(%run_scoped3A : memref<!tpu.dma_semaphore, #tpu.memory_space<semaphore_mem>>) src(%dma_wait3A_69 : memref<16xi32, #tpu.memory_space<hbm>>) dst(%arg12 : memref<16xi32, #tpu.memory_space<vmem>>)
      tpu.yield
    }) : () -> ()
    "tpu.region"() ({
      %run_scoped3A = tpu.sem_alloc : memref<!tpu.dma_semaphore, #tpu.memory_space<semaphore_mem>>
      %dma_start3A_66 = tpu.memref_slice %arg4[%add3A_58] : memref<320000xi32, #tpu.memory_space<hbm>> -> memref<16xi32, #tpu.memory_space<hbm>>
      %dma_start3A_67 = tpu.memref_slice %arg4[%add3A_58] : memref<320000xi32, #tpu.memory_space<hbm>> -> memref<16xi32, #tpu.memory_space<hbm>>
      tpu.enqueue_dma source(%dma_start3A_67 : memref<16xi32, #tpu.memory_space<hbm>>) target(%arg13 : memref<16xi32, #tpu.memory_space<vmem>>) target_semaphore(%run_scoped3A : memref<!tpu.dma_semaphore, #tpu.memory_space<semaphore_mem>>)
      %dma_wait3A_68 = tpu.memref_slice %arg4[%add3A_58] : memref<320000xi32, #tpu.memory_space<hbm>> -> memref<16xi32, #tpu.memory_space<hbm>>
      %dma_wait3A_69 = tpu.memref_slice %arg4[%add3A_58] : memref<320000xi32, #tpu.memory_space<hbm>> -> memref<16xi32, #tpu.memory_space<hbm>>
      tpu.wait_dma2 semaphore(%run_scoped3A : memref<!tpu.dma_semaphore, #tpu.memory_space<semaphore_mem>>) src(%dma_wait3A_69 : memref<16xi32, #tpu.memory_space<hbm>>) dst(%arg13 : memref<16xi32, #tpu.memory_space<vmem>>)
      tpu.yield
    }) : () -> ()
    %dma_start3A_59 = arith.constant 0 : i32
    %dma_start3A_60 = arith.constant 0 : i32
    %dma_start3A_61 = tpu.memref_slice %arg2[%dma_start3A_59, %dma_start3A_60] : memref<10000x128xf32, #tpu.memory_space<hbm>> -> memref<10000x128xf32, #tpu.memory_space<hbm>>
    tpu.enqueue_indirect_dma source(%dma_start3A_61 : memref<10000x128xf32, #tpu.memory_space<hbm>>) target(%arg14 : memref<16x128xf32, #tpu.memory_space<vmem>>) offsets(%arg12 : memref<16xi32, #tpu.memory_space<vmem>>) semaphore(%arg18 : memref<!tpu.dma_semaphore, #tpu.memory_space<semaphore_mem>>)
    %dma_wait3A_62 = arith.constant 0 : i32
    %dma_wait3A_63 = arith.constant 0 : i32
    %dma_wait3A_64 = tpu.memref_slice %arg2[%dma_wait3A_62, %dma_wait3A_63] : memref<10000x128xf32, #tpu.memory_space<hbm>> -> memref<10000x128xf32, #tpu.memory_space<hbm>>
    tpu.wait_indirect_dma semaphore(%arg18 : memref<!tpu.dma_semaphore, #tpu.memory_space<semaphore_mem>>) src(%dma_wait3A_64 : memref<10000x128xf32, #tpu.memory_space<hbm>>) dst(%arg14 : memref<16x128xf32, #tpu.memory_space<vmem>>)
    "tpu.region"() ({
      %run_scoped3A = tpu.sem_alloc : memref<!tpu.dma_semaphore, #tpu.memory_space<semaphore_mem>>
      %dma_start3A_66 = arith.constant 0 : i32
      %dma_start3A_67 = arith.constant 0 : i32
      %dma_start3A_68 = tpu.memref_slice %arg15[%dma_start3A_66, %dma_start3A_67] : memref<10240x128xf32, #tpu.memory_space<vmem_shared>> -> memref<10240x128xf32, #tpu.memory_space<vmem_shared>>
      tpu.enqueue_indirect_dma source(%arg14 : memref<16x128xf32, #tpu.memory_space<vmem>>) target(%dma_start3A_68 : memref<10240x128xf32, #tpu.memory_space<vmem_shared>>) offsets(%arg13 : memref<16xi32, #tpu.memory_space<vmem>>) semaphore(%run_scoped3A : memref<!tpu.dma_semaphore, #tpu.memory_space<semaphore_mem>>) {add = true}
      %dma_wait3A_69 = arith.constant 0 : i32
      %dma_wait3A_70 = arith.constant 0 : i32
      %dma_wait3A_71 = tpu.memref_slice %arg15[%dma_wait3A_69, %dma_wait3A_70] : memref<10240x128xf32, #tpu.memory_space<vmem_shared>> -> memref<10240x128xf32, #tpu.memory_space<vmem_shared>>
      tpu.wait_indirect_dma semaphore(%run_scoped3A : memref<!tpu.dma_semaphore, #tpu.memory_space<semaphore_mem>>) src(%arg14 : memref<16x128xf32, #tpu.memory_space<vmem>>) dst(%dma_wait3A_71 : memref<10240x128xf32, #tpu.memory_space<vmem_shared>>)
      tpu.yield
    }) : () -> ()
    %barrier3A_65 = arith.constant 0 : index
    tpu.barrier barrier_id(%barrier3A_65)
    "tpu.region"() ({
      %run_scoped3A = tpu.sem_alloc : memref<!tpu.dma_semaphore, #tpu.memory_space<semaphore_mem>>
      %dma_start3A_66 = arith.constant 0 : i32
      %dma_start3A_67 = tpu.memref_slice %arg5[%arg0, %mul3A_8, %dma_start3A_66] : memref<2x10240x128xf32, #tpu.memory_space<hbm>> -> memref<1x640x128xf32, #tpu.memory_space<hbm>>
      %dma_start3A_68 = tpu.memref_squeeze %dma_start3A_67 : memref<1x640x128xf32, #tpu.memory_space<hbm>> -> memref<640x128xf32, #tpu.memory_space<hbm>>
      %dma_start3A_69 = arith.constant 0 : i32
      %dma_start3A_70 = tpu.memref_slice %arg15[%mul3A_8, %dma_start3A_69] : memref<10240x128xf32, #tpu.memory_space<vmem_shared>> -> memref<640x128xf32, #tpu.memory_space<vmem_shared>>
      tpu.enqueue_dma source(%dma_start3A_70 : memref<640x128xf32, #tpu.memory_space<vmem_shared>>) target(%dma_start3A_68 : memref<640x128xf32, #tpu.memory_space<hbm>>) target_semaphore(%run_scoped3A : memref<!tpu.dma_semaphore, #tpu.memory_space<semaphore_mem>>)
      %dma_wait3A_71 = arith.constant 0 : i32
      %dma_wait3A_72 = tpu.memref_slice %arg5[%arg0, %mul3A_8, %dma_wait3A_71] : memref<2x10240x128xf32, #tpu.memory_space<hbm>> -> memref<1x640x128xf32, #tpu.memory_space<hbm>>
      %dma_wait3A_73 = tpu.memref_squeeze %dma_wait3A_72 : memref<1x640x128xf32, #tpu.memory_space<hbm>> -> memref<640x128xf32, #tpu.memory_space<hbm>>
      %dma_wait3A_74 = arith.constant 0 : i32
      %dma_wait3A_75 = tpu.memref_slice %arg15[%mul3A_8, %dma_wait3A_74] : memref<10240x128xf32, #tpu.memory_space<vmem_shared>> -> memref<640x128xf32, #tpu.memory_space<vmem_shared>>
      tpu.wait_dma2 semaphore(%run_scoped3A : memref<!tpu.dma_semaphore, #tpu.memory_space<semaphore_mem>>) src(%dma_wait3A_75 : memref<640x128xf32, #tpu.memory_space<vmem_shared>>) dst(%dma_wait3A_73 : memref<640x128xf32, #tpu.memory_space<hbm>>)
      tpu.yield
    }) : () -> ()
    return
  }
}

module attributes {stable_mosaic.version = 14 : i64} {
  func.func @_final_body(%arg0: i32, %arg1: memref<2x1000x128xf32, #tpu.memory_space<vmem>>, %arg2: memref<2x1000x128xf32, #tpu.memory_space<vmem>>, %arg3: memref<1000x128xf32, #tpu.memory_space<vmem>>, %arg4: memref<128x128xf32, #tpu.memory_space<vmem>>, %arg5: memref<1x128xf32, #tpu.memory_space<vmem>>, %arg6: memref<128x128xf32, #tpu.memory_space<vmem>>, %arg7: memref<1x128xf32, #tpu.memory_space<vmem>>, %arg8: memref<1x128xf32, #tpu.memory_space<vmem>>, %arg9: memref<64x128xf32, #tpu.memory_space<vmem>>, %arg10: memref<1x64xf32, #tpu.memory_space<vmem>>, %arg11: memref<32x64xf32, #tpu.memory_space<vmem>>, %arg12: memref<1x32xf32, #tpu.memory_space<vmem>>, %arg13: memref<8x32xf32, #tpu.memory_space<vmem>>, %arg14: memref<1x8xf32, #tpu.memory_space<vmem>>, %arg15: memref<1000x8xf32, #tpu.memory_space<vmem>>) attributes {dimension_semantics = [#tpu.dimension_semantics<arbitrary>], iteration_bounds = array<i64: 10>, scalar_prefetch = 0 : i64, scratch_operands = 0 : i64, tpu.core_type = #tpu.core_type<tc>, window_params = [{transform_indices = @transform_0, window_bounds = array<i64: 2, 1000, 128>}, {transform_indices = @transform_1, window_bounds = array<i64: 2, 1000, 128>}, {transform_indices = @transform_2, window_bounds = array<i64: 1000, 128>}, {pipeline_mode = #tpu.pipeline_mode<synchronous>, transform_indices = @transform_3, window_bounds = array<i64: 128, 128>}, {pipeline_mode = #tpu.pipeline_mode<synchronous>, transform_indices = @transform_4, window_bounds = array<i64: 1, 128>}, {pipeline_mode = #tpu.pipeline_mode<synchronous>, transform_indices = @transform_5, window_bounds = array<i64: 128, 128>}, {pipeline_mode = #tpu.pipeline_mode<synchronous>, transform_indices = @transform_6, window_bounds = array<i64: 1, 128>}, {pipeline_mode = #tpu.pipeline_mode<synchronous>, transform_indices = @transform_7, window_bounds = array<i64: 1, 128>}, {pipeline_mode = #tpu.pipeline_mode<synchronous>, transform_indices = @transform_8, window_bounds = array<i64: 64, 128>}, {pipeline_mode = #tpu.pipeline_mode<synchronous>, transform_indices = @transform_9, window_bounds = array<i64: 1, 64>}, {pipeline_mode = #tpu.pipeline_mode<synchronous>, transform_indices = @transform_10, window_bounds = array<i64: 32, 64>}, {pipeline_mode = #tpu.pipeline_mode<synchronous>, transform_indices = @transform_11, window_bounds = array<i64: 1, 32>}, {pipeline_mode = #tpu.pipeline_mode<synchronous>, transform_indices = @transform_12, window_bounds = array<i64: 8, 32>}, {pipeline_mode = #tpu.pipeline_mode<synchronous>, transform_indices = @transform_13, window_bounds = array<i64: 1, 8>}, {transform_indices = @transform_14, window_bounds = array<i64: 1000, 8>}]} {
    %get3A = arith.constant 0 : index
    %get3A_0 = arith.constant 0 : index
    %get3A_1 = arith.constant 0 : index
    %get3A_2 = vector.load %arg1[%get3A, %get3A_0, %get3A_1] : memref<2x1000x128xf32, #tpu.memory_space<vmem>>, vector<1x1000x128xf32>
    %get3A_3 = vector.shape_cast %get3A_2 : vector<1x1000x128xf32> to vector<1000x128xf32>
    %get3A_4 = arith.constant 1 : index
    %get3A_5 = arith.constant 0 : index
    %get3A_6 = arith.constant 0 : index
    %get3A_7 = vector.load %arg1[%get3A_4, %get3A_5, %get3A_6] : memref<2x1000x128xf32, #tpu.memory_space<vmem>>, vector<1x1000x128xf32>
    %get3A_8 = vector.shape_cast %get3A_7 : vector<1x1000x128xf32> to vector<1000x128xf32>
    %add3A = arith.addf %get3A_3, %get3A_8 : vector<1000x128xf32>
    %get3A_9 = arith.constant 0 : index
    %get3A_10 = arith.constant 0 : index
    %get3A_11 = arith.constant 0 : index
    %get3A_12 = vector.load %arg2[%get3A_9, %get3A_10, %get3A_11] : memref<2x1000x128xf32, #tpu.memory_space<vmem>>, vector<1x1000x1xf32>
    %get3A_13 = vector.shape_cast %get3A_12 : vector<1x1000x1xf32> to vector<1000x1xf32>
    %get3A_14 = arith.constant 1 : index
    %get3A_15 = arith.constant 0 : index
    %get3A_16 = arith.constant 0 : index
    %get3A_17 = vector.load %arg2[%get3A_14, %get3A_15, %get3A_16] : memref<2x1000x128xf32, #tpu.memory_space<vmem>>, vector<1x1000x1xf32>
    %get3A_18 = vector.shape_cast %get3A_17 : vector<1x1000x1xf32> to vector<1000x1xf32>
    %add3A_19 = arith.addf %get3A_13, %get3A_18 : vector<1000x1xf32>
    %max3A = arith.constant 1.000000e+00 : f32
    %max3A_20 = vector.broadcast %max3A : f32 to vector<1000x1xf32>
    %max3A_21 = arith.maximumf %add3A_19, %max3A_20 : vector<1000x1xf32>
    %div3A = vector.broadcast %max3A_21 : vector<1000x1xf32> to vector<1000x128xf32>
    %div3A_22 = arith.divf %add3A, %div3A : vector<1000x128xf32>
    %get3A_23 = arith.constant 0 : index
    %get3A_24 = arith.constant 0 : index
    %get3A_25 = vector.load %arg4[%get3A_23, %get3A_24] : memref<128x128xf32, #tpu.memory_space<vmem>>, vector<128x128xf32>
    %dot_general3A = arith.constant dense<0.000000e+00> : vector<1000x128xf32>
    %dot_general3A_26 = tpu.matmul %div3A_22, %get3A_25, %dot_general3A {dimension_numbers = #tpu.dot_dimension_numbers<[1], [1], [0], [0], [0, 0, 1, 0], [], []>, transpose_lhs_hint = false} : vector<1000x128xf32>, vector<128x128xf32>, vector<1000x128xf32> -> vector<1000x128xf32>
    %get3A_27 = arith.constant 0 : index
    %get3A_28 = arith.constant 0 : index
    %get3A_29 = vector.load %arg5[%get3A_27, %get3A_28] : memref<1x128xf32, #tpu.memory_space<vmem>>, vector<1x128xf32>
    %add3A_30 = vector.broadcast %get3A_29 : vector<1x128xf32> to vector<1000x128xf32>
    %add3A_31 = arith.addf %dot_general3A_26, %add3A_30 : vector<1000x128xf32>
    %get3A_32 = arith.constant 0 : index
    %get3A_33 = arith.constant 0 : index
    %get3A_34 = vector.load %arg3[%get3A_32, %get3A_33] : memref<1000x128xf32, #tpu.memory_space<vmem>>, vector<1000x128xf32>
    %get3A_35 = arith.constant 0 : index
    %get3A_36 = arith.constant 0 : index
    %get3A_37 = vector.load %arg6[%get3A_35, %get3A_36] : memref<128x128xf32, #tpu.memory_space<vmem>>, vector<128x128xf32>
    %dot_general3A_38 = arith.constant dense<0.000000e+00> : vector<1000x128xf32>
    %dot_general3A_39 = tpu.matmul %get3A_34, %get3A_37, %dot_general3A_38 {dimension_numbers = #tpu.dot_dimension_numbers<[1], [1], [0], [0], [0, 0, 1, 0], [], []>, transpose_lhs_hint = false} : vector<1000x128xf32>, vector<128x128xf32>, vector<1000x128xf32> -> vector<1000x128xf32>
    %add3A_40 = arith.addf %add3A_31, %dot_general3A_39 : vector<1000x128xf32>
    %reduce_sum3A = arith.constant dense<0.000000e+00> : vector<1000xf32>
    %reduce_sum3A_41 = vector.multi_reduction <add>, %add3A_40, %reduce_sum3A [1] : vector<1000x128xf32> to vector<1000xf32>
    %broadcast_in_dim3A = vector.shape_cast %reduce_sum3A_41 : vector<1000xf32> to vector<1000x1xf32>
    %div3A_42 = arith.constant 1.280000e+02 : f32
    %div3A_43 = vector.broadcast %div3A_42 : f32 to vector<1000x1xf32>
    %div3A_44 = arith.divf %broadcast_in_dim3A, %div3A_43 : vector<1000x1xf32>
    %sub3A = vector.broadcast %div3A_44 : vector<1000x1xf32> to vector<1000x128xf32>
    %sub3A_45 = arith.subf %add3A_40, %sub3A : vector<1000x128xf32>
    %integer_pow3A = arith.mulf %sub3A_45, %sub3A_45 : vector<1000x128xf32>
    %reduce_sum3A_46 = arith.constant dense<0.000000e+00> : vector<1000xf32>
    %reduce_sum3A_47 = vector.multi_reduction <add>, %integer_pow3A, %reduce_sum3A_46 [1] : vector<1000x128xf32> to vector<1000xf32>
    %broadcast_in_dim3A_48 = vector.shape_cast %reduce_sum3A_47 : vector<1000xf32> to vector<1000x1xf32>
    %div3A_49 = arith.constant 1.280000e+02 : f32
    %div3A_50 = vector.broadcast %div3A_49 : f32 to vector<1000x1xf32>
    %div3A_51 = arith.divf %broadcast_in_dim3A_48, %div3A_50 : vector<1000x1xf32>
    %get3A_52 = arith.constant 0 : index
    %get3A_53 = arith.constant 0 : index
    %get3A_54 = vector.load %arg7[%get3A_52, %get3A_53] : memref<1x128xf32, #tpu.memory_space<vmem>>, vector<1x128xf32>
    %sub3A_55 = vector.broadcast %div3A_44 : vector<1000x1xf32> to vector<1000x128xf32>
    %sub3A_56 = arith.subf %add3A_40, %sub3A_55 : vector<1000x128xf32>
    %mul3A = vector.broadcast %get3A_54 : vector<1x128xf32> to vector<1000x128xf32>
    %mul3A_57 = arith.mulf %mul3A, %sub3A_56 : vector<1000x128xf32>
    %add3A_58 = arith.constant 9.99999974E-6 : f32
    %add3A_59 = vector.broadcast %add3A_58 : f32 to vector<1000x1xf32>
    %add3A_60 = arith.addf %div3A_51, %add3A_59 : vector<1000x1xf32>
    %sqrt3A = math.sqrt %add3A_60 : vector<1000x1xf32>
    %div3A_61 = vector.broadcast %sqrt3A : vector<1000x1xf32> to vector<1000x128xf32>
    %div3A_62 = arith.divf %mul3A_57, %div3A_61 : vector<1000x128xf32>
    %get3A_63 = arith.constant 0 : index
    %get3A_64 = arith.constant 0 : index
    %get3A_65 = vector.load %arg8[%get3A_63, %get3A_64] : memref<1x128xf32, #tpu.memory_space<vmem>>, vector<1x128xf32>
    %add3A_66 = vector.broadcast %get3A_65 : vector<1x128xf32> to vector<1000x128xf32>
    %add3A_67 = arith.addf %div3A_62, %add3A_66 : vector<1000x128xf32>
    %max3A_68 = arith.constant 0.000000e+00 : f32
    %max3A_69 = vector.broadcast %max3A_68 : f32 to vector<1000x128xf32>
    %max3A_70 = arith.maximumf %add3A_67, %max3A_69 : vector<1000x128xf32>
    %get3A_71 = arith.constant 0 : index
    %get3A_72 = arith.constant 0 : index
    %get3A_73 = vector.load %arg9[%get3A_71, %get3A_72] : memref<64x128xf32, #tpu.memory_space<vmem>>, vector<64x128xf32>
    %dot_general3A_74 = arith.constant dense<0.000000e+00> : vector<1000x64xf32>
    %dot_general3A_75 = tpu.matmul %max3A_70, %get3A_73, %dot_general3A_74 {dimension_numbers = #tpu.dot_dimension_numbers<[1], [1], [0], [0], [0, 0, 1, 0], [], []>, transpose_lhs_hint = false} : vector<1000x128xf32>, vector<64x128xf32>, vector<1000x64xf32> -> vector<1000x64xf32>
    %get3A_76 = arith.constant 0 : index
    %get3A_77 = arith.constant 0 : index
    %get3A_78 = vector.load %arg10[%get3A_76, %get3A_77] : memref<1x64xf32, #tpu.memory_space<vmem>>, vector<1x64xf32>
    %add3A_79 = vector.broadcast %get3A_78 : vector<1x64xf32> to vector<1000x64xf32>
    %add3A_80 = arith.addf %dot_general3A_75, %add3A_79 : vector<1000x64xf32>
    %max3A_81 = arith.constant 0.000000e+00 : f32
    %max3A_82 = vector.broadcast %max3A_81 : f32 to vector<1000x64xf32>
    %max3A_83 = arith.maximumf %add3A_80, %max3A_82 : vector<1000x64xf32>
    %get3A_84 = arith.constant 0 : index
    %get3A_85 = arith.constant 0 : index
    %get3A_86 = vector.load %arg11[%get3A_84, %get3A_85] : memref<32x64xf32, #tpu.memory_space<vmem>>, vector<32x64xf32>
    %dot_general3A_87 = arith.constant dense<0.000000e+00> : vector<1000x32xf32>
    %dot_general3A_88 = tpu.matmul %max3A_83, %get3A_86, %dot_general3A_87 {dimension_numbers = #tpu.dot_dimension_numbers<[1], [1], [0], [0], [0, 0, 1, 0], [], []>, transpose_lhs_hint = false} : vector<1000x64xf32>, vector<32x64xf32>, vector<1000x32xf32> -> vector<1000x32xf32>
    %get3A_89 = arith.constant 0 : index
    %get3A_90 = arith.constant 0 : index
    %get3A_91 = vector.load %arg12[%get3A_89, %get3A_90] : memref<1x32xf32, #tpu.memory_space<vmem>>, vector<1x32xf32>
    %add3A_92 = vector.broadcast %get3A_91 : vector<1x32xf32> to vector<1000x32xf32>
    %add3A_93 = arith.addf %dot_general3A_88, %add3A_92 : vector<1000x32xf32>
    %max3A_94 = arith.constant 0.000000e+00 : f32
    %max3A_95 = vector.broadcast %max3A_94 : f32 to vector<1000x32xf32>
    %max3A_96 = arith.maximumf %add3A_93, %max3A_95 : vector<1000x32xf32>
    %get3A_97 = arith.constant 0 : index
    %get3A_98 = arith.constant 0 : index
    %get3A_99 = vector.load %arg13[%get3A_97, %get3A_98] : memref<8x32xf32, #tpu.memory_space<vmem>>, vector<8x32xf32>
    %dot_general3A_100 = arith.constant dense<0.000000e+00> : vector<1000x8xf32>
    %dot_general3A_101 = tpu.matmul %max3A_96, %get3A_99, %dot_general3A_100 {dimension_numbers = #tpu.dot_dimension_numbers<[1], [1], [0], [0], [0, 0, 1, 0], [], []>, transpose_lhs_hint = false} : vector<1000x32xf32>, vector<8x32xf32>, vector<1000x8xf32> -> vector<1000x8xf32>
    %get3A_102 = arith.constant 0 : index
    %get3A_103 = arith.constant 0 : index
    %get3A_104 = vector.load %arg14[%get3A_102, %get3A_103] : memref<1x8xf32, #tpu.memory_space<vmem>>, vector<1x8xf32>
    %add3A_105 = vector.broadcast %get3A_104 : vector<1x8xf32> to vector<1000x8xf32>
    %add3A_106 = arith.addf %dot_general3A_101, %add3A_105 : vector<1000x8xf32>
    %swap3A = arith.constant 0 : index
    %swap3A_107 = arith.constant 0 : index
    %swap3A_108 = vector.load %arg15[%swap3A, %swap3A_107] : memref<1000x8xf32, #tpu.memory_space<vmem>>, vector<1000x8xf32>
    tpu.vector_store %arg15[%swap3A, %swap3A_107], %add3A_106 {strides = array<i32>} : memref<1000x8xf32, #tpu.memory_space<vmem>>, vector<1000x8xf32>,
    return
  }
  func.func @transform_0(%arg0: i32) -> (i32, i32, i32) {
    %c0_i32 = arith.constant 0 : i32
    %c0_i32_0 = arith.constant 0 : i32
    %c0_i32_1 = arith.constant 0 : i32
    return %c0_i32, %arg0, %c0_i32_0 : i32, i32, i32
  }
  func.func @transform_1(%arg0: i32) -> (i32, i32, i32) {
    %c0_i32 = arith.constant 0 : i32
    %c0_i32_0 = arith.constant 0 : i32
    %c0_i32_1 = arith.constant 0 : i32
    return %c0_i32, %arg0, %c0_i32_0 : i32, i32, i32
  }
  func.func @transform_2(%arg0: i32) -> (i32, i32) {
    %c0_i32 = arith.constant 0 : i32
    %c0_i32_0 = arith.constant 0 : i32
    return %arg0, %c0_i32 : i32, i32
  }
  func.func @transform_3(%arg0: i32) -> (i32, i32) {
    %c0_i32 = arith.constant 0 : i32
    %c0_i32_0 = arith.constant 0 : i32
    %c0_i32_1 = arith.constant 0 : i32
    return %c0_i32, %c0_i32_0 : i32, i32
  }
  func.func @transform_4(%arg0: i32) -> (i32, i32) {
    %c0_i32 = arith.constant 0 : i32
    %c0_i32_0 = arith.constant 0 : i32
    %c0_i32_1 = arith.constant 0 : i32
    return %c0_i32, %c0_i32_0 : i32, i32
  }
  func.func @transform_5(%arg0: i32) -> (i32, i32) {
    %c0_i32 = arith.constant 0 : i32
    %c0_i32_0 = arith.constant 0 : i32
    %c0_i32_1 = arith.constant 0 : i32
    return %c0_i32, %c0_i32_0 : i32, i32
  }
  func.func @transform_6(%arg0: i32) -> (i32, i32) {
    %c0_i32 = arith.constant 0 : i32
    %c0_i32_0 = arith.constant 0 : i32
    %c0_i32_1 = arith.constant 0 : i32
    return %c0_i32, %c0_i32_0 : i32, i32
  }
  func.func @transform_7(%arg0: i32) -> (i32, i32) {
    %c0_i32 = arith.constant 0 : i32
    %c0_i32_0 = arith.constant 0 : i32
    %c0_i32_1 = arith.constant 0 : i32
    return %c0_i32, %c0_i32_0 : i32, i32
  }
  func.func @transform_8(%arg0: i32) -> (i32, i32) {
    %c0_i32 = arith.constant 0 : i32
    %c0_i32_0 = arith.constant 0 : i32
    %c0_i32_1 = arith.constant 0 : i32
    return %c0_i32, %c0_i32_0 : i32, i32
  }
  func.func @transform_9(%arg0: i32) -> (i32, i32) {
    %c0_i32 = arith.constant 0 : i32
    %c0_i32_0 = arith.constant 0 : i32
    %c0_i32_1 = arith.constant 0 : i32
    return %c0_i32, %c0_i32_0 : i32, i32
  }
  func.func @transform_10(%arg0: i32) -> (i32, i32) {
    %c0_i32 = arith.constant 0 : i32
    %c0_i32_0 = arith.constant 0 : i32
    %c0_i32_1 = arith.constant 0 : i32
    return %c0_i32, %c0_i32_0 : i32, i32
  }
  func.func @transform_11(%arg0: i32) -> (i32, i32) {
    %c0_i32 = arith.constant 0 : i32
    %c0_i32_0 = arith.constant 0 : i32
    %c0_i32_1 = arith.constant 0 : i32
    return %c0_i32, %c0_i32_0 : i32, i32
  }
  func.func @transform_12(%arg0: i32) -> (i32, i32) {
    %c0_i32 = arith.constant 0 : i32
    %c0_i32_0 = arith.constant 0 : i32
    %c0_i32_1 = arith.constant 0 : i32
    return %c0_i32, %c0_i32_0 : i32, i32
  }
  func.func @transform_13(%arg0: i32) -> (i32, i32) {
    %c0_i32 = arith.constant 0 : i32
    %c0_i32_0 = arith.constant 0 : i32
    %c0_i32_1 = arith.constant 0 : i32
    return %c0_i32, %c0_i32_0 : i32, i32
  }
  func.func @transform_14(%arg0: i32) -> (i32, i32) {
    %c0_i32 = arith.constant 0 : i32
    %c0_i32_0 = arith.constant 0 : i32
    return %arg0, %c0_i32 : i32, i32
  }
}

module attributes {stable_mosaic.version = 14 : i64} {
  func.func @_dense_body(%arg0: i32, %arg1: memref<2x1000x128xf32, #tpu.memory_space<vmem>>, %arg2: memref<2x1000x128xf32, #tpu.memory_space<vmem>>, %arg3: memref<1000x128xf32, #tpu.memory_space<vmem>>, %arg4: memref<128x128xf32, #tpu.memory_space<vmem>>, %arg5: memref<1x128xf32, #tpu.memory_space<vmem>>, %arg6: memref<128x128xf32, #tpu.memory_space<vmem>>, %arg7: memref<1x128xf32, #tpu.memory_space<vmem>>, %arg8: memref<1x128xf32, #tpu.memory_space<vmem>>, %arg9: memref<1000x128xf32, #tpu.memory_space<vmem>>) attributes {dimension_semantics = [#tpu.dimension_semantics<arbitrary>], iteration_bounds = array<i64: 10>, scalar_prefetch = 0 : i64, scratch_operands = 0 : i64, tpu.core_type = #tpu.core_type<tc>, window_params = [{transform_indices = @transform_0, window_bounds = array<i64: 2, 1000, 128>}, {transform_indices = @transform_1, window_bounds = array<i64: 2, 1000, 128>}, {transform_indices = @transform_2, window_bounds = array<i64: 1000, 128>}, {pipeline_mode = #tpu.pipeline_mode<synchronous>, transform_indices = @transform_3, window_bounds = array<i64: 128, 128>}, {pipeline_mode = #tpu.pipeline_mode<synchronous>, transform_indices = @transform_4, window_bounds = array<i64: 1, 128>}, {pipeline_mode = #tpu.pipeline_mode<synchronous>, transform_indices = @transform_5, window_bounds = array<i64: 128, 128>}, {pipeline_mode = #tpu.pipeline_mode<synchronous>, transform_indices = @transform_6, window_bounds = array<i64: 1, 128>}, {pipeline_mode = #tpu.pipeline_mode<synchronous>, transform_indices = @transform_7, window_bounds = array<i64: 1, 128>}, {transform_indices = @transform_8, window_bounds = array<i64: 1000, 128>}]} {
    %get3A = arith.constant 0 : index
    %get3A_0 = arith.constant 0 : index
    %get3A_1 = arith.constant 0 : index
    %get3A_2 = vector.load %arg1[%get3A, %get3A_0, %get3A_1] : memref<2x1000x128xf32, #tpu.memory_space<vmem>>, vector<1x1000x128xf32>
    %get3A_3 = vector.shape_cast %get3A_2 : vector<1x1000x128xf32> to vector<1000x128xf32>
    %get3A_4 = arith.constant 1 : index
    %get3A_5 = arith.constant 0 : index
    %get3A_6 = arith.constant 0 : index
    %get3A_7 = vector.load %arg1[%get3A_4, %get3A_5, %get3A_6] : memref<2x1000x128xf32, #tpu.memory_space<vmem>>, vector<1x1000x128xf32>
    %get3A_8 = vector.shape_cast %get3A_7 : vector<1x1000x128xf32> to vector<1000x128xf32>
    %add3A = arith.addf %get3A_3, %get3A_8 : vector<1000x128xf32>
    %get3A_9 = arith.constant 0 : index
    %get3A_10 = arith.constant 0 : index
    %get3A_11 = arith.constant 0 : index
    %get3A_12 = vector.load %arg2[%get3A_9, %get3A_10, %get3A_11] : memref<2x1000x128xf32, #tpu.memory_space<vmem>>, vector<1x1000x1xf32>
    %get3A_13 = vector.shape_cast %get3A_12 : vector<1x1000x1xf32> to vector<1000x1xf32>
    %get3A_14 = arith.constant 1 : index
    %get3A_15 = arith.constant 0 : index
    %get3A_16 = arith.constant 0 : index
    %get3A_17 = vector.load %arg2[%get3A_14, %get3A_15, %get3A_16] : memref<2x1000x128xf32, #tpu.memory_space<vmem>>, vector<1x1000x1xf32>
    %get3A_18 = vector.shape_cast %get3A_17 : vector<1x1000x1xf32> to vector<1000x1xf32>
    %add3A_19 = arith.addf %get3A_13, %get3A_18 : vector<1000x1xf32>
    %max3A = arith.constant 1.000000e+00 : f32
    %max3A_20 = vector.broadcast %max3A : f32 to vector<1000x1xf32>
    %max3A_21 = arith.maximumf %add3A_19, %max3A_20 : vector<1000x1xf32>
    %div3A = vector.broadcast %max3A_21 : vector<1000x1xf32> to vector<1000x128xf32>
    %div3A_22 = arith.divf %add3A, %div3A : vector<1000x128xf32>
    %get3A_23 = arith.constant 0 : index
    %get3A_24 = arith.constant 0 : index
    %get3A_25 = vector.load %arg4[%get3A_23, %get3A_24] : memref<128x128xf32, #tpu.memory_space<vmem>>, vector<128x128xf32>
    %dot_general3A = arith.constant dense<0.000000e+00> : vector<1000x128xf32>
    %dot_general3A_26 = tpu.matmul %div3A_22, %get3A_25, %dot_general3A {dimension_numbers = #tpu.dot_dimension_numbers<[1], [1], [0], [0], [0, 0, 1, 0], [], []>, transpose_lhs_hint = false} : vector<1000x128xf32>, vector<128x128xf32>, vector<1000x128xf32> -> vector<1000x128xf32>
    %get3A_27 = arith.constant 0 : index
    %get3A_28 = arith.constant 0 : index
    %get3A_29 = vector.load %arg5[%get3A_27, %get3A_28] : memref<1x128xf32, #tpu.memory_space<vmem>>, vector<1x128xf32>
    %add3A_30 = vector.broadcast %get3A_29 : vector<1x128xf32> to vector<1000x128xf32>
    %add3A_31 = arith.addf %dot_general3A_26, %add3A_30 : vector<1000x128xf32>
    %get3A_32 = arith.constant 0 : index
    %get3A_33 = arith.constant 0 : index
    %get3A_34 = vector.load %arg3[%get3A_32, %get3A_33] : memref<1000x128xf32, #tpu.memory_space<vmem>>, vector<1000x128xf32>
    %get3A_35 = arith.constant 0 : index
    %get3A_36 = arith.constant 0 : index
    %get3A_37 = vector.load %arg6[%get3A_35, %get3A_36] : memref<128x128xf32, #tpu.memory_space<vmem>>, vector<128x128xf32>
    %dot_general3A_38 = arith.constant dense<0.000000e+00> : vector<1000x128xf32>
    %dot_general3A_39 = tpu.matmul %get3A_34, %get3A_37, %dot_general3A_38 {dimension_numbers = #tpu.dot_dimension_numbers<[1], [1], [0], [0], [0, 0, 1, 0], [], []>, transpose_lhs_hint = false} : vector<1000x128xf32>, vector<128x128xf32>, vector<1000x128xf32> -> vector<1000x128xf32>
    %add3A_40 = arith.addf %add3A_31, %dot_general3A_39 : vector<1000x128xf32>
    %reduce_sum3A = arith.constant dense<0.000000e+00> : vector<1000xf32>
    %reduce_sum3A_41 = vector.multi_reduction <add>, %add3A_40, %reduce_sum3A [1] : vector<1000x128xf32> to vector<1000xf32>
    %broadcast_in_dim3A = vector.shape_cast %reduce_sum3A_41 : vector<1000xf32> to vector<1000x1xf32>
    %div3A_42 = arith.constant 1.280000e+02 : f32
    %div3A_43 = vector.broadcast %div3A_42 : f32 to vector<1000x1xf32>
    %div3A_44 = arith.divf %broadcast_in_dim3A, %div3A_43 : vector<1000x1xf32>
    %sub3A = vector.broadcast %div3A_44 : vector<1000x1xf32> to vector<1000x128xf32>
    %sub3A_45 = arith.subf %add3A_40, %sub3A : vector<1000x128xf32>
    %integer_pow3A = arith.mulf %sub3A_45, %sub3A_45 : vector<1000x128xf32>
    %reduce_sum3A_46 = arith.constant dense<0.000000e+00> : vector<1000xf32>
    %reduce_sum3A_47 = vector.multi_reduction <add>, %integer_pow3A, %reduce_sum3A_46 [1] : vector<1000x128xf32> to vector<1000xf32>
    %broadcast_in_dim3A_48 = vector.shape_cast %reduce_sum3A_47 : vector<1000xf32> to vector<1000x1xf32>
    %div3A_49 = arith.constant 1.280000e+02 : f32
    %div3A_50 = vector.broadcast %div3A_49 : f32 to vector<1000x1xf32>
    %div3A_51 = arith.divf %broadcast_in_dim3A_48, %div3A_50 : vector<1000x1xf32>
    %get3A_52 = arith.constant 0 : index
    %get3A_53 = arith.constant 0 : index
    %get3A_54 = vector.load %arg7[%get3A_52, %get3A_53] : memref<1x128xf32, #tpu.memory_space<vmem>>, vector<1x128xf32>
    %sub3A_55 = vector.broadcast %div3A_44 : vector<1000x1xf32> to vector<1000x128xf32>
    %sub3A_56 = arith.subf %add3A_40, %sub3A_55 : vector<1000x128xf32>
    %mul3A = vector.broadcast %get3A_54 : vector<1x128xf32> to vector<1000x128xf32>
    %mul3A_57 = arith.mulf %mul3A, %sub3A_56 : vector<1000x128xf32>
    %add3A_58 = arith.constant 9.99999974E-6 : f32
    %add3A_59 = vector.broadcast %add3A_58 : f32 to vector<1000x1xf32>
    %add3A_60 = arith.addf %div3A_51, %add3A_59 : vector<1000x1xf32>
    %sqrt3A = math.sqrt %add3A_60 : vector<1000x1xf32>
    %div3A_61 = vector.broadcast %sqrt3A : vector<1000x1xf32> to vector<1000x128xf32>
    %div3A_62 = arith.divf %mul3A_57, %div3A_61 : vector<1000x128xf32>
    %get3A_63 = arith.constant 0 : index
    %get3A_64 = arith.constant 0 : index
    %get3A_65 = vector.load %arg8[%get3A_63, %get3A_64] : memref<1x128xf32, #tpu.memory_space<vmem>>, vector<1x128xf32>
    %add3A_66 = vector.broadcast %get3A_65 : vector<1x128xf32> to vector<1000x128xf32>
    %add3A_67 = arith.addf %div3A_62, %add3A_66 : vector<1000x128xf32>
    %max3A_68 = arith.constant 0.000000e+00 : f32
    %max3A_69 = vector.broadcast %max3A_68 : f32 to vector<1000x128xf32>
    %max3A_70 = arith.maximumf %add3A_67, %max3A_69 : vector<1000x128xf32>
    %swap3A = arith.constant 0 : index
    %swap3A_71 = arith.constant 0 : index
    %swap3A_72 = vector.load %arg9[%swap3A, %swap3A_71] : memref<1000x128xf32, #tpu.memory_space<vmem>>, vector<1000x128xf32>
    tpu.vector_store %arg9[%swap3A, %swap3A_71], %max3A_70 {strides = array<i32>} : memref<1000x128xf32, #tpu.memory_space<vmem>>, vector<1000x128xf32>,
    return
  }
  func.func @transform_0(%arg0: i32) -> (i32, i32, i32) {
    %c0_i32 = arith.constant 0 : i32
    %c0_i32_0 = arith.constant 0 : i32
    %c0_i32_1 = arith.constant 0 : i32
    return %c0_i32, %arg0, %c0_i32_0 : i32, i32, i32
  }
  func.func @transform_1(%arg0: i32) -> (i32, i32, i32) {
    %c0_i32 = arith.constant 0 : i32
    %c0_i32_0 = arith.constant 0 : i32
    %c0_i32_1 = arith.constant 0 : i32
    return %c0_i32, %arg0, %c0_i32_0 : i32, i32, i32
  }
  func.func @transform_2(%arg0: i32) -> (i32, i32) {
    %c0_i32 = arith.constant 0 : i32
    %c0_i32_0 = arith.constant 0 : i32
    return %arg0, %c0_i32 : i32, i32
  }
  func.func @transform_3(%arg0: i32) -> (i32, i32) {
    %c0_i32 = arith.constant 0 : i32
    %c0_i32_0 = arith.constant 0 : i32
    %c0_i32_1 = arith.constant 0 : i32
    return %c0_i32, %c0_i32_0 : i32, i32
  }
  func.func @transform_4(%arg0: i32) -> (i32, i32) {
    %c0_i32 = arith.constant 0 : i32
    %c0_i32_0 = arith.constant 0 : i32
    %c0_i32_1 = arith.constant 0 : i32
    return %c0_i32, %c0_i32_0 : i32, i32
  }
  func.func @transform_5(%arg0: i32) -> (i32, i32) {
    %c0_i32 = arith.constant 0 : i32
    %c0_i32_0 = arith.constant 0 : i32
    %c0_i32_1 = arith.constant 0 : i32
    return %c0_i32, %c0_i32_0 : i32, i32
  }
  func.func @transform_6(%arg0: i32) -> (i32, i32) {
    %c0_i32 = arith.constant 0 : i32
    %c0_i32_0 = arith.constant 0 : i32
    %c0_i32_1 = arith.constant 0 : i32
    return %c0_i32, %c0_i32_0 : i32, i32
  }
  func.func @transform_7(%arg0: i32) -> (i32, i32) {
    %c0_i32 = arith.constant 0 : i32
    %c0_i32_0 = arith.constant 0 : i32
    %c0_i32_1 = arith.constant 0 : i32
    return %c0_i32, %c0_i32_0 : i32, i32
  }
  func.func @transform_8(%arg0: i32) -> (i32, i32) {
    %c0_i32 = arith.constant 0 : i32
    %c0_i32_0 = arith.constant 0 : i32
    return %arg0, %c0_i32 : i32, i32
  }
}

</mosaic_0001>

<sc_bundles>
// kernel: kernel.12.cloned.1.call-start
scs
__scs_entry_jumppad:
0x0: {  	(pc) =	sbr.rel $0x88, $3  }
0x1: {  	(tag) =	ssettag $0x0;
	lr =	simm.s32 $0x1  }
0x2: {  	[smem:$0x3F8A] =	sst lr;
	_ =	strace $0xD0000000  }
0x3: {  	_ = 	snop  }
0x4: {  	_ = 	snop  }
0x5: {  	_ = 	snop  }
0x6: {  	_ = 	snop  }
0x7: {  	_ = 	snop  }
__scs_overlays_trampoline_lowered:
0x8: {  	[smem:$0x3F99] =	sst s0  }
0x9: {  	[smem:$0x3F9A] =	sst s1  }
0xa: {  	[smem:$0x3F9B] =	sst s2  }
0xb: {  	[smem:$0x3F9C] =	sst s3  }
0xc: {  	[smem:$0x3F9D] =	sst s4  }
0xd: {  	[smem:$0x3F9E] =	sst s5  }
0xe: {  	[smem:$0x3F9F] =	sst s6  }
0xf: {  	[smem:$0x3FA0] =	sst s7  }
0x10: {  	[smem:$0x3FA1] =	sst s8  }
0x11: {  	[smem:$0x3FA2] =	sst s9;
	s0 =	simm.s32 @!p0 $0x0  }
0x12: {  	s1 =	sld [smem:$0x3F88];
	s0 =	simm.s32 @p0 $0x1  }
0x13: {  	[smem:$0x3FA3] =	sst s0;
	s0 =	simm.s32 @!p1 $0x0  }
0x14: {  	s2 =	sld [smem:$0x3F87];
	s0 =	simm.s32 @p1 $0x1  }
0x15: {  	[smem:$0x3FA4] =	sst s0;
	s0 =	simm.s32 @!p2 $0x0  }
0x16: {  	s3 =	sld [smem:$0x3FDB];
	s0 =	simm.s32 @p2 $0x1  }
0x17: {  	s4 =	simm.s32 $0x1BF5;
	[smem:$0x3FA6] =	sst s0  }
0x18: {  	s0 =	sld [smem:$0x3F89];
	_ =	swait.ge [sflag:s4], $0x0  }
0x19: {  	s7 =	sld [smem:$0x3F8A]  }
0x1a: {  	s8 =	sadd.s32 $0xFFFFE003, lr  }
0x1b: {  	s9 =	sadd.s32 $0xFFFFFEF7, lr;
	s5 =	simm.s32 $0xFFFFFFFF;
	p2 =	slt.u32 s8, $0xFFFFF086  }
0x1c: {  	p1 =	slt.u32 s9, $0xF7A;
	s5 =	simm.s32 @!p2 $0x0  }
0x1d: {  	s5 =	simm.s32 @p1 $0x1;
	p0 =	seq.s32 s7, s2  }
0x1e: {  	s7 =	smul.u32 @!p0 $0xF7A, s2;
	p2 =	seq.s32 @!p0 s5, $0x0  }
0x1f: {  	s9 =	smul.u32 $0xF7A, s1;
	s8 =	simm.s32 @!p0 $0x1BF5;
	p2 =	por !p2, p0  }
0x20: {  	[sflag:s8] =	ssyncset.s32 @!p0 $0xFFFFF086;
	s6 =	sadd.s32 @!p0 s3, s7;
	s7 =	simm.s32 @!p0 $0x108  }
0x21: {  	s3 =	sadd.s32 s3, s9;
	s6 =	sadd.s32 @!p0 $0x88, s6;
	s7 =	simm.s32 @p2 $0x1082  }
0x22: {  	[simem:s7], [sflag:s8] =	dma.local @!p0 [hbm:s6], $0xF7A  }
0x23: {  	s9 =	sor.u32 $0xD0000000, s2;
	s6 =	simm.s32 $0x108;
	_ =	swait.ge @!p0 [sflag:s8], $0x0  }
0x24: {  	s3 =	sadd.s32 $0x88, s3;
	s6 =	simm.s32 @!p1 $0x1082;
	[sflag:s4] =	ssyncset.s32 $0xFFFFF086  }
0x25: {  	[simem:s6], [sflag:s4] =	dma.local [hbm:s3], $0xF7A  }
0x26: {  	[smem:$0x3F8A] =	sst s1;
	(tag) =	ssettag s2;
	_ =	strace s9  }
0x27: {  	s1 =	sld [smem:$0x3F9A]  }
0x28: {  	s2 =	sld [smem:$0x3F9B]  }
0x29: {  	s4 =	sld [smem:$0x3F9D]  }
0x2a: {  	p0 =	seq.s32 s5, $0x0;
	s5 =	sld [smem:$0x3F9E]  }
0x2b: {  	s6 =	sld [smem:$0x3F9F]  }
0x2c: {  	s7 =	sld [smem:$0x3FA0]  }
0x2d: {  	s3 =	simm.s32 $0x108;
	s8 =	sld [smem:$0x3FA1]  }
0x2e: {  	s3 =	simm.s32 @!p0 $0x1082;
	s9 =	sld [smem:$0x3FA2]  }
0x2f: {  	lr =	sadd.s32 s0, s3;
	s0 =	sld [smem:$0x3F99]  }
0x30: {  	s3 =	sld [smem:$0x3F9C]  }
0x31: {  	[smem:$0x3FA5] =	sst s10  }
0x32: {  	s10 =	sld [smem:$0x3FA3];
	_ =	sdelay $0x3  }
0x33: {  	p0 =	seq.s32 s10, $0x1;
	s10 =	sld [smem:$0x3FA5];
	_ =	sdelay $0x3  }
0x34: {  	[smem:$0x3FA5] =	sst s10  }
0x35: {  	s10 =	sld [smem:$0x3FA4];
	_ =	sdelay $0x3  }
0x36: {  	p1 =	seq.s32 s10, $0x1;
	s10 =	sld [smem:$0x3FA5];
	_ =	sdelay $0x3  }
0x37: {  	[smem:$0x3FA5] =	sst s10  }
0x38: {  	s10 =	sld [smem:$0x3FA6]  }
0x39: {  	_ = 	snop;
	(pc) =	sbr.ind lr, $3  }
0x3a: {  	_ = 	snop  }
0x3b: {  	_ = 	snop  }
0x3c: {  	p2 =	seq.s32 s10, $0x1;
	s10 =	sld [smem:$0x3FA5]  }
0x3d: {  	_ =	shalt  }
0x3e: {  	_ =	shalt  }
0x3f: {  	_ =	shalt  }
0x40: {  	_ =	shalt  }
0x41: {  	_ =	shalt  }
0x42: {  	_ =	shalt  }
0x43: {  	_ =	shalt  }
0x44: {  	_ =	shalt  }
0x45: {  	_ =	shalt  }
0x46: {  	_ =	shalt  }
0x47: {  	_ =	shalt  }
0x48: {  	_ =	shalt  }
0x49: {  	_ =	shalt  }
0x4a: {  	_ =	shalt  }
0x4b: {  	_ =	shalt  }
0x4c: {  	_ =	shalt  }
0x4d: {  	_ =	shalt  }
0x4e: {  	_ =	shalt  }
0x4f: {  	_ =	shalt  }
0x50: {  	_ =	shalt  }
0x51: {  	_ =	shalt  }
0x52: {  	_ =	shalt  }
0x53: {  	_ =	shalt  }
0x54: {  	_ =	shalt  }
0x55: {  	_ =	shalt  }
0x56: {  	_ =	shalt  }
0x57: {  	_ =	shalt  }
0x58: {  	_ =	shalt  }
0x59: {  	_ =	shalt  }
0x5a: {  	_ =	shalt  }
0x5b: {  	_ =	shalt  }
0x5c: {  	_ =	shalt  }
0x5d: {  	_ =	shalt  }
0x5e: {  	_ =	shalt  }
0x5f: {  	_ =	shalt  }
0x60: {  	_ =	shalt  }
0x61: {  	_ =	shalt  }
0x62: {  	_ =	shalt  }
0x63: {  	_ =	shalt  }
0x64: {  	_ =	shalt  }
0x65: {  	_ =	shalt  }
0x66: {  	_ =	shalt  }
0x67: {  	_ =	shalt  }
0x68: {  	_ =	shalt  }
0x69: {  	_ =	shalt  }
0x6a: {  	_ =	shalt  }
0x6b: {  	_ =	shalt  }
0x6c: {  	_ =	shalt  }
0x6d: {  	_ =	shalt  }
0x6e: {  	_ =	shalt  }
0x6f: {  	_ =	shalt  }
0x70: {  	_ =	shalt  }
0x71: {  	_ =	shalt  }
0x72: {  	_ =	shalt  }
0x73: {  	_ =	shalt  }
0x74: {  	_ =	shalt  }
0x75: {  	_ =	shalt  }
0x76: {  	_ =	shalt  }
0x77: {  	_ =	shalt  }
0x78: {  	_ =	shalt  }
0x79: {  	_ =	shalt  }
0x7a: {  	_ =	shalt  }
0x7b: {  	_ =	shalt  }
0x7c: {  	_ =	shalt  }
0x7d: {  	_ =	shalt  }
0x7e: {  	_ =	shalt  }
0x7f: {  	_ =	shalt  }
0x80: {  	_ =	shalt  }
0x81: {  	_ =	shalt  }
0x82: {  	_ =	shalt  }
0x83: {  	_ =	shalt  }
0x84: {  	_ =	shalt  }
0x85: {  	_ =	shalt  }
0x86: {  	_ =	shalt  }
0x87: {  	_ =	shalt  }
.Lfunc_end0:
.L_simem_size_0:
called_computation.1_lowered:
.L_overlay_start_0:
0x88: {  	s2 =	sld [smem:$0x3FD9]  }
0x89: {  	s3 =	sld [smem:$0x3FFE];
	_ =	sdelay $0x1  }
0x8a: {  	s1 =	srdreg.scid  }
0x8b: {  	s0 =	sand.u32 $0x1, s1  }
0x8c: {  	s17 =	sshll.u32 s0, $0xA;
	s2 =	sadd.s32 s3, s2  }
0x8d: {  	s2 =	sadd.s32 s2, s17  }
0x8e: {  	[smem:$0x3FB1] =	sst s2  }
0x8f: {  	_ = 	snop  }
0x90: {  	s2 =	sld [smem:$0x3FC9];
	(tm) =	ssettm $0x1  }
0x91: {  	s18 =	sld [smem:$0x3FFB];
	_ =	sdelay $0x3  }
0x92: {  	_ =	strace s18  }
0x93: {  	s3 =	sld [smem:$0x3FFC];
	_ =	sdelay $0x3  }
0x94: {  	_ =	strace s3  }
0x95: {  	s3 =	sld [smem:$0x3FFD];
	_ =	sdelay $0x3  }
0x96: {  	_ =	strace s3  }
0x97: {  	_ =	strace $0x8FFFFFFF  }
0x98: {  	s19 =	sld [smem:$0x3FDB];
	_ =	sdelay $0x1  }
0x99: {  	s4 =	simm.s32 $_scs_section_size  }
0x9a: {  	s5 =	simm.s32 $_size__tile_overlayer_lowered;
	s6 =	simm.s32 $_tile_overlayer_lowered  }
0x9b: {  	s22 =	simm.s32 $0x1BFF;
	s21 =	sshll.u32 s6, $0x1;
	s3 =	sadd.s32 s4, s19  }
0x9c: {  	s7 =	simm.s32 $0x0;
	s20 =	sshll.u32 s5, $0x1;
	s5 =	sadd.s32 s21, s3  }
0x9d: {  	[timem:s7], [sflag:s22] =	dma.local [hbm:s5], s20  }
0x9e: {  	_ =	swait.ge [sflag:s22], s20  }
0x9f: {  	s4 =	ssub.s32 $0x0, s20;
	[sflag:s22] =	ssyncset.done $0x0  }
0xa0: {  	[sflag:s22] =	ssyncadd.s32 s4;
	_ =	sdelay $0x1  }
0xa1: {  	s23 =	simm.s32 $0x1B8B  }
0xa2: {  	_ =	swait.ge [sflag:s23], $0x1  }
0xa3: {  	[sflag:s23] =	ssyncset.done $0x0  }
0xa4: {  	s25 =	simm.s32 $0x1B8E;
	s24 =	sld [smem:$0x3FFE];
	[sflag:s23] =	ssyncadd.s32 $0xFFFFFFFF  }
0xa5: {  	s26 =	simm.s32 $execute0_lowered;
	[smem:$0x3FD2] =	sst s25  }
0xa6: {  	s5 =	sshll.u32 s26, $0x1;
	_ =	strace $0x80000046;
	[dreg:$0x1] =	wrdreg $0xFFFFFFFF  }
0xa7: {  	s28 =	simm.s32 $_size_execute0_lowered;
	s3 =	sadd.s32 s3, s5;
	[dreg:$0x0] =	wrdreg $0x0  }
0xa8: {  	s5 =	sshll.u32 s28, $0x1;
	[dreg:$0x2] =	wrdreg s3  }
0xa9: {  	[dreg:$0x3] =	wrdreg s5  }
0xaa: {  	[dreg:$0x4] =	wrdreg $0xC0  }
0xab: {  	_ =	task [dreg:s7], $0x5FFFF  }
0xac: {  	[dreg:$0x1] =	wrdreg $0xFFFFFFFF  }
0xad: {  	[dreg:$0x0] =	wrdreg $0x60  }
0xae: {  	[dreg:$0x2] =	wrdreg s2  }
0xaf: {  	[dreg:$0x3] =	wrdreg s24  }
0xb0: {  	[dreg:$0x4] =	wrdreg $0x8B000  }
0xb1: {  	[dreg:$0x5] =	wrdreg $0xA  }
0xb2: {  	_ =	task.clear_ibuf [dreg:s7], $0x6FFFF;
	_ =	strace $0x90000046  }
0xb3: {  	s29 =	simm.s32 $0xA;
	_ =	strace $0x80000048  }
0xb4: {  	_ =	swait.ge [sflag:s29], $0x1  }
0xb5: {  	[sflag:s29] =	ssyncadd.s32 $0xFFFFFFFF  }
0xb6: {  	_ =	strace $0x90000048  }
0xb7: {  	_ =	sfence  }
0xb8: {  	s30 =	sld [smem:$0x0];
	_ =	sdelay $0x2  }
0xb9: {  	s31 =	sshll.u32 s1, $0xD;
	s1 =	sshrl.u32 s1, $0x2  }
0xba: {  	s3 =	sand.u32 $0x4000, s31;
	s1 =	sadd.s32 s1, s30  }
0xbb: {  	s0 =	sor.u32 s3, s0;
	s1 =	sshll.u32 s1, $0x11  }
0xbc: {  	s0 =	sor.u32 s1, s0  }
0xbd: {  	s0 =	sadd.s32 $0x8F2B, s0  }
0xbe: {  	[sflag:s0] =	ssyncadd.remote.s32 $0x1  }
0xbf: {  	_ =	sfence.sel $0xFFFF  }
0xc0: {  	[dreg:$0x0] =	wrdreg $0xFFFFFFFF;
	(pc) =	sbr.abs _section_cstart, $3  }
0xc1: {  	[dreg:$0x1] =	wrdreg $0xFFFFFFFF  }
0xc2: {  	_ =	task.clear_ibuf [dreg:s7], $0x2FFFF;
	_ =	strace $0x9FFFFFFF  }
0xc3: {  	(tm) =	ssettm $0x7FFFFFFF  }
tec
execute0_lowered:
.L_overlay_start_1:
0x0: {  	(tag) =	ssettag $0x1  }
0x1: {  	s0 =	rddreg [dreg:$0x0]  }
0x2: {  	s1 =	rddreg [dreg:$0x1]  }
0x3: {  	s2 =	srdreg.scid;
	s3 =	rddreg [dreg:$0x2]  }
0x4: {  	s11 =	stileid.u32;
	s4 =	simm.s32 $0x0;
	s28 =	simm.s32 $0x4100  }
0x5: {  	s29 =	simm.s32 $0x4180;
	s30 =	simm.s32 $0x2;
	s6 =	smul.u32 $0x14000, s11  }
0x6: {  	s31 =	simm.s32 $0x4200;
	s2 =	sand.u32 $0x1, s2;
	s8 =	smul.u32 $0x50000, s11  }
0x7: {  	[smem:$0x7FF] =	sst s4;
	s12 =	sshll.u32 s11, $0x1;
	s19 =	smul.u32 $0x4E20, s11  }
0x8: {  	s5 =	smul.u32 $0x140000, s2;
	_ =	strace $0x80000047;
	s9 =	ssub.s32 $0x2, s2  }
0x9: {  	s10 =	sor.u32 s2, s12;
	s2 =	smul.u32 $0x2710, s2;
	s13 =	sshrl.u32 s8, $0x2  }
0xa: {  	s14 =	sshrl.u32 s9, $0x1;
	s10 =	smul.u32 $0x2710, s10;
	s6 =	sadd.s32 s6, s5  }
0xb: {  	s5 =	sadd.s32 $0xE600, s1;
	s8 =	ssub.s32 s9, s14;
	s2 =	sadd.s32 s2, s19  }
0xc: {  	s7 =	sshrl.u32 s6, $0x3;
	s6 =	sadd.s32 $0x4800, s1;
	s18 =	sshrl.u32 s10, $0x3  }
0xd: {  	s25 =	sadd.s32 $0x180, s2;
	s19 =	smax.u32 s8, $0x1;
	s8 =	simm.s32 $0x8200  }
0xe: {  	s10 =	simm.s32 $0x10;
	s1 =	sadd.s32 s7, s1;
	s12 =	sadd.s32 s5, s18  }
0xf: {  	s7 =	sadd.s32 s13, s3;
	s22 =	sadd.s32 s6, s18;
	[dreg:$0x8] =	wrdreg s12  }
0x10: {  	s21 =	sadd.s32 $0x10, s18;
	s15 =	sadd.s32 $0x4000, s7;
	[dreg:$0x9] =	wrdreg s22  }
0x11: {  	s9 =	sadd.s32 $0x4E0, s18;
	s16 =	sadd.s32 $0x8000, s7;
	[dreg:$0x4] =	wrdreg s15  }
0x12: {  	s26 =	sshrl.u32 s25, $0x3;
	s17 =	sadd.s32 $0xC000, s7;
	[dreg:$0x5] =	wrdreg s16  }
0x13: {  	s25 =	simm.s32 $0x80;
	s20 =	sadd.s32 $0x10000, s7;
	[dreg:$0x6] =	wrdreg s17  }
0x14: {  	s23 =	sadd.s32 s5, s21;
	s11 =	sadd.s32 s6, s21;
	[dreg:$0x7] =	wrdreg s20  }
0x15: {  	s24 =	sadd.s32 s5, s9;
	s9 =	sadd.s32 s6, s9;
	[dreg:$0xa] =	wrdreg s23  }
0x16: {  	s18 =	sadd.s32 $0x18400, s1;
	s21 =	sadd.s32 s26, s5;
	[dreg:$0xb] =	wrdreg s11  }
0x17: {  	s22 =	sadd.s32 $0x100, s2;
	s1 =	simm.s32 $0x3;
	[dreg:$0xc] =	wrdreg s24  }
0x18: {  	s2 =	simm.s32 $0x4;
	s12 =	simm.s32 $0x0;
	[dreg:$0xd] =	wrdreg s9  }
0x19: {  	s20 =	sadd.s32 s26, s6;
	s23 =	simm.s32 $0x100;
	s24 =	simm.s32 $0x5  }
0x1a: {  	v0 =	vimm.f32 $0.0e+00;
	s26 =	simm.s32 $0x1;
	s9 =	simm.s32 $0x8280;
	s11 =	simm.s32 $0x8300  }
.LBB2_1:
0x1b: {  	s13 =	sand.u32 $0xFE00, s4  }
0x1c: {  	s14 =	sand.u32 $0x70, s4;
	s15 =	sshrl.u32 s13, $0x2  }
0x1d: {  	s13 =	simm.s32 $0x40;
	s15 =	sor.u32 s14, s15;
	s14 =	simm.s32 $0x0  }
.LBB2_2:
0x1e: {  	p0 =	sne.s32 s13, $0xFFC0  }
0x1f: {  	[tilespmem:s15+$0x100] =	vst v0;
	s14 =	sadd.s32 $0x10, s14;
	s15 =	smov.u32 s13;
	s13 =	sadd.s32 $0x40, s13  }
.Ltmp0:
0x20: {  	(pc) =	sbr.rel @p0 .LBB2_2-.Ltmp0, $4  }
0x21: {  	_ = 	snop  }
0x22: {  	s15 =	sand.u32 $0xFE00, s15  }
0x23: {  	s16 =	sand.u32 $0x70, s14;
	s15 =	sshrl.u32 s15, $0x2  }
0x24: {  	s15 =	sor.u32 s16, s15  }
0x25: {  	[tilespmem:s15+$0x100] =	vst v0  }
0x26: {  	[spmem:s7] =	stream.linear.scatter [tilespmem:s23], [sflag:$0x5], $0x4000, $0x38;
	[tilespmem:$0x1CB00] =	vst v63  }
0x27: {  	_ =	swait.ge [sflag:s24], $0x4000  }
0x28: {  	[sflag:s24] =	ssyncset.done $0x0  }
0x29: {  	s13 =	rddreg [dreg:$0x4];
	[sflag:s24] =	ssyncadd.s32 $0xFFFFC000  }
0x2a: {  	[spmem:s13] =	stream.linear.scatter [tilespmem:s23], [sflag:$0x5], $0x4000, $0x38;
	[tilespmem:$0x1CB00] =	vst v63  }
0x2b: {  	_ =	swait.ge [sflag:s24], $0x4000  }
0x2c: {  	[sflag:s24] =	ssyncset.done $0x0  }
0x2d: {  	s16 =	rddreg [dreg:$0x5];
	[sflag:s24] =	ssyncadd.s32 $0xFFFFC000  }
0x2e: {  	[spmem:s16] =	stream.linear.scatter [tilespmem:s23], [sflag:$0x5], $0x4000, $0x38;
	[tilespmem:$0x1CB00] =	vst v63  }
0x2f: {  	_ =	swait.ge [sflag:s24], $0x4000  }
0x30: {  	[sflag:s24] =	ssyncset.done $0x0  }
0x31: {  	s17 =	rddreg [dreg:$0x6];
	[sflag:s24] =	ssyncadd.s32 $0xFFFFC000  }
0x32: {  	[spmem:s17] =	stream.linear.scatter [tilespmem:s23], [sflag:$0x5], $0x4000, $0x38;
	[tilespmem:$0x1CB00] =	vst v63  }
0x33: {  	_ =	swait.ge [sflag:s24], $0x4000  }
0x34: {  	[sflag:s24] =	ssyncset.done $0x0  }
0x35: {  	s14 =	rddreg [dreg:$0x7];
	[sflag:s24] =	ssyncadd.s32 $0xFFFFC000  }
0x36: {  	[spmem:s14] =	stream.linear.scatter [tilespmem:s23], [sflag:$0x5], $0x4000, $0x38;
	[tilespmem:$0x1CB00] =	vst v63  }
0x37: {  	_ =	swait.ge [sflag:s24], $0x4000  }
0x38: {  	[sflag:s24] =	ssyncset.done $0x0  }
0x39: {  	[sflag:s24] =	ssyncadd.s32 $0xFFFFC000  }
0x3a: {  	[bflag:$0x0] =	sbarrier.arrive $0xFFFF  }
0x3b: {  	s13 =	simm.s32 $0x0;
	s14 =	rddreg [dreg:$0x8]  }
0x3c: {  	[tilespmem:s13], [sflag:$0x1] =	stream.linear.gather [hbm4b:s14+s13], $0x80, $0x38;
	[tilespmem:$0x1CB00] =	vst v63  }
0x3d: {  	s15 =	rddreg [dreg:$0x9]  }
0x3e: {  	[tilespmem:s25], [sflag:$0x1] =	stream.linear.gather [hbm4b:s15+s13], $0x80, $0x38;
	[tilespmem:$0x1CB00] =	vst v63  }
0x3f: {  	_ =	swait.ge [sflag:s26], $0x80  }
0x40: {  	[sflag:s26] =	ssyncset.done $0x0  }
0x41: {  	[sflag:s26] =	ssyncadd.s32 $0xFFFFFF80  }
0x42: {  	_ =	swait.ge [sflag:s26], $0x80  }
0x43: {  	[sflag:s26] =	ssyncset.done $0x0  }
0x44: {  	[sflag:s26] =	ssyncadd.s32 $0xFFFFFF80  }
0x45: {  	[tilespmem:s23], [sflag:$0x3] =	stream.indirect.gather [hbm4b:s0+s25], $0x80, s13, s25, $0xb8;
	[tilespmem:$0x1CB00] =	vst v63  }
0x46: {  	s16 =	rddreg [dreg:$0xa]  }
0x47: {  	[tilespmem:s28], [sflag:$0x2] =	stream.linear.gather [hbm4b:s16+s13], $0x80, $0x38;
	[tilespmem:$0x1CB00] =	vst v63  }
0x48: {  	s17 =	rddreg [dreg:$0xb]  }
0x49: {  	[tilespmem:s29], [sflag:$0x2] =	stream.linear.gather [hbm4b:s17+s13], $0x80, $0x38;
	[tilespmem:$0x1CB00] =	vst v63  }
0x4a: {  	_ =	swait.ge [sflag:s30], $0x80  }
0x4b: {  	[sflag:s30] =	ssyncset.done $0x0  }
0x4c: {  	[sflag:s30] =	ssyncadd.s32 $0xFFFFFF80  }
0x4d: {  	_ =	swait.ge [sflag:s30], $0x80  }
0x4e: {  	[sflag:s30] =	ssyncset.done $0x0  }
0x4f: {  	[sflag:s30] =	ssyncadd.s32 $0xFFFFFF80  }
0x50: {  	[tilespmem:s31], [sflag:$0x4] =	stream.indirect.gather [hbm4b:s0+s25], $0x80, s28, s25, $0xb8;
	[tilespmem:$0x1CB00] =	vst v63  }
0x51: {  	_ =	swait.ge [sflag:s1], $0x4000  }
0x52: {  	[sflag:s1] =	ssyncset.done $0x0  }
0x53: {  	[sflag:s1] =	ssyncadd.s32 $0xFFFFC000  }
0x54: {  	[spmem:s3] =	stream.indirect.scatter.add.f32 [tilespmem:s23], [sflag:$0x5], $0x80, s25, s25, $0xb8;
	[tilespmem:$0x1CB00] =	vst v63  }
0x55: {  	_ =	swait.ge [sflag:s24], $0x4000  }
0x56: {  	s15 =	sshrl.u32 s22, $0x3;
	[sflag:s24] =	ssyncset.done $0x0  }
0x57: {  	s16 =	sadd.s32 s5, s15;
	[sflag:s24] =	ssyncadd.s32 $0xFFFFC000  }
0x58: {  	[tilespmem:s4], [sflag:$0x1] =	stream.linear.gather [hbm4b:s16+s4], $0x80, $0x38;
	[tilespmem:$0x1CB00] =	vst v63  }
0x59: {  	s13 =	sadd.s32 s6, s15  }
0x5a: {  	[tilespmem:s25], [sflag:$0x1] =	stream.linear.gather [hbm4b:s13+s4], $0x80, $0x38;
	[tilespmem:$0x1CB00] =	vst v63  }
0x5b: {  	_ =	swait.ge [sflag:s26], $0x80  }
0x5c: {  	[sflag:s26] =	ssyncset.done $0x0  }
0x5d: {  	[sflag:s26] =	ssyncadd.s32 $0xFFFFFF80  }
0x5e: {  	_ =	swait.ge [sflag:s26], $0x80  }
0x5f: {  	[sflag:s26] =	ssyncset.done $0x0  }
0x60: {  	[sflag:s26] =	ssyncadd.s32 $0xFFFFFF80  }
0x61: {  	[tilespmem:s23], [sflag:$0x3] =	stream.indirect.gather [hbm4b:s0+s25], $0x80, s4, s25, $0xb8;
	[tilespmem:$0x1CB00] =	vst v63  }
0x62: {  	_ =	swait.ge [sflag:s2], $0x4000  }
0x63: {  	[sflag:s2] =	ssyncset.done $0x0  }
0x64: {  	[sflag:s2] =	ssyncadd.s32 $0xFFFFC000  }
0x65: {  	[spmem:s3] =	stream.indirect.scatter.add.f32 [tilespmem:s31], [sflag:$0x5], $0x80, s29, s25, $0xb8;
	[tilespmem:$0x1CB00] =	vst v63  }
0x66: {  	_ =	swait.ge [sflag:s24], $0x4000  }
0x67: {  	s14 =	sadd.s32 $0x100, s22;
	s17 =	sadd.s32 $0x0, s21;
	[sflag:s24] =	ssyncset.done $0x0  }
0x68: {  	s15 =	sadd.s32 $0x0, s20;
	s13 =	simm.s32 $0x20;
	[sflag:s24] =	ssyncadd.s32 $0xFFFFC000  }
0x69: {  	[tilespmem:s28], [sflag:$0x2] =	stream.linear.gather [hbm4b:s17+s4], $0x80, $0x38;
	[tilespmem:$0x1CB00] =	vst v63  }
.LBB2_4:
0x6a: {  	[tilespmem:s29], [sflag:$0x2] =	stream.linear.gather [hbm4b:s15+s4], $0x80, $0x38;
	[tilespmem:$0x1CB00] =	vst v63  }
0x6b: {  	s15 =	smov.u32 s13  }
0x6c: {  	p0 =	sne.s32 s13, $0x4A0;
	s13 =	sadd.s32 $0x20, s13;
	_ =	swait.ge [sflag:s30], $0x80  }
0x6d: {  	[sflag:s30] =	ssyncset.done $0x0  }
0x6e: {  	[sflag:s30] =	ssyncadd.s32 $0xFFFFFF80  }
0x6f: {  	_ =	swait.ge [sflag:s30], $0x80  }
0x70: {  	[sflag:s30] =	ssyncset.done $0x0  }
0x71: {  	[sflag:s30] =	ssyncadd.s32 $0xFFFFFF80  }
0x72: {  	[tilespmem:s31], [sflag:$0x4] =	stream.indirect.gather [hbm4b:s0+s25], $0x80, s28, s25, $0xb8;
	[tilespmem:$0x1CB00] =	vst v63  }
0x73: {  	_ =	swait.ge [sflag:s1], $0x4000  }
0x74: {  	[sflag:s1] =	ssyncset.done $0x0  }
0x75: {  	[sflag:s1] =	ssyncadd.s32 $0xFFFFC000  }
0x76: {  	[spmem:s3] =	stream.indirect.scatter.add.f32 [tilespmem:s23], [sflag:$0x5], $0x80, s25, s25, $0xb8;
	[tilespmem:$0x1CB00] =	vst v63  }
0x77: {  	_ =	swait.ge [sflag:s24], $0x4000  }
0x78: {  	s16 =	sshrl.u32 s14, $0x3;
	[sflag:s24] =	ssyncset.done $0x0  }
0x79: {  	s17 =	sadd.s32 s5, s16;
	[sflag:s24] =	ssyncadd.s32 $0xFFFFC000  }
0x7a: {  	[tilespmem:s4], [sflag:$0x1] =	stream.linear.gather [hbm4b:s17+s4], $0x80, $0x38;
	[tilespmem:$0x1CB00] =	vst v63  }
0x7b: {  	s16 =	sadd.s32 s6, s16  }
0x7c: {  	[tilespmem:s25], [sflag:$0x1] =	stream.linear.gather [hbm4b:s16+s4], $0x80, $0x38;
	[tilespmem:$0x1CB00] =	vst v63  }
0x7d: {  	_ =	swait.ge [sflag:s26], $0x80  }
0x7e: {  	[sflag:s26] =	ssyncset.done $0x0  }
0x7f: {  	[sflag:s26] =	ssyncadd.s32 $0xFFFFFF80  }
0x80: {  	_ =	swait.ge [sflag:s26], $0x80  }
0x81: {  	[sflag:s26] =	ssyncset.done $0x0  }
0x82: {  	[sflag:s26] =	ssyncadd.s32 $0xFFFFFF80  }
0x83: {  	[tilespmem:s23], [sflag:$0x3] =	stream.indirect.gather [hbm4b:s0+s25], $0x80, s4, s25, $0xb8;
	[tilespmem:$0x1CB00] =	vst v63  }
0x84: {  	_ =	swait.ge [sflag:s2], $0x4000  }
0x85: {  	[sflag:s2] =	ssyncset.done $0x0  }
0x86: {  	[sflag:s2] =	ssyncadd.s32 $0xFFFFC000  }
0x87: {  	[spmem:s3] =	stream.indirect.scatter.add.f32 [tilespmem:s31], [sflag:$0x5], $0x80, s29, s25, $0xb8;
	[tilespmem:$0x1CB00] =	vst v63  }
.Ltmp1:
0x88: {  	_ =	swait.ge [sflag:s24], $0x4000;
	(pc) =	sbr.rel @p0 .LBB2_4-.Ltmp1, $4  }
0x89: {  	[sflag:s24] =	ssyncset.done $0x0  }
0x8a: {  	s16 =	sadd.s32 s15, s21;
	[sflag:s24] =	ssyncadd.s32 $0xFFFFC000  }
0x8b: {  	[tilespmem:s28], [sflag:$0x2] =	stream.linear.gather [hbm4b:s16+s4], $0x80, $0x38;
	[tilespmem:$0x1CB00] =	vst v63  }
0x8c: {  	s14 =	sadd.s32 $0x100, s14;
	s15 =	sadd.s32 s15, s20  }
0x8d: {  	[tilespmem:s29], [sflag:$0x2] =	stream.linear.gather [hbm4b:s15+s4], $0x80, $0x38;
	[tilespmem:$0x1CB00] =	vst v63  }
0x8e: {  	_ =	swait.ge [sflag:s30], $0x80  }
0x8f: {  	[sflag:s30] =	ssyncset.done $0x0  }
0x90: {  	[sflag:s30] =	ssyncadd.s32 $0xFFFFFF80  }
0x91: {  	_ =	swait.ge [sflag:s30], $0x80  }
0x92: {  	[sflag:s30] =	ssyncset.done $0x0  }
0x93: {  	[sflag:s30] =	ssyncadd.s32 $0xFFFFFF80  }
0x94: {  	[tilespmem:s31], [sflag:$0x4] =	stream.indirect.gather [hbm4b:s0+s25], $0x80, s28, s25, $0xb8;
	[tilespmem:$0x1CB00] =	vst v63  }
0x95: {  	_ =	swait.ge [sflag:s1], $0x4000  }
0x96: {  	[sflag:s1] =	ssyncset.done $0x0  }
0x97: {  	[sflag:s1] =	ssyncadd.s32 $0xFFFFC000  }
0x98: {  	[spmem:s3] =	stream.indirect.scatter.add.f32 [tilespmem:s23], [sflag:$0x5], $0x80, s25, s25, $0xb8;
	[tilespmem:$0x1CB00] =	vst v63  }
0x99: {  	_ =	swait.ge [sflag:s24], $0x4000  }
0x9a: {  	[sflag:s24] =	ssyncset.done $0x0  }
0x9b: {  	[sflag:s24] =	ssyncadd.s32 $0xFFFFC000  }
0x9c: {  	_ =	swait.ge [sflag:s2], $0x4000  }
0x9d: {  	[sflag:s2] =	ssyncset.done $0x0  }
0x9e: {  	[sflag:s2] =	ssyncadd.s32 $0xFFFFC000  }
0x9f: {  	[spmem:s3] =	stream.indirect.scatter.add.f32 [tilespmem:s31], [sflag:$0x5], $0x80, s29, s25, $0xb8;
	[tilespmem:$0x1CB00] =	vst v63  }
0xa0: {  	_ =	swait.ge [sflag:s24], $0x4000  }
0xa1: {  	[sflag:s24] =	ssyncset.done $0x0  }
0xa2: {  	s13 =	rddreg [dreg:$0xc];
	[sflag:s24] =	ssyncadd.s32 $0xFFFFC000  }
0xa3: {  	[tilespmem:s8], [sflag:$0x5] =	stream.linear.gather [hbm4b:s13+s4], $0x10, $0x38;
	[tilespmem:$0x1CB00] =	vst v63  }
0xa4: {  	_ =	swait.ge [sflag:s24], $0x10  }
0xa5: {  	[sflag:s24] =	ssyncset.done $0x0  }
0xa6: {  	s16 =	rddreg [dreg:$0xd];
	[sflag:s24] =	ssyncadd.s32 $0xFFFFFFF0  }
0xa7: {  	[tilespmem:s9], [sflag:$0x5] =	stream.linear.gather [hbm4b:s16+s4], $0x10, $0x38;
	[tilespmem:$0x1CB00] =	vst v63  }
0xa8: {  	_ =	swait.ge [sflag:s24], $0x10  }
0xa9: {  	[sflag:s24] =	ssyncset.done $0x0  }
0xaa: {  	[sflag:s24] =	ssyncadd.s32 $0xFFFFFFF0  }
0xab: {  	[tilespmem:s11], [sflag:$0x3] =	stream.indirect.gather [hbm4b:s0+s10], $0x80, s8, s10, $0xb8;
	[tilespmem:$0x1CB00] =	vst v63  }
0xac: {  	_ =	swait.ge [sflag:s1], $0x800  }
0xad: {  	[sflag:s1] =	ssyncset.done $0x0  }
0xae: {  	[sflag:s1] =	ssyncadd.s32 $0xFFFFF800  }
0xaf: {  	[spmem:s3] =	stream.indirect.scatter.add.f32 [tilespmem:s11], [sflag:$0x5], $0x80, s9, s10, $0xb8;
	[tilespmem:$0x1CB00] =	vst v63  }
0xb0: {  	s17 =	stileid.u32;
	_ =	swait.ge [sflag:s24], $0x800  }
0xb1: {  	s14 =	sshrl.u32 s7, $0x3;
	s12 =	sadd.s32 $0x1, s12;
	[sflag:s24] =	ssyncset.done $0x0  }
0xb2: {  	p0 =	sne.s32 s12, s19;
	s13 =	sshll.u32 s17, $0x6;
	[sflag:s24] =	ssyncadd.s32 $0xFFFFF800  }
.Ltmp2:
0xb3: {  	s13 =	sor.u32 $0x1C05, s13;
	[bflag:$0x0] =	sbarrier.arrive $0xFFFF;
	(pc) =	sbr.rel @p0 .LBB2_1-.Ltmp2, $4  }
0xb4: {  	[hbm:s18], [sflag:s13] =	dma.local [spmem:s14], $0x2800  }
0xb5: {  	_ =	swait.ge [sflag:s24], $0x2800  }
0xb6: {  	[sflag:s24] =	ssyncset.done $0x0  }
0xb7: {  	[sflag:s24] =	ssyncadd.s32 $0xFFFFD800  }
0xb8: {  	_ =	sfence.sel $0x180000  }
0xb9: {  	[bflag:$0x0] =	sbarrier.arrive $0xFFFF  }
0xba: {  	_ =	strace $0x90000047  }
0xbb: {  	s0 =	stileid.u32;
	[bflag:$0x2] =	sbarrier.arrive $0xFFFF  }
0xbc: {  	p0 =	sne.s32 s0, $0x0;
	s0 =	rddreg [dreg:$0x3]  }
0xbd: {  	s0 =	sadd.s32 @!p0 $0x100000, s0  }
0xbe: {  	[sflag:s0] =	ssyncadd.tile.s32 @!p0 $0x1;
	_ =	shalt  }
.Lfunc_end2:
_tile_overlayer_lowered:
.L_overlay_start_2:
0xbf: {  	(tag) =	ssettag $0x2  }
0xc0: {  	s0 =	rddreg [dreg:$0x0];
	s2 =	stileid.u32  }
0xc1: {  	s1 =	rddreg [dreg:$0x1];
	p0 =	sne.s32 s2, $0x0  }
0xc2: {  	s3 =	rddreg [dreg:$0x2];
	[bflag:$0x3] =	sbarrier.arrive $0xFFFF;
	s2 =	simm.s32 @!p0 $0x1C05  }
0xc3: {  	[timem:s3], [sflag:s2] =	dma.local @!p0 [hbm:s0], s1  }
0xc4: {  	s0 =	simm.s32 @!p0 $0x5  }
0xc5: {  	_ =	swait.ge @!p0 [sflag:s0], s1  }
0xc6: {  	s1 =	ssub.s32 @!p0 $0x0, s1;
	[sflag:s0] =	ssyncset.done @!p0 $0x0  }
0xc7: {  	[sflag:s0] =	ssyncadd.s32 @!p0 s1  }
0xc8: {  	[bflag:$0x3] =	sbarrier.arrive $0xFFFF  }
0xc9: {  	_ =	shalt  }

// kernel: kernel.15.cloned.1.call-start
scs
__scs_entry_jumppad:
0x0: {  	(pc) =	sbr.rel $0x88, $3  }
0x1: {  	(tag) =	ssettag $0x0;
	lr =	simm.s32 $0x1  }
0x2: {  	[smem:$0x3F8A] =	sst lr;
	_ =	strace $0xD0000000  }
0x3: {  	_ = 	snop  }
0x4: {  	_ = 	snop  }
0x5: {  	_ = 	snop  }
0x6: {  	_ = 	snop  }
0x7: {  	_ = 	snop  }
__scs_overlays_trampoline_lowered:
0x8: {  	[smem:$0x3F99] =	sst s0  }
0x9: {  	[smem:$0x3F9A] =	sst s1  }
0xa: {  	[smem:$0x3F9B] =	sst s2  }
0xb: {  	[smem:$0x3F9C] =	sst s3  }
0xc: {  	[smem:$0x3F9D] =	sst s4  }
0xd: {  	[smem:$0x3F9E] =	sst s5  }
0xe: {  	[smem:$0x3F9F] =	sst s6  }
0xf: {  	[smem:$0x3FA0] =	sst s7  }
0x10: {  	[smem:$0x3FA1] =	sst s8  }
0x11: {  	[smem:$0x3FA2] =	sst s9;
	s0 =	simm.s32 @!p0 $0x0  }
0x12: {  	s1 =	sld [smem:$0x3F88];
	s0 =	simm.s32 @p0 $0x1  }
0x13: {  	[smem:$0x3FA3] =	sst s0;
	s0 =	simm.s32 @!p1 $0x0  }
0x14: {  	s2 =	sld [smem:$0x3F87];
	s0 =	simm.s32 @p1 $0x1  }
0x15: {  	[smem:$0x3FA4] =	sst s0;
	s0 =	simm.s32 @!p2 $0x0  }
0x16: {  	s3 =	sld [smem:$0x3FDB];
	s0 =	simm.s32 @p2 $0x1  }
0x17: {  	s4 =	simm.s32 $0x1BF5;
	[smem:$0x3FA6] =	sst s0  }
0x18: {  	s0 =	sld [smem:$0x3F89];
	_ =	swait.ge [sflag:s4], $0x0  }
0x19: {  	s7 =	sld [smem:$0x3F8A]  }
0x1a: {  	s8 =	sadd.s32 $0xFFFFE003, lr  }
0x1b: {  	s9 =	sadd.s32 $0xFFFFFEF7, lr;
	s5 =	simm.s32 $0xFFFFFFFF;
	p2 =	slt.u32 s8, $0xFFFFF086  }
0x1c: {  	p1 =	slt.u32 s9, $0xF7A;
	s5 =	simm.s32 @!p2 $0x0  }
0x1d: {  	s5 =	simm.s32 @p1 $0x1;
	p0 =	seq.s32 s7, s2  }
0x1e: {  	s7 =	smul.u32 @!p0 $0xF7A, s2;
	p2 =	seq.s32 @!p0 s5, $0x0  }
0x1f: {  	s9 =	smul.u32 $0xF7A, s1;
	s8 =	simm.s32 @!p0 $0x1BF5;
	p2 =	por !p2, p0  }
0x20: {  	[sflag:s8] =	ssyncset.s32 @!p0 $0xFFFFF086;
	s6 =	sadd.s32 @!p0 s3, s7;
	s7 =	simm.s32 @!p0 $0x108  }
0x21: {  	s3 =	sadd.s32 s3, s9;
	s6 =	sadd.s32 @!p0 $0x88, s6;
	s7 =	simm.s32 @p2 $0x1082  }
0x22: {  	[simem:s7], [sflag:s8] =	dma.local @!p0 [hbm:s6], $0xF7A  }
0x23: {  	s9 =	sor.u32 $0xD0000000, s2;
	s6 =	simm.s32 $0x108;
	_ =	swait.ge @!p0 [sflag:s8], $0x0  }
0x24: {  	s3 =	sadd.s32 $0x88, s3;
	s6 =	simm.s32 @!p1 $0x1082;
	[sflag:s4] =	ssyncset.s32 $0xFFFFF086  }
0x25: {  	[simem:s6], [sflag:s4] =	dma.local [hbm:s3], $0xF7A  }
0x26: {  	[smem:$0x3F8A] =	sst s1;
	(tag) =	ssettag s2;
	_ =	strace s9  }
0x27: {  	s1 =	sld [smem:$0x3F9A]  }
0x28: {  	s2 =	sld [smem:$0x3F9B]  }
0x29: {  	s4 =	sld [smem:$0x3F9D]  }
0x2a: {  	p0 =	seq.s32 s5, $0x0;
	s5 =	sld [smem:$0x3F9E]  }
0x2b: {  	s6 =	sld [smem:$0x3F9F]  }
0x2c: {  	s7 =	sld [smem:$0x3FA0]  }
0x2d: {  	s3 =	simm.s32 $0x108;
	s8 =	sld [smem:$0x3FA1]  }
0x2e: {  	s3 =	simm.s32 @!p0 $0x1082;
	s9 =	sld [smem:$0x3FA2]  }
0x2f: {  	lr =	sadd.s32 s0, s3;
	s0 =	sld [smem:$0x3F99]  }
0x30: {  	s3 =	sld [smem:$0x3F9C]  }
0x31: {  	[smem:$0x3FA5] =	sst s10  }
0x32: {  	s10 =	sld [smem:$0x3FA3];
	_ =	sdelay $0x3  }
0x33: {  	p0 =	seq.s32 s10, $0x1;
	s10 =	sld [smem:$0x3FA5];
	_ =	sdelay $0x3  }
0x34: {  	[smem:$0x3FA5] =	sst s10  }
0x35: {  	s10 =	sld [smem:$0x3FA4];
	_ =	sdelay $0x3  }
0x36: {  	p1 =	seq.s32 s10, $0x1;
	s10 =	sld [smem:$0x3FA5];
	_ =	sdelay $0x3  }
0x37: {  	[smem:$0x3FA5] =	sst s10  }
0x38: {  	s10 =	sld [smem:$0x3FA6]  }
0x39: {  	_ = 	snop;
	(pc) =	sbr.ind lr, $3  }
0x3a: {  	_ = 	snop  }
0x3b: {  	_ = 	snop  }
0x3c: {  	p2 =	seq.s32 s10, $0x1;
	s10 =	sld [smem:$0x3FA5]  }
0x3d: {  	_ =	shalt  }
0x3e: {  	_ =	shalt  }
0x3f: {  	_ =	shalt  }
0x40: {  	_ =	shalt  }
0x41: {  	_ =	shalt  }
0x42: {  	_ =	shalt  }
0x43: {  	_ =	shalt  }
0x44: {  	_ =	shalt  }
0x45: {  	_ =	shalt  }
0x46: {  	_ =	shalt  }
0x47: {  	_ =	shalt  }
0x48: {  	_ =	shalt  }
0x49: {  	_ =	shalt  }
0x4a: {  	_ =	shalt  }
0x4b: {  	_ =	shalt  }
0x4c: {  	_ =	shalt  }
0x4d: {  	_ =	shalt  }
0x4e: {  	_ =	shalt  }
0x4f: {  	_ =	shalt  }
0x50: {  	_ =	shalt  }
0x51: {  	_ =	shalt  }
0x52: {  	_ =	shalt  }
0x53: {  	_ =	shalt  }
0x54: {  	_ =	shalt  }
0x55: {  	_ =	shalt  }
0x56: {  	_ =	shalt  }
0x57: {  	_ =	shalt  }
0x58: {  	_ =	shalt  }
0x59: {  	_ =	shalt  }
0x5a: {  	_ =	shalt  }
0x5b: {  	_ =	shalt  }
0x5c: {  	_ =	shalt  }
0x5d: {  	_ =	shalt  }
0x5e: {  	_ =	shalt  }
0x5f: {  	_ =	shalt  }
0x60: {  	_ =	shalt  }
0x61: {  	_ =	shalt  }
0x62: {  	_ =	shalt  }
0x63: {  	_ =	shalt  }
0x64: {  	_ =	shalt  }
0x65: {  	_ =	shalt  }
0x66: {  	_ =	shalt  }
0x67: {  	_ =	shalt  }
0x68: {  	_ =	shalt  }
0x69: {  	_ =	shalt  }
0x6a: {  	_ =	shalt  }
0x6b: {  	_ =	shalt  }
0x6c: {  	_ =	shalt  }
0x6d: {  	_ =	shalt  }
0x6e: {  	_ =	shalt  }
0x6f: {  	_ =	shalt  }
0x70: {  	_ =	shalt  }
0x71: {  	_ =	shalt  }
0x72: {  	_ =	shalt  }
0x73: {  	_ =	shalt  }
0x74: {  	_ =	shalt  }
0x75: {  	_ =	shalt  }
0x76: {  	_ =	shalt  }
0x77: {  	_ =	shalt  }
0x78: {  	_ =	shalt  }
0x79: {  	_ =	shalt  }
0x7a: {  	_ =	shalt  }
0x7b: {  	_ =	shalt  }
0x7c: {  	_ =	shalt  }
0x7d: {  	_ =	shalt  }
0x7e: {  	_ =	shalt  }
0x7f: {  	_ =	shalt  }
0x80: {  	_ =	shalt  }
0x81: {  	_ =	shalt  }
0x82: {  	_ =	shalt  }
0x83: {  	_ =	shalt  }
0x84: {  	_ =	shalt  }
0x85: {  	_ =	shalt  }
0x86: {  	_ =	shalt  }
0x87: {  	_ =	shalt  }
.Lfunc_end0:
.L_simem_size_0:
called_computation.2_lowered:
.L_overlay_start_0:
0x88: {  	s2 =	sld [smem:$0x3FD9]  }
0x89: {  	s3 =	sld [smem:$0x3FFE];
	_ =	sdelay $0x1  }
0x8a: {  	s1 =	srdreg.scid  }
0x8b: {  	s0 =	sand.u32 $0x1, s1  }
0x8c: {  	s16 =	sshll.u32 s0, $0xA;
	s2 =	sadd.s32 s3, s2  }
0x8d: {  	s2 =	sadd.s32 s2, s16  }
0x8e: {  	[smem:$0x3FB1] =	sst s2  }
0x8f: {  	_ = 	snop  }
0x90: {  	(tm) =	ssettm $0x1  }
0x91: {  	s17 =	sld [smem:$0x3FFB];
	_ =	sdelay $0x3  }
0x92: {  	_ =	strace s17  }
0x93: {  	s2 =	sld [smem:$0x3FFC];
	_ =	sdelay $0x3  }
0x94: {  	_ =	strace s2  }
0x95: {  	s2 =	sld [smem:$0x3FFD];
	_ =	sdelay $0x3  }
0x96: {  	_ =	strace s2  }
0x97: {  	_ =	strace $0x8FFFFFFF  }
0x98: {  	s18 =	sld [smem:$0x3FDB];
	_ =	sdelay $0x1  }
0x99: {  	s19 =	simm.s32 $_scs_section_size  }
0x9a: {  	s4 =	simm.s32 $_size__tile_overlayer_lowered;
	s5 =	simm.s32 $_tile_overlayer_lowered  }
0x9b: {  	s22 =	simm.s32 $0x1BFF;
	s21 =	sshll.u32 s5, $0x1;
	s2 =	sadd.s32 s19, s18  }
0x9c: {  	s6 =	simm.s32 $0x0;
	s20 =	sshll.u32 s4, $0x1;
	s4 =	sadd.s32 s21, s2  }
0x9d: {  	[timem:s6], [sflag:s22] =	dma.local [hbm:s4], s20  }
0x9e: {  	_ =	swait.ge [sflag:s22], s20  }
0x9f: {  	s3 =	ssub.s32 $0x0, s20;
	[sflag:s22] =	ssyncset.done $0x0  }
0xa0: {  	[sflag:s22] =	ssyncadd.s32 s3;
	_ =	sdelay $0x1  }
0xa1: {  	s23 =	simm.s32 $0x1B8B  }
0xa2: {  	_ =	swait.ge [sflag:s23], $0x1  }
0xa3: {  	[sflag:s23] =	ssyncset.done $0x0  }
0xa4: {  	s25 =	simm.s32 $0x1B8E;
	s24 =	sld [smem:$0x3FFE];
	[sflag:s23] =	ssyncadd.s32 $0xFFFFFFFF  }
0xa5: {  	s26 =	simm.s32 $execute0_lowered;
	[smem:$0x3FD2] =	sst s25  }
0xa6: {  	s4 =	sshll.u32 s26, $0x1;
	_ =	strace $0x8000004C;
	[dreg:$0x1] =	wrdreg $0xFFFFFFFF  }
0xa7: {  	s28 =	simm.s32 $_size_execute0_lowered;
	s2 =	sadd.s32 s2, s4;
	[dreg:$0x0] =	wrdreg $0x0  }
0xa8: {  	s4 =	sshll.u32 s28, $0x1;
	[dreg:$0x2] =	wrdreg s2  }
0xa9: {  	[dreg:$0x3] =	wrdreg s4  }
0xaa: {  	[dreg:$0x4] =	wrdreg $0xC0  }
0xab: {  	_ =	task [dreg:s6], $0x5FFFF  }
0xac: {  	[dreg:$0x1] =	wrdreg $0xFFFFFFFF  }
0xad: {  	[dreg:$0x0] =	wrdreg $0x60  }
0xae: {  	[dreg:$0x2] =	wrdreg s24  }
0xaf: {  	[dreg:$0x3] =	wrdreg $0x8B000  }
0xb0: {  	[dreg:$0x4] =	wrdreg $0x9  }
0xb1: {  	_ =	task.clear_ibuf [dreg:s6], $0x5FFFF;
	_ =	strace $0x9000004C  }
0xb2: {  	s29 =	simm.s32 $0x9;
	_ =	strace $0x8000004E  }
0xb3: {  	_ =	swait.ge [sflag:s29], $0x1  }
0xb4: {  	[sflag:s29] =	ssyncadd.s32 $0xFFFFFFFF  }
0xb5: {  	_ =	strace $0x9000004E  }
0xb6: {  	_ =	sfence  }
0xb7: {  	s30 =	sld [smem:$0x0];
	_ =	sdelay $0x2  }
0xb8: {  	s31 =	sshll.u32 s1, $0xD;
	s1 =	sshrl.u32 s1, $0x2  }
0xb9: {  	s3 =	sand.u32 $0x4000, s31;
	s1 =	sadd.s32 s1, s30  }
0xba: {  	s0 =	sor.u32 s3, s0;
	s1 =	sshll.u32 s1, $0x11  }
0xbb: {  	s0 =	sor.u32 s1, s0  }
0xbc: {  	s0 =	sadd.s32 $0x8F2B, s0  }
0xbd: {  	[sflag:s0] =	ssyncadd.remote.s32 $0x1  }
0xbe: {  	_ =	sfence.sel $0xFFFF  }
0xbf: {  	[dreg:$0x0] =	wrdreg $0xFFFFFFFF;
	(pc) =	sbr.abs _section_cstart, $3  }
0xc0: {  	[dreg:$0x1] =	wrdreg $0xFFFFFFFF  }
0xc1: {  	_ =	task.clear_ibuf [dreg:s6], $0x2FFFF;
	_ =	strace $0x9FFFFFFF  }
0xc2: {  	(tm) =	ssettm $0x7FFFFFFF  }
0xc3: {  	_ =	shalt  }
tec
execute0_lowered:
.L_overlay_start_1:
0x0: {  	(tag) =	ssettag $0x1  }
0x1: {  	s0 =	rddreg [dreg:$0x0];
	s1 =	srdreg.scid  }
0x2: {  	s2 =	rddreg [dreg:$0x1];
	s11 =	stileid.u32  }
0x3: {  	s3 =	simm.s32 $0x0;
	s28 =	simm.s32 $0x4100;
	s29 =	simm.s32 $0x4180  }
0x4: {  	s30 =	simm.s32 $0x2;
	s31 =	simm.s32 $0x4200;
	s6 =	smul.u32 $0x14000, s11  }
0x5: {  	s1 =	sand.u32 $0x1, s1;
	[smem:$0x7FF] =	sst s3;
	s8 =	smul.u32 $0x50000, s11  }
0x6: {  	s4 =	sadd.s32 $0x18400, s0;
	s12 =	sshll.u32 s11, $0x1;
	s19 =	smul.u32 $0x4E20, s11  }
0x7: {  	s5 =	smul.u32 $0x140000, s1;
	_ =	strace $0x8000004D;
	s9 =	ssub.s32 $0x2, s1  }
0x8: {  	s10 =	sor.u32 s1, s12;
	s1 =	smul.u32 $0x2710, s1;
	s13 =	sshrl.u32 s8, $0x2  }
0x9: {  	s14 =	sshrl.u32 s9, $0x1;
	s10 =	smul.u32 $0x2710, s10;
	s6 =	sadd.s32 s6, s5  }
0xa: {  	s5 =	sadd.s32 $0xE600, s0;
	s8 =	ssub.s32 s9, s14;
	s1 =	sadd.s32 s1, s19  }
0xb: {  	s7 =	sshrl.u32 s6, $0x3;
	s6 =	sadd.s32 $0x4800, s0;
	s18 =	sshrl.u32 s10, $0x3  }
0xc: {  	s25 =	sadd.s32 $0x180, s1;
	s19 =	smax.u32 s8, $0x1;
	s8 =	simm.s32 $0x8200  }
0xd: {  	s10 =	simm.s32 $0x10;
	s0 =	sadd.s32 s7, s0;
	s12 =	sadd.s32 s5, s18  }
0xe: {  	s7 =	sadd.s32 s13, s2;
	s22 =	sadd.s32 s6, s18;
	[dreg:$0x7] =	wrdreg s12  }
0xf: {  	s21 =	sadd.s32 $0x10, s18;
	s15 =	sadd.s32 $0x4000, s7;
	[dreg:$0x8] =	wrdreg s22  }
0x10: {  	s9 =	sadd.s32 $0x4E0, s18;
	s16 =	sadd.s32 $0x8000, s7;
	[dreg:$0x3] =	wrdreg s15  }
0x11: {  	s26 =	sshrl.u32 s25, $0x3;
	s17 =	sadd.s32 $0xC000, s7;
	[dreg:$0x4] =	wrdreg s16  }
0x12: {  	s25 =	simm.s32 $0x80;
	s20 =	sadd.s32 $0x10000, s7;
	[dreg:$0x5] =	wrdreg s17  }
0x13: {  	s23 =	sadd.s32 s5, s21;
	s11 =	sadd.s32 s6, s21;
	[dreg:$0x6] =	wrdreg s20  }
0x14: {  	s24 =	sadd.s32 s5, s9;
	s9 =	sadd.s32 s6, s9;
	[dreg:$0x9] =	wrdreg s23  }
0x15: {  	s18 =	sadd.s32 $0xB8400, s0;
	s21 =	sadd.s32 s26, s5;
	[dreg:$0xa] =	wrdreg s11  }
0x16: {  	s22 =	sadd.s32 $0x100, s1;
	s0 =	simm.s32 $0x3;
	[dreg:$0xb] =	wrdreg s24  }
0x17: {  	s1 =	simm.s32 $0x4;
	s12 =	simm.s32 $0x0;
	[dreg:$0xc] =	wrdreg s9  }
0x18: {  	s20 =	sadd.s32 s26, s6;
	s23 =	simm.s32 $0x100;
	s24 =	simm.s32 $0x5  }
0x19: {  	v0 =	vimm.f32 $0.0e+00;
	s26 =	simm.s32 $0x1;
	s9 =	simm.s32 $0x8280;
	s11 =	simm.s32 $0x8300  }
.LBB2_1:
0x1a: {  	s13 =	sand.u32 $0xFE00, s3  }
0x1b: {  	s14 =	sand.u32 $0x70, s3;
	s15 =	sshrl.u32 s13, $0x2  }
0x1c: {  	s13 =	simm.s32 $0x40;
	s15 =	sor.u32 s14, s15;
	s14 =	simm.s32 $0x0  }
.LBB2_2:
0x1d: {  	p0 =	sne.s32 s13, $0xFFC0  }
0x1e: {  	[tilespmem:s15+$0x100] =	vst v0;
	s14 =	sadd.s32 $0x10, s14;
	s15 =	smov.u32 s13;
	s13 =	sadd.s32 $0x40, s13  }
.Ltmp0:
0x1f: {  	(pc) =	sbr.rel @p0 .LBB2_2-.Ltmp0, $4  }
0x20: {  	_ = 	snop  }
0x21: {  	s15 =	sand.u32 $0xFE00, s15  }
0x22: {  	s16 =	sand.u32 $0x70, s14;
	s15 =	sshrl.u32 s15, $0x2  }
0x23: {  	s15 =	sor.u32 s16, s15  }
0x24: {  	[tilespmem:s15+$0x100] =	vst v0  }
0x25: {  	[spmem:s7] =	stream.linear.scatter [tilespmem:s23], [sflag:$0x5], $0x4000, $0x38;
	[tilespmem:$0x1CB00] =	vst v63  }
0x26: {  	_ =	swait.ge [sflag:s24], $0x4000  }
0x27: {  	[sflag:s24] =	ssyncset.done $0x0  }
0x28: {  	s13 =	rddreg [dreg:$0x3];
	[sflag:s24] =	ssyncadd.s32 $0xFFFFC000  }
0x29: {  	[spmem:s13] =	stream.linear.scatter [tilespmem:s23], [sflag:$0x5], $0x4000, $0x38;
	[tilespmem:$0x1CB00] =	vst v63  }
0x2a: {  	_ =	swait.ge [sflag:s24], $0x4000  }
0x2b: {  	[sflag:s24] =	ssyncset.done $0x0  }
0x2c: {  	s16 =	rddreg [dreg:$0x4];
	[sflag:s24] =	ssyncadd.s32 $0xFFFFC000  }
0x2d: {  	[spmem:s16] =	stream.linear.scatter [tilespmem:s23], [sflag:$0x5], $0x4000, $0x38;
	[tilespmem:$0x1CB00] =	vst v63  }
0x2e: {  	_ =	swait.ge [sflag:s24], $0x4000  }
0x2f: {  	[sflag:s24] =	ssyncset.done $0x0  }
0x30: {  	s17 =	rddreg [dreg:$0x5];
	[sflag:s24] =	ssyncadd.s32 $0xFFFFC000  }
0x31: {  	[spmem:s17] =	stream.linear.scatter [tilespmem:s23], [sflag:$0x5], $0x4000, $0x38;
	[tilespmem:$0x1CB00] =	vst v63  }
0x32: {  	_ =	swait.ge [sflag:s24], $0x4000  }
0x33: {  	[sflag:s24] =	ssyncset.done $0x0  }
0x34: {  	s14 =	rddreg [dreg:$0x6];
	[sflag:s24] =	ssyncadd.s32 $0xFFFFC000  }
0x35: {  	[spmem:s14] =	stream.linear.scatter [tilespmem:s23], [sflag:$0x5], $0x4000, $0x38;
	[tilespmem:$0x1CB00] =	vst v63  }
0x36: {  	_ =	swait.ge [sflag:s24], $0x4000  }
0x37: {  	[sflag:s24] =	ssyncset.done $0x0  }
0x38: {  	[sflag:s24] =	ssyncadd.s32 $0xFFFFC000  }
0x39: {  	[bflag:$0x0] =	sbarrier.arrive $0xFFFF  }
0x3a: {  	s13 =	simm.s32 $0x0;
	s14 =	rddreg [dreg:$0x7]  }
0x3b: {  	[tilespmem:s13], [sflag:$0x1] =	stream.linear.gather [hbm4b:s14+s13], $0x80, $0x38;
	[tilespmem:$0x1CB00] =	vst v63  }
0x3c: {  	s15 =	rddreg [dreg:$0x8]  }
0x3d: {  	[tilespmem:s25], [sflag:$0x1] =	stream.linear.gather [hbm4b:s15+s13], $0x80, $0x38;
	[tilespmem:$0x1CB00] =	vst v63  }
0x3e: {  	_ =	swait.ge [sflag:s26], $0x80  }
0x3f: {  	[sflag:s26] =	ssyncset.done $0x0  }
0x40: {  	[sflag:s26] =	ssyncadd.s32 $0xFFFFFF80  }
0x41: {  	_ =	swait.ge [sflag:s26], $0x80  }
0x42: {  	[sflag:s26] =	ssyncset.done $0x0  }
0x43: {  	[sflag:s26] =	ssyncadd.s32 $0xFFFFFF80  }
0x44: {  	[tilespmem:s23], [sflag:$0x3] =	stream.indirect.gather [hbm4b:s4+s25], $0x80, s13, s25, $0xb8;
	[tilespmem:$0x1CB00] =	vst v63  }
0x45: {  	s16 =	rddreg [dreg:$0x9]  }
0x46: {  	[tilespmem:s28], [sflag:$0x2] =	stream.linear.gather [hbm4b:s16+s13], $0x80, $0x38;
	[tilespmem:$0x1CB00] =	vst v63  }
0x47: {  	s17 =	rddreg [dreg:$0xa]  }
0x48: {  	[tilespmem:s29], [sflag:$0x2] =	stream.linear.gather [hbm4b:s17+s13], $0x80, $0x38;
	[tilespmem:$0x1CB00] =	vst v63  }
0x49: {  	_ =	swait.ge [sflag:s30], $0x80  }
0x4a: {  	[sflag:s30] =	ssyncset.done $0x0  }
0x4b: {  	[sflag:s30] =	ssyncadd.s32 $0xFFFFFF80  }
0x4c: {  	_ =	swait.ge [sflag:s30], $0x80  }
0x4d: {  	[sflag:s30] =	ssyncset.done $0x0  }
0x4e: {  	[sflag:s30] =	ssyncadd.s32 $0xFFFFFF80  }
0x4f: {  	[tilespmem:s31], [sflag:$0x4] =	stream.indirect.gather [hbm4b:s4+s25], $0x80, s28, s25, $0xb8;
	[tilespmem:$0x1CB00] =	vst v63  }
0x50: {  	_ =	swait.ge [sflag:s0], $0x4000  }
0x51: {  	[sflag:s0] =	ssyncset.done $0x0  }
0x52: {  	[sflag:s0] =	ssyncadd.s32 $0xFFFFC000  }
0x53: {  	[spmem:s2] =	stream.indirect.scatter.add.f32 [tilespmem:s23], [sflag:$0x5], $0x80, s25, s25, $0xb8;
	[tilespmem:$0x1CB00] =	vst v63  }
0x54: {  	_ =	swait.ge [sflag:s24], $0x4000  }
0x55: {  	s15 =	sshrl.u32 s22, $0x3;
	[sflag:s24] =	ssyncset.done $0x0  }
0x56: {  	s16 =	sadd.s32 s5, s15;
	[sflag:s24] =	ssyncadd.s32 $0xFFFFC000  }
0x57: {  	[tilespmem:s3], [sflag:$0x1] =	stream.linear.gather [hbm4b:s16+s3], $0x80, $0x38;
	[tilespmem:$0x1CB00] =	vst v63  }
0x58: {  	s13 =	sadd.s32 s6, s15  }
0x59: {  	[tilespmem:s25], [sflag:$0x1] =	stream.linear.gather [hbm4b:s13+s3], $0x80, $0x38;
	[tilespmem:$0x1CB00] =	vst v63  }
0x5a: {  	_ =	swait.ge [sflag:s26], $0x80  }
0x5b: {  	[sflag:s26] =	ssyncset.done $0x0  }
0x5c: {  	[sflag:s26] =	ssyncadd.s32 $0xFFFFFF80  }
0x5d: {  	_ =	swait.ge [sflag:s26], $0x80  }
0x5e: {  	[sflag:s26] =	ssyncset.done $0x0  }
0x5f: {  	[sflag:s26] =	ssyncadd.s32 $0xFFFFFF80  }
0x60: {  	[tilespmem:s23], [sflag:$0x3] =	stream.indirect.gather [hbm4b:s4+s25], $0x80, s3, s25, $0xb8;
	[tilespmem:$0x1CB00] =	vst v63  }
0x61: {  	_ =	swait.ge [sflag:s1], $0x4000  }
0x62: {  	[sflag:s1] =	ssyncset.done $0x0  }
0x63: {  	[sflag:s1] =	ssyncadd.s32 $0xFFFFC000  }
0x64: {  	[spmem:s2] =	stream.indirect.scatter.add.f32 [tilespmem:s31], [sflag:$0x5], $0x80, s29, s25, $0xb8;
	[tilespmem:$0x1CB00] =	vst v63  }
0x65: {  	_ =	swait.ge [sflag:s24], $0x4000  }
0x66: {  	s14 =	sadd.s32 $0x100, s22;
	s17 =	sadd.s32 $0x0, s21;
	[sflag:s24] =	ssyncset.done $0x0  }
0x67: {  	s15 =	sadd.s32 $0x0, s20;
	s13 =	simm.s32 $0x20;
	[sflag:s24] =	ssyncadd.s32 $0xFFFFC000  }
0x68: {  	[tilespmem:s28], [sflag:$0x2] =	stream.linear.gather [hbm4b:s17+s3], $0x80, $0x38;
	[tilespmem:$0x1CB00] =	vst v63  }
.LBB2_4:
0x69: {  	[tilespmem:s29], [sflag:$0x2] =	stream.linear.gather [hbm4b:s15+s3], $0x80, $0x38;
	[tilespmem:$0x1CB00] =	vst v63  }
0x6a: {  	s15 =	smov.u32 s13  }
0x6b: {  	p0 =	sne.s32 s13, $0x4A0;
	s13 =	sadd.s32 $0x20, s13;
	_ =	swait.ge [sflag:s30], $0x80  }
0x6c: {  	[sflag:s30] =	ssyncset.done $0x0  }
0x6d: {  	[sflag:s30] =	ssyncadd.s32 $0xFFFFFF80  }
0x6e: {  	_ =	swait.ge [sflag:s30], $0x80  }
0x6f: {  	[sflag:s30] =	ssyncset.done $0x0  }
0x70: {  	[sflag:s30] =	ssyncadd.s32 $0xFFFFFF80  }
0x71: {  	[tilespmem:s31], [sflag:$0x4] =	stream.indirect.gather [hbm4b:s4+s25], $0x80, s28, s25, $0xb8;
	[tilespmem:$0x1CB00] =	vst v63  }
0x72: {  	_ =	swait.ge [sflag:s0], $0x4000  }
0x73: {  	[sflag:s0] =	ssyncset.done $0x0  }
0x74: {  	[sflag:s0] =	ssyncadd.s32 $0xFFFFC000  }
0x75: {  	[spmem:s2] =	stream.indirect.scatter.add.f32 [tilespmem:s23], [sflag:$0x5], $0x80, s25, s25, $0xb8;
	[tilespmem:$0x1CB00] =	vst v63  }
0x76: {  	_ =	swait.ge [sflag:s24], $0x4000  }
0x77: {  	s16 =	sshrl.u32 s14, $0x3;
	[sflag:s24] =	ssyncset.done $0x0  }
0x78: {  	s17 =	sadd.s32 s5, s16;
	[sflag:s24] =	ssyncadd.s32 $0xFFFFC000  }
0x79: {  	[tilespmem:s3], [sflag:$0x1] =	stream.linear.gather [hbm4b:s17+s3], $0x80, $0x38;
	[tilespmem:$0x1CB00] =	vst v63  }
0x7a: {  	s16 =	sadd.s32 s6, s16  }
0x7b: {  	[tilespmem:s25], [sflag:$0x1] =	stream.linear.gather [hbm4b:s16+s3], $0x80, $0x38;
	[tilespmem:$0x1CB00] =	vst v63  }
0x7c: {  	_ =	swait.ge [sflag:s26], $0x80  }
0x7d: {  	[sflag:s26] =	ssyncset.done $0x0  }
0x7e: {  	[sflag:s26] =	ssyncadd.s32 $0xFFFFFF80  }
0x7f: {  	_ =	swait.ge [sflag:s26], $0x80  }
0x80: {  	[sflag:s26] =	ssyncset.done $0x0  }
0x81: {  	[sflag:s26] =	ssyncadd.s32 $0xFFFFFF80  }
0x82: {  	[tilespmem:s23], [sflag:$0x3] =	stream.indirect.gather [hbm4b:s4+s25], $0x80, s3, s25, $0xb8;
	[tilespmem:$0x1CB00] =	vst v63  }
0x83: {  	_ =	swait.ge [sflag:s1], $0x4000  }
0x84: {  	[sflag:s1] =	ssyncset.done $0x0  }
0x85: {  	[sflag:s1] =	ssyncadd.s32 $0xFFFFC000  }
0x86: {  	[spmem:s2] =	stream.indirect.scatter.add.f32 [tilespmem:s31], [sflag:$0x5], $0x80, s29, s25, $0xb8;
	[tilespmem:$0x1CB00] =	vst v63  }
.Ltmp1:
0x87: {  	_ =	swait.ge [sflag:s24], $0x4000;
	(pc) =	sbr.rel @p0 .LBB2_4-.Ltmp1, $4  }
0x88: {  	[sflag:s24] =	ssyncset.done $0x0  }
0x89: {  	s16 =	sadd.s32 s15, s21;
	[sflag:s24] =	ssyncadd.s32 $0xFFFFC000  }
0x8a: {  	[tilespmem:s28], [sflag:$0x2] =	stream.linear.gather [hbm4b:s16+s3], $0x80, $0x38;
	[tilespmem:$0x1CB00] =	vst v63  }
0x8b: {  	s14 =	sadd.s32 $0x100, s14;
	s15 =	sadd.s32 s15, s20  }
0x8c: {  	[tilespmem:s29], [sflag:$0x2] =	stream.linear.gather [hbm4b:s15+s3], $0x80, $0x38;
	[tilespmem:$0x1CB00] =	vst v63  }
0x8d: {  	_ =	swait.ge [sflag:s30], $0x80  }
0x8e: {  	[sflag:s30] =	ssyncset.done $0x0  }
0x8f: {  	[sflag:s30] =	ssyncadd.s32 $0xFFFFFF80  }
0x90: {  	_ =	swait.ge [sflag:s30], $0x80  }
0x91: {  	[sflag:s30] =	ssyncset.done $0x0  }
0x92: {  	[sflag:s30] =	ssyncadd.s32 $0xFFFFFF80  }
0x93: {  	[tilespmem:s31], [sflag:$0x4] =	stream.indirect.gather [hbm4b:s4+s25], $0x80, s28, s25, $0xb8;
	[tilespmem:$0x1CB00] =	vst v63  }
0x94: {  	_ =	swait.ge [sflag:s0], $0x4000  }
0x95: {  	[sflag:s0] =	ssyncset.done $0x0  }
0x96: {  	[sflag:s0] =	ssyncadd.s32 $0xFFFFC000  }
0x97: {  	[spmem:s2] =	stream.indirect.scatter.add.f32 [tilespmem:s23], [sflag:$0x5], $0x80, s25, s25, $0xb8;
	[tilespmem:$0x1CB00] =	vst v63  }
0x98: {  	_ =	swait.ge [sflag:s24], $0x4000  }
0x99: {  	[sflag:s24] =	ssyncset.done $0x0  }
0x9a: {  	[sflag:s24] =	ssyncadd.s32 $0xFFFFC000  }
0x9b: {  	_ =	swait.ge [sflag:s1], $0x4000  }
0x9c: {  	[sflag:s1] =	ssyncset.done $0x0  }
0x9d: {  	[sflag:s1] =	ssyncadd.s32 $0xFFFFC000  }
0x9e: {  	[spmem:s2] =	stream.indirect.scatter.add.f32 [tilespmem:s31], [sflag:$0x5], $0x80, s29, s25, $0xb8;
	[tilespmem:$0x1CB00] =	vst v63  }
0x9f: {  	_ =	swait.ge [sflag:s24], $0x4000  }
0xa0: {  	[sflag:s24] =	ssyncset.done $0x0  }
0xa1: {  	s13 =	rddreg [dreg:$0xb];
	[sflag:s24] =	ssyncadd.s32 $0xFFFFC000  }
0xa2: {  	[tilespmem:s8], [sflag:$0x5] =	stream.linear.gather [hbm4b:s13+s3], $0x10, $0x38;
	[tilespmem:$0x1CB00] =	vst v63  }
0xa3: {  	_ =	swait.ge [sflag:s24], $0x10  }
0xa4: {  	[sflag:s24] =	ssyncset.done $0x0  }
0xa5: {  	s16 =	rddreg [dreg:$0xc];
	[sflag:s24] =	ssyncadd.s32 $0xFFFFFFF0  }
0xa6: {  	[tilespmem:s9], [sflag:$0x5] =	stream.linear.gather [hbm4b:s16+s3], $0x10, $0x38;
	[tilespmem:$0x1CB00] =	vst v63  }
0xa7: {  	_ =	swait.ge [sflag:s24], $0x10  }
0xa8: {  	[sflag:s24] =	ssyncset.done $0x0  }
0xa9: {  	[sflag:s24] =	ssyncadd.s32 $0xFFFFFFF0  }
0xaa: {  	[tilespmem:s11], [sflag:$0x3] =	stream.indirect.gather [hbm4b:s4+s10], $0x80, s8, s10, $0xb8;
	[tilespmem:$0x1CB00] =	vst v63  }
0xab: {  	_ =	swait.ge [sflag:s0], $0x800  }
0xac: {  	[sflag:s0] =	ssyncset.done $0x0  }
0xad: {  	[sflag:s0] =	ssyncadd.s32 $0xFFFFF800  }
0xae: {  	[spmem:s2] =	stream.indirect.scatter.add.f32 [tilespmem:s11], [sflag:$0x5], $0x80, s9, s10, $0xb8;
	[tilespmem:$0x1CB00] =	vst v63  }
0xaf: {  	s17 =	stileid.u32;
	_ =	swait.ge [sflag:s24], $0x800  }
0xb0: {  	s14 =	sshrl.u32 s7, $0x3;
	s12 =	sadd.s32 $0x1, s12;
	[sflag:s24] =	ssyncset.done $0x0  }
0xb1: {  	p0 =	sne.s32 s12, s19;
	s13 =	sshll.u32 s17, $0x6;
	[sflag:s24] =	ssyncadd.s32 $0xFFFFF800  }
.Ltmp2:
0xb2: {  	s13 =	sor.u32 $0x1C05, s13;
	[bflag:$0x0] =	sbarrier.arrive $0xFFFF;
	(pc) =	sbr.rel @p0 .LBB2_1-.Ltmp2, $4  }
0xb3: {  	[hbm:s18], [sflag:s13] =	dma.local [spmem:s14], $0x2800  }
0xb4: {  	_ =	swait.ge [sflag:s24], $0x2800  }
0xb5: {  	[sflag:s24] =	ssyncset.done $0x0  }
0xb6: {  	[sflag:s24] =	ssyncadd.s32 $0xFFFFD800  }
0xb7: {  	_ =	sfence.sel $0x180000  }
0xb8: {  	[bflag:$0x0] =	sbarrier.arrive $0xFFFF  }
0xb9: {  	_ =	strace $0x9000004D  }
0xba: {  	s0 =	stileid.u32;
	[bflag:$0x2] =	sbarrier.arrive $0xFFFF  }
0xbb: {  	p0 =	sne.s32 s0, $0x0;
	s0 =	rddreg [dreg:$0x2]  }
0xbc: {  	s0 =	sadd.s32 @!p0 $0x100000, s0  }
0xbd: {  	[sflag:s0] =	ssyncadd.tile.s32 @!p0 $0x1;
	_ =	shalt  }
.Lfunc_end2:
_tile_overlayer_lowered:
.L_overlay_start_2:
0xbe: {  	(tag) =	ssettag $0x2  }
0xbf: {  	s0 =	rddreg [dreg:$0x0];
	s2 =	stileid.u32  }
0xc0: {  	s1 =	rddreg [dreg:$0x1];
	p0 =	sne.s32 s2, $0x0  }
0xc1: {  	s3 =	rddreg [dreg:$0x2];
	[bflag:$0x3] =	sbarrier.arrive $0xFFFF;
	s2 =	simm.s32 @!p0 $0x1C05  }
0xc2: {  	[timem:s3], [sflag:s2] =	dma.local @!p0 [hbm:s0], s1  }
0xc3: {  	s0 =	simm.s32 @!p0 $0x5  }
0xc4: {  	_ =	swait.ge @!p0 [sflag:s0], s1  }
0xc5: {  	s1 =	ssub.s32 @!p0 $0x0, s1;
	[sflag:s0] =	ssyncset.done @!p0 $0x0  }
0xc6: {  	[sflag:s0] =	ssyncadd.s32 @!p0 s1  }
0xc7: {  	[bflag:$0x3] =	sbarrier.arrive $0xFFFF  }
0xc8: {  	_ =	shalt  }

// kernel: kernel.18.cloned.1.call-start
scs
__scs_entry_jumppad:
0x0: {  	(pc) =	sbr.rel $0x88, $3  }
0x1: {  	(tag) =	ssettag $0x0;
	lr =	simm.s32 $0x1  }
0x2: {  	[smem:$0x3F8A] =	sst lr;
	_ =	strace $0xD0000000  }
0x3: {  	_ = 	snop  }
0x4: {  	_ = 	snop  }
0x5: {  	_ = 	snop  }
0x6: {  	_ = 	snop  }
0x7: {  	_ = 	snop  }
__scs_overlays_trampoline_lowered:
0x8: {  	[smem:$0x3F99] =	sst s0  }
0x9: {  	[smem:$0x3F9A] =	sst s1  }
0xa: {  	[smem:$0x3F9B] =	sst s2  }
0xb: {  	[smem:$0x3F9C] =	sst s3  }
0xc: {  	[smem:$0x3F9D] =	sst s4  }
0xd: {  	[smem:$0x3F9E] =	sst s5  }
0xe: {  	[smem:$0x3F9F] =	sst s6  }
0xf: {  	[smem:$0x3FA0] =	sst s7  }
0x10: {  	[smem:$0x3FA1] =	sst s8  }
0x11: {  	[smem:$0x3FA2] =	sst s9;
	s0 =	simm.s32 @!p0 $0x0  }
0x12: {  	s1 =	sld [smem:$0x3F88];
	s0 =	simm.s32 @p0 $0x1  }
0x13: {  	[smem:$0x3FA3] =	sst s0;
	s0 =	simm.s32 @!p1 $0x0  }
0x14: {  	s2 =	sld [smem:$0x3F87];
	s0 =	simm.s32 @p1 $0x1  }
0x15: {  	[smem:$0x3FA4] =	sst s0;
	s0 =	simm.s32 @!p2 $0x0  }
0x16: {  	s3 =	sld [smem:$0x3FDB];
	s0 =	simm.s32 @p2 $0x1  }
0x17: {  	s4 =	simm.s32 $0x1BF5;
	[smem:$0x3FA6] =	sst s0  }
0x18: {  	s0 =	sld [smem:$0x3F89];
	_ =	swait.ge [sflag:s4], $0x0  }
0x19: {  	s7 =	sld [smem:$0x3F8A]  }
0x1a: {  	s8 =	sadd.s32 $0xFFFFE003, lr  }
0x1b: {  	s9 =	sadd.s32 $0xFFFFFEF7, lr;
	s5 =	simm.s32 $0xFFFFFFFF;
	p2 =	slt.u32 s8, $0xFFFFF086  }
0x1c: {  	p1 =	slt.u32 s9, $0xF7A;
	s5 =	simm.s32 @!p2 $0x0  }
0x1d: {  	s5 =	simm.s32 @p1 $0x1;
	p0 =	seq.s32 s7, s2  }
0x1e: {  	s7 =	smul.u32 @!p0 $0xF7A, s2;
	p2 =	seq.s32 @!p0 s5, $0x0  }
0x1f: {  	s9 =	smul.u32 $0xF7A, s1;
	s8 =	simm.s32 @!p0 $0x1BF5;
	p2 =	por !p2, p0  }
0x20: {  	[sflag:s8] =	ssyncset.s32 @!p0 $0xFFFFF086;
	s6 =	sadd.s32 @!p0 s3, s7;
	s7 =	simm.s32 @!p0 $0x108  }
0x21: {  	s3 =	sadd.s32 s3, s9;
	s6 =	sadd.s32 @!p0 $0x88, s6;
	s7 =	simm.s32 @p2 $0x1082  }
0x22: {  	[simem:s7], [sflag:s8] =	dma.local @!p0 [hbm:s6], $0xF7A  }
0x23: {  	s9 =	sor.u32 $0xD0000000, s2;
	s6 =	simm.s32 $0x108;
	_ =	swait.ge @!p0 [sflag:s8], $0x0  }
0x24: {  	s3 =	sadd.s32 $0x88, s3;
	s6 =	simm.s32 @!p1 $0x1082;
	[sflag:s4] =	ssyncset.s32 $0xFFFFF086  }
0x25: {  	[simem:s6], [sflag:s4] =	dma.local [hbm:s3], $0xF7A  }
0x26: {  	[smem:$0x3F8A] =	sst s1;
	(tag) =	ssettag s2;
	_ =	strace s9  }
0x27: {  	s1 =	sld [smem:$0x3F9A]  }
0x28: {  	s2 =	sld [smem:$0x3F9B]  }
0x29: {  	s4 =	sld [smem:$0x3F9D]  }
0x2a: {  	p0 =	seq.s32 s5, $0x0;
	s5 =	sld [smem:$0x3F9E]  }
0x2b: {  	s6 =	sld [smem:$0x3F9F]  }
0x2c: {  	s7 =	sld [smem:$0x3FA0]  }
0x2d: {  	s3 =	simm.s32 $0x108;
	s8 =	sld [smem:$0x3FA1]  }
0x2e: {  	s3 =	simm.s32 @!p0 $0x1082;
	s9 =	sld [smem:$0x3FA2]  }
0x2f: {  	lr =	sadd.s32 s0, s3;
	s0 =	sld [smem:$0x3F99]  }
0x30: {  	s3 =	sld [smem:$0x3F9C]  }
0x31: {  	[smem:$0x3FA5] =	sst s10  }
0x32: {  	s10 =	sld [smem:$0x3FA3];
	_ =	sdelay $0x3  }
0x33: {  	p0 =	seq.s32 s10, $0x1;
	s10 =	sld [smem:$0x3FA5];
	_ =	sdelay $0x3  }
0x34: {  	[smem:$0x3FA5] =	sst s10  }
0x35: {  	s10 =	sld [smem:$0x3FA4];
	_ =	sdelay $0x3  }
0x36: {  	p1 =	seq.s32 s10, $0x1;
	s10 =	sld [smem:$0x3FA5];
	_ =	sdelay $0x3  }
0x37: {  	[smem:$0x3FA5] =	sst s10  }
0x38: {  	s10 =	sld [smem:$0x3FA6]  }
0x39: {  	_ = 	snop;
	(pc) =	sbr.ind lr, $3  }
0x3a: {  	_ = 	snop  }
0x3b: {  	_ = 	snop  }
0x3c: {  	p2 =	seq.s32 s10, $0x1;
	s10 =	sld [smem:$0x3FA5]  }
0x3d: {  	_ =	shalt  }
0x3e: {  	_ =	shalt  }
0x3f: {  	_ =	shalt  }
0x40: {  	_ =	shalt  }
0x41: {  	_ =	shalt  }
0x42: {  	_ =	shalt  }
0x43: {  	_ =	shalt  }
0x44: {  	_ =	shalt  }
0x45: {  	_ =	shalt  }
0x46: {  	_ =	shalt  }
0x47: {  	_ =	shalt  }
0x48: {  	_ =	shalt  }
0x49: {  	_ =	shalt  }
0x4a: {  	_ =	shalt  }
0x4b: {  	_ =	shalt  }
0x4c: {  	_ =	shalt  }
0x4d: {  	_ =	shalt  }
0x4e: {  	_ =	shalt  }
0x4f: {  	_ =	shalt  }
0x50: {  	_ =	shalt  }
0x51: {  	_ =	shalt  }
0x52: {  	_ =	shalt  }
0x53: {  	_ =	shalt  }
0x54: {  	_ =	shalt  }
0x55: {  	_ =	shalt  }
0x56: {  	_ =	shalt  }
0x57: {  	_ =	shalt  }
0x58: {  	_ =	shalt  }
0x59: {  	_ =	shalt  }
0x5a: {  	_ =	shalt  }
0x5b: {  	_ =	shalt  }
0x5c: {  	_ =	shalt  }
0x5d: {  	_ =	shalt  }
0x5e: {  	_ =	shalt  }
0x5f: {  	_ =	shalt  }
0x60: {  	_ =	shalt  }
0x61: {  	_ =	shalt  }
0x62: {  	_ =	shalt  }
0x63: {  	_ =	shalt  }
0x64: {  	_ =	shalt  }
0x65: {  	_ =	shalt  }
0x66: {  	_ =	shalt  }
0x67: {  	_ =	shalt  }
0x68: {  	_ =	shalt  }
0x69: {  	_ =	shalt  }
0x6a: {  	_ =	shalt  }
0x6b: {  	_ =	shalt  }
0x6c: {  	_ =	shalt  }
0x6d: {  	_ =	shalt  }
0x6e: {  	_ =	shalt  }
0x6f: {  	_ =	shalt  }
0x70: {  	_ =	shalt  }
0x71: {  	_ =	shalt  }
0x72: {  	_ =	shalt  }
0x73: {  	_ =	shalt  }
0x74: {  	_ =	shalt  }
0x75: {  	_ =	shalt  }
0x76: {  	_ =	shalt  }
0x77: {  	_ =	shalt  }
0x78: {  	_ =	shalt  }
0x79: {  	_ =	shalt  }
0x7a: {  	_ =	shalt  }
0x7b: {  	_ =	shalt  }
0x7c: {  	_ =	shalt  }
0x7d: {  	_ =	shalt  }
0x7e: {  	_ =	shalt  }
0x7f: {  	_ =	shalt  }
0x80: {  	_ =	shalt  }
0x81: {  	_ =	shalt  }
0x82: {  	_ =	shalt  }
0x83: {  	_ =	shalt  }
0x84: {  	_ =	shalt  }
0x85: {  	_ =	shalt  }
0x86: {  	_ =	shalt  }
0x87: {  	_ =	shalt  }
.Lfunc_end0:
.L_simem_size_0:
called_computation.3_lowered:
.L_overlay_start_0:
0x88: {  	s2 =	sld [smem:$0x3FD9]  }
0x89: {  	s3 =	sld [smem:$0x3FFE];
	_ =	sdelay $0x1  }
0x8a: {  	s1 =	srdreg.scid  }
0x8b: {  	s0 =	sand.u32 $0x1, s1  }
0x8c: {  	s16 =	sshll.u32 s0, $0xA;
	s2 =	sadd.s32 s3, s2  }
0x8d: {  	s2 =	sadd.s32 s2, s16  }
0x8e: {  	[smem:$0x3FB1] =	sst s2  }
0x8f: {  	_ = 	snop  }
0x90: {  	(tm) =	ssettm $0x1  }
0x91: {  	s17 =	sld [smem:$0x3FFB];
	_ =	sdelay $0x3  }
0x92: {  	_ =	strace s17  }
0x93: {  	s2 =	sld [smem:$0x3FFC];
	_ =	sdelay $0x3  }
0x94: {  	_ =	strace s2  }
0x95: {  	s2 =	sld [smem:$0x3FFD];
	_ =	sdelay $0x3  }
0x96: {  	_ =	strace s2  }
0x97: {  	_ =	strace $0x8FFFFFFF  }
0x98: {  	s18 =	sld [smem:$0x3FDB];
	_ =	sdelay $0x1  }
0x99: {  	s19 =	simm.s32 $_scs_section_size  }
0x9a: {  	s4 =	simm.s32 $_size__tile_overlayer_lowered;
	s5 =	simm.s32 $_tile_overlayer_lowered  }
0x9b: {  	s22 =	simm.s32 $0x1BFF;
	s21 =	sshll.u32 s5, $0x1;
	s2 =	sadd.s32 s19, s18  }
0x9c: {  	s6 =	simm.s32 $0x0;
	s20 =	sshll.u32 s4, $0x1;
	s4 =	sadd.s32 s21, s2  }
0x9d: {  	[timem:s6], [sflag:s22] =	dma.local [hbm:s4], s20  }
0x9e: {  	_ =	swait.ge [sflag:s22], s20  }
0x9f: {  	s3 =	ssub.s32 $0x0, s20;
	[sflag:s22] =	ssyncset.done $0x0  }
0xa0: {  	[sflag:s22] =	ssyncadd.s32 s3;
	_ =	sdelay $0x1  }
0xa1: {  	s23 =	simm.s32 $0x1B8B  }
0xa2: {  	_ =	swait.ge [sflag:s23], $0x1  }
0xa3: {  	[sflag:s23] =	ssyncset.done $0x0  }
0xa4: {  	s25 =	simm.s32 $0x1B8E;
	s24 =	sld [smem:$0x3FFE];
	[sflag:s23] =	ssyncadd.s32 $0xFFFFFFFF  }
0xa5: {  	s26 =	simm.s32 $execute0_lowered;
	[smem:$0x3FD2] =	sst s25  }
0xa6: {  	s4 =	sshll.u32 s26, $0x1;
	_ =	strace $0x8000004F;
	[dreg:$0x1] =	wrdreg $0xFFFFFFFF  }
0xa7: {  	s28 =	simm.s32 $_size_execute0_lowered;
	s2 =	sadd.s32 s2, s4;
	[dreg:$0x0] =	wrdreg $0x0  }
0xa8: {  	s4 =	sshll.u32 s28, $0x1;
	[dreg:$0x2] =	wrdreg s2  }
0xa9: {  	[dreg:$0x3] =	wrdreg s4  }
0xaa: {  	[dreg:$0x4] =	wrdreg $0xC0  }
0xab: {  	_ =	task [dreg:s6], $0x5FFFF  }
0xac: {  	[dreg:$0x1] =	wrdreg $0xFFFFFFFF  }
0xad: {  	[dreg:$0x0] =	wrdreg $0x60  }
0xae: {  	[dreg:$0x2] =	wrdreg s24  }
0xaf: {  	[dreg:$0x3] =	wrdreg $0x8B000  }
0xb0: {  	[dreg:$0x4] =	wrdreg $0x9  }
0xb1: {  	_ =	task.clear_ibuf [dreg:s6], $0x5FFFF;
	_ =	strace $0x9000004F  }
0xb2: {  	s29 =	simm.s32 $0x9;
	_ =	strace $0x80000051  }
0xb3: {  	_ =	swait.ge [sflag:s29], $0x1  }
0xb4: {  	[sflag:s29] =	ssyncadd.s32 $0xFFFFFFFF  }
0xb5: {  	_ =	strace $0x90000051  }
0xb6: {  	_ =	sfence  }
0xb7: {  	s30 =	sld [smem:$0x0];
	_ =	sdelay $0x2  }
0xb8: {  	s31 =	sshll.u32 s1, $0xD;
	s1 =	sshrl.u32 s1, $0x2  }
0xb9: {  	s3 =	sand.u32 $0x4000, s31;
	s1 =	sadd.s32 s1, s30  }
0xba: {  	s0 =	sor.u32 s3, s0;
	s1 =	sshll.u32 s1, $0x11  }
0xbb: {  	s0 =	sor.u32 s1, s0  }
0xbc: {  	s0 =	sadd.s32 $0x8F2B, s0  }
0xbd: {  	[sflag:s0] =	ssyncadd.remote.s32 $0x1  }
0xbe: {  	_ =	sfence.sel $0xFFFF  }
0xbf: {  	[dreg:$0x0] =	wrdreg $0xFFFFFFFF;
	(pc) =	sbr.abs _section_cstart, $3  }
0xc0: {  	[dreg:$0x1] =	wrdreg $0xFFFFFFFF  }
0xc1: {  	_ =	task.clear_ibuf [dreg:s6], $0x2FFFF;
	_ =	strace $0x9FFFFFFF  }
0xc2: {  	(tm) =	ssettm $0x7FFFFFFF  }
0xc3: {  	_ =	shalt  }
tec
execute0_lowered:
.L_overlay_start_1:
0x0: {  	(tag) =	ssettag $0x1  }
0x1: {  	s0 =	rddreg [dreg:$0x0];
	s1 =	srdreg.scid  }
0x2: {  	s2 =	rddreg [dreg:$0x1];
	s11 =	stileid.u32  }
0x3: {  	s3 =	simm.s32 $0x0;
	s28 =	simm.s32 $0x4100;
	s29 =	simm.s32 $0x4180  }
0x4: {  	s30 =	simm.s32 $0x2;
	s31 =	simm.s32 $0x4200;
	s6 =	smul.u32 $0x14000, s11  }
0x5: {  	s1 =	sand.u32 $0x1, s1;
	[smem:$0x7FF] =	sst s3;
	s8 =	smul.u32 $0x50000, s11  }
0x6: {  	s4 =	sadd.s32 $0x18400, s0;
	s12 =	sshll.u32 s11, $0x1;
	s19 =	smul.u32 $0x4E20, s11  }
0x7: {  	s5 =	smul.u32 $0x140000, s1;
	_ =	strace $0x80000050;
	s9 =	ssub.s32 $0x2, s1  }
0x8: {  	s10 =	sor.u32 s1, s12;
	s1 =	smul.u32 $0x2710, s1;
	s13 =	sshrl.u32 s8, $0x2  }
0x9: {  	s14 =	sshrl.u32 s9, $0x1;
	s10 =	smul.u32 $0x2710, s10;
	s6 =	sadd.s32 s6, s5  }
0xa: {  	s5 =	sadd.s32 $0xE600, s0;
	s8 =	ssub.s32 s9, s14;
	s1 =	sadd.s32 s1, s19  }
0xb: {  	s7 =	sshrl.u32 s6, $0x3;
	s6 =	sadd.s32 $0x4800, s0;
	s18 =	sshrl.u32 s10, $0x3  }
0xc: {  	s25 =	sadd.s32 $0x180, s1;
	s19 =	smax.u32 s8, $0x1;
	s8 =	simm.s32 $0x8200  }
0xd: {  	s10 =	simm.s32 $0x10;
	s0 =	sadd.s32 s7, s0;
	s12 =	sadd.s32 s5, s18  }
0xe: {  	s7 =	sadd.s32 s13, s2;
	s22 =	sadd.s32 s6, s18;
	[dreg:$0x7] =	wrdreg s12  }
0xf: {  	s21 =	sadd.s32 $0x10, s18;
	s15 =	sadd.s32 $0x4000, s7;
	[dreg:$0x8] =	wrdreg s22  }
0x10: {  	s9 =	sadd.s32 $0x4E0, s18;
	s16 =	sadd.s32 $0x8000, s7;
	[dreg:$0x3] =	wrdreg s15  }
0x11: {  	s26 =	sshrl.u32 s25, $0x3;
	s17 =	sadd.s32 $0xC000, s7;
	[dreg:$0x4] =	wrdreg s16  }
0x12: {  	s25 =	simm.s32 $0x80;
	s20 =	sadd.s32 $0x10000, s7;
	[dreg:$0x5] =	wrdreg s17  }
0x13: {  	s23 =	sadd.s32 s5, s21;
	s11 =	sadd.s32 s6, s21;
	[dreg:$0x6] =	wrdreg s20  }
0x14: {  	s24 =	sadd.s32 s5, s9;
	s9 =	sadd.s32 s6, s9;
	[dreg:$0x9] =	wrdreg s23  }
0x15: {  	s18 =	sadd.s32 $0xB8400, s0;
	s21 =	sadd.s32 s26, s5;
	[dreg:$0xa] =	wrdreg s11  }
0x16: {  	s22 =	sadd.s32 $0x100, s1;
	s0 =	simm.s32 $0x3;
	[dreg:$0xb] =	wrdreg s24  }
0x17: {  	s1 =	simm.s32 $0x4;
	s12 =	simm.s32 $0x0;
	[dreg:$0xc] =	wrdreg s9  }
0x18: {  	s20 =	sadd.s32 s26, s6;
	s23 =	simm.s32 $0x100;
	s24 =	simm.s32 $0x5  }
0x19: {  	v0 =	vimm.f32 $0.0e+00;
	s26 =	simm.s32 $0x1;
	s9 =	simm.s32 $0x8280;
	s11 =	simm.s32 $0x8300  }
.LBB2_1:
0x1a: {  	s13 =	sand.u32 $0xFE00, s3  }
0x1b: {  	s14 =	sand.u32 $0x70, s3;
	s15 =	sshrl.u32 s13, $0x2  }
0x1c: {  	s13 =	simm.s32 $0x40;
	s15 =	sor.u32 s14, s15;
	s14 =	simm.s32 $0x0  }
.LBB2_2:
0x1d: {  	p0 =	sne.s32 s13, $0xFFC0  }
0x1e: {  	[tilespmem:s15+$0x100] =	vst v0;
	s14 =	sadd.s32 $0x10, s14;
	s15 =	smov.u32 s13;
	s13 =	sadd.s32 $0x40, s13  }
.Ltmp0:
0x1f: {  	(pc) =	sbr.rel @p0 .LBB2_2-.Ltmp0, $4  }
0x20: {  	_ = 	snop  }
0x21: {  	s15 =	sand.u32 $0xFE00, s15  }
0x22: {  	s16 =	sand.u32 $0x70, s14;
	s15 =	sshrl.u32 s15, $0x2  }
0x23: {  	s15 =	sor.u32 s16, s15  }
0x24: {  	[tilespmem:s15+$0x100] =	vst v0  }
0x25: {  	[spmem:s7] =	stream.linear.scatter [tilespmem:s23], [sflag:$0x5], $0x4000, $0x38;
	[tilespmem:$0x1CB00] =	vst v63  }
0x26: {  	_ =	swait.ge [sflag:s24], $0x4000  }
0x27: {  	[sflag:s24] =	ssyncset.done $0x0  }
0x28: {  	s13 =	rddreg [dreg:$0x3];
	[sflag:s24] =	ssyncadd.s32 $0xFFFFC000  }
0x29: {  	[spmem:s13] =	stream.linear.scatter [tilespmem:s23], [sflag:$0x5], $0x4000, $0x38;
	[tilespmem:$0x1CB00] =	vst v63  }
0x2a: {  	_ =	swait.ge [sflag:s24], $0x4000  }
0x2b: {  	[sflag:s24] =	ssyncset.done $0x0  }
0x2c: {  	s16 =	rddreg [dreg:$0x4];
	[sflag:s24] =	ssyncadd.s32 $0xFFFFC000  }
0x2d: {  	[spmem:s16] =	stream.linear.scatter [tilespmem:s23], [sflag:$0x5], $0x4000, $0x38;
	[tilespmem:$0x1CB00] =	vst v63  }
0x2e: {  	_ =	swait.ge [sflag:s24], $0x4000  }
0x2f: {  	[sflag:s24] =	ssyncset.done $0x0  }
0x30: {  	s17 =	rddreg [dreg:$0x5];
	[sflag:s24] =	ssyncadd.s32 $0xFFFFC000  }
0x31: {  	[spmem:s17] =	stream.linear.scatter [tilespmem:s23], [sflag:$0x5], $0x4000, $0x38;
	[tilespmem:$0x1CB00] =	vst v63  }
0x32: {  	_ =	swait.ge [sflag:s24], $0x4000  }
0x33: {  	[sflag:s24] =	ssyncset.done $0x0  }
0x34: {  	s14 =	rddreg [dreg:$0x6];
	[sflag:s24] =	ssyncadd.s32 $0xFFFFC000  }
0x35: {  	[spmem:s14] =	stream.linear.scatter [tilespmem:s23], [sflag:$0x5], $0x4000, $0x38;
	[tilespmem:$0x1CB00] =	vst v63  }
0x36: {  	_ =	swait.ge [sflag:s24], $0x4000  }
0x37: {  	[sflag:s24] =	ssyncset.done $0x0  }
0x38: {  	[sflag:s24] =	ssyncadd.s32 $0xFFFFC000  }
0x39: {  	[bflag:$0x0] =	sbarrier.arrive $0xFFFF  }
0x3a: {  	s13 =	simm.s32 $0x0;
	s14 =	rddreg [dreg:$0x7]  }
0x3b: {  	[tilespmem:s13], [sflag:$0x1] =	stream.linear.gather [hbm4b:s14+s13], $0x80, $0x38;
	[tilespmem:$0x1CB00] =	vst v63  }
0x3c: {  	s15 =	rddreg [dreg:$0x8]  }
0x3d: {  	[tilespmem:s25], [sflag:$0x1] =	stream.linear.gather [hbm4b:s15+s13], $0x80, $0x38;
	[tilespmem:$0x1CB00] =	vst v63  }
0x3e: {  	_ =	swait.ge [sflag:s26], $0x80  }
0x3f: {  	[sflag:s26] =	ssyncset.done $0x0  }
0x40: {  	[sflag:s26] =	ssyncadd.s32 $0xFFFFFF80  }
0x41: {  	_ =	swait.ge [sflag:s26], $0x80  }
0x42: {  	[sflag:s26] =	ssyncset.done $0x0  }
0x43: {  	[sflag:s26] =	ssyncadd.s32 $0xFFFFFF80  }
0x44: {  	[tilespmem:s23], [sflag:$0x3] =	stream.indirect.gather [hbm4b:s4+s25], $0x80, s13, s25, $0xb8;
	[tilespmem:$0x1CB00] =	vst v63  }
0x45: {  	s16 =	rddreg [dreg:$0x9]  }
0x46: {  	[tilespmem:s28], [sflag:$0x2] =	stream.linear.gather [hbm4b:s16+s13], $0x80, $0x38;
	[tilespmem:$0x1CB00] =	vst v63  }
0x47: {  	s17 =	rddreg [dreg:$0xa]  }
0x48: {  	[tilespmem:s29], [sflag:$0x2] =	stream.linear.gather [hbm4b:s17+s13], $0x80, $0x38;
	[tilespmem:$0x1CB00] =	vst v63  }
0x49: {  	_ =	swait.ge [sflag:s30], $0x80  }
0x4a: {  	[sflag:s30] =	ssyncset.done $0x0  }
0x4b: {  	[sflag:s30] =	ssyncadd.s32 $0xFFFFFF80  }
0x4c: {  	_ =	swait.ge [sflag:s30], $0x80  }
0x4d: {  	[sflag:s30] =	ssyncset.done $0x0  }
0x4e: {  	[sflag:s30] =	ssyncadd.s32 $0xFFFFFF80  }
0x4f: {  	[tilespmem:s31], [sflag:$0x4] =	stream.indirect.gather [hbm4b:s4+s25], $0x80, s28, s25, $0xb8;
	[tilespmem:$0x1CB00] =	vst v63  }
0x50: {  	_ =	swait.ge [sflag:s0], $0x4000  }
0x51: {  	[sflag:s0] =	ssyncset.done $0x0  }
0x52: {  	[sflag:s0] =	ssyncadd.s32 $0xFFFFC000  }
0x53: {  	[spmem:s2] =	stream.indirect.scatter.add.f32 [tilespmem:s23], [sflag:$0x5], $0x80, s25, s25, $0xb8;
	[tilespmem:$0x1CB00] =	vst v63  }
0x54: {  	_ =	swait.ge [sflag:s24], $0x4000  }
0x55: {  	s15 =	sshrl.u32 s22, $0x3;
	[sflag:s24] =	ssyncset.done $0x0  }
0x56: {  	s16 =	sadd.s32 s5, s15;
	[sflag:s24] =	ssyncadd.s32 $0xFFFFC000  }
0x57: {  	[tilespmem:s3], [sflag:$0x1] =	stream.linear.gather [hbm4b:s16+s3], $0x80, $0x38;
	[tilespmem:$0x1CB00] =	vst v63  }
0x58: {  	s13 =	sadd.s32 s6, s15  }
0x59: {  	[tilespmem:s25], [sflag:$0x1] =	stream.linear.gather [hbm4b:s13+s3], $0x80, $0x38;
	[tilespmem:$0x1CB00] =	vst v63  }
0x5a: {  	_ =	swait.ge [sflag:s26], $0x80  }
0x5b: {  	[sflag:s26] =	ssyncset.done $0x0  }
0x5c: {  	[sflag:s26] =	ssyncadd.s32 $0xFFFFFF80  }
0x5d: {  	_ =	swait.ge [sflag:s26], $0x80  }
0x5e: {  	[sflag:s26] =	ssyncset.done $0x0  }
0x5f: {  	[sflag:s26] =	ssyncadd.s32 $0xFFFFFF80  }
0x60: {  	[tilespmem:s23], [sflag:$0x3] =	stream.indirect.gather [hbm4b:s4+s25], $0x80, s3, s25, $0xb8;
	[tilespmem:$0x1CB00] =	vst v63  }
0x61: {  	_ =	swait.ge [sflag:s1], $0x4000  }
0x62: {  	[sflag:s1] =	ssyncset.done $0x0  }
0x63: {  	[sflag:s1] =	ssyncadd.s32 $0xFFFFC000  }
0x64: {  	[spmem:s2] =	stream.indirect.scatter.add.f32 [tilespmem:s31], [sflag:$0x5], $0x80, s29, s25, $0xb8;
	[tilespmem:$0x1CB00] =	vst v63  }
0x65: {  	_ =	swait.ge [sflag:s24], $0x4000  }
0x66: {  	s14 =	sadd.s32 $0x100, s22;
	s17 =	sadd.s32 $0x0, s21;
	[sflag:s24] =	ssyncset.done $0x0  }
0x67: {  	s15 =	sadd.s32 $0x0, s20;
	s13 =	simm.s32 $0x20;
	[sflag:s24] =	ssyncadd.s32 $0xFFFFC000  }
0x68: {  	[tilespmem:s28], [sflag:$0x2] =	stream.linear.gather [hbm4b:s17+s3], $0x80, $0x38;
	[tilespmem:$0x1CB00] =	vst v63  }
.LBB2_4:
0x69: {  	[tilespmem:s29], [sflag:$0x2] =	stream.linear.gather [hbm4b:s15+s3], $0x80, $0x38;
	[tilespmem:$0x1CB00] =	vst v63  }
0x6a: {  	s15 =	smov.u32 s13  }
0x6b: {  	p0 =	sne.s32 s13, $0x4A0;
	s13 =	sadd.s32 $0x20, s13;
	_ =	swait.ge [sflag:s30], $0x80  }
0x6c: {  	[sflag:s30] =	ssyncset.done $0x0  }
0x6d: {  	[sflag:s30] =	ssyncadd.s32 $0xFFFFFF80  }
0x6e: {  	_ =	swait.ge [sflag:s30], $0x80  }
0x6f: {  	[sflag:s30] =	ssyncset.done $0x0  }
0x70: {  	[sflag:s30] =	ssyncadd.s32 $0xFFFFFF80  }
0x71: {  	[tilespmem:s31], [sflag:$0x4] =	stream.indirect.gather [hbm4b:s4+s25], $0x80, s28, s25, $0xb8;
	[tilespmem:$0x1CB00] =	vst v63  }
0x72: {  	_ =	swait.ge [sflag:s0], $0x4000  }
0x73: {  	[sflag:s0] =	ssyncset.done $0x0  }
0x74: {  	[sflag:s0] =	ssyncadd.s32 $0xFFFFC000  }
0x75: {  	[spmem:s2] =	stream.indirect.scatter.add.f32 [tilespmem:s23], [sflag:$0x5], $0x80, s25, s25, $0xb8;
	[tilespmem:$0x1CB00] =	vst v63  }
0x76: {  	_ =	swait.ge [sflag:s24], $0x4000  }
0x77: {  	s16 =	sshrl.u32 s14, $0x3;
	[sflag:s24] =	ssyncset.done $0x0  }
0x78: {  	s17 =	sadd.s32 s5, s16;
	[sflag:s24] =	ssyncadd.s32 $0xFFFFC000  }
0x79: {  	[tilespmem:s3], [sflag:$0x1] =	stream.linear.gather [hbm4b:s17+s3], $0x80, $0x38;
	[tilespmem:$0x1CB00] =	vst v63  }
0x7a: {  	s16 =	sadd.s32 s6, s16  }
0x7b: {  	[tilespmem:s25], [sflag:$0x1] =	stream.linear.gather [hbm4b:s16+s3], $0x80, $0x38;
	[tilespmem:$0x1CB00] =	vst v63  }
0x7c: {  	_ =	swait.ge [sflag:s26], $0x80  }
0x7d: {  	[sflag:s26] =	ssyncset.done $0x0  }
0x7e: {  	[sflag:s26] =	ssyncadd.s32 $0xFFFFFF80  }
0x7f: {  	_ =	swait.ge [sflag:s26], $0x80  }
0x80: {  	[sflag:s26] =	ssyncset.done $0x0  }
0x81: {  	[sflag:s26] =	ssyncadd.s32 $0xFFFFFF80  }
0x82: {  	[tilespmem:s23], [sflag:$0x3] =	stream.indirect.gather [hbm4b:s4+s25], $0x80, s3, s25, $0xb8;
	[tilespmem:$0x1CB00] =	vst v63  }
0x83: {  	_ =	swait.ge [sflag:s1], $0x4000  }
0x84: {  	[sflag:s1] =	ssyncset.done $0x0  }
0x85: {  	[sflag:s1] =	ssyncadd.s32 $0xFFFFC000  }
0x86: {  	[spmem:s2] =	stream.indirect.scatter.add.f32 [tilespmem:s31], [sflag:$0x5], $0x80, s29, s25, $0xb8;
	[tilespmem:$0x1CB00] =	vst v63  }
.Ltmp1:
0x87: {  	_ =	swait.ge [sflag:s24], $0x4000;
	(pc) =	sbr.rel @p0 .LBB2_4-.Ltmp1, $4  }
0x88: {  	[sflag:s24] =	ssyncset.done $0x0  }
0x89: {  	s16 =	sadd.s32 s15, s21;
	[sflag:s24] =	ssyncadd.s32 $0xFFFFC000  }
0x8a: {  	[tilespmem:s28], [sflag:$0x2] =	stream.linear.gather [hbm4b:s16+s3], $0x80, $0x38;
	[tilespmem:$0x1CB00] =	vst v63  }
0x8b: {  	s14 =	sadd.s32 $0x100, s14;
	s15 =	sadd.s32 s15, s20  }
0x8c: {  	[tilespmem:s29], [sflag:$0x2] =	stream.linear.gather [hbm4b:s15+s3], $0x80, $0x38;
	[tilespmem:$0x1CB00] =	vst v63  }
0x8d: {  	_ =	swait.ge [sflag:s30], $0x80  }
0x8e: {  	[sflag:s30] =	ssyncset.done $0x0  }
0x8f: {  	[sflag:s30] =	ssyncadd.s32 $0xFFFFFF80  }
0x90: {  	_ =	swait.ge [sflag:s30], $0x80  }
0x91: {  	[sflag:s30] =	ssyncset.done $0x0  }
0x92: {  	[sflag:s30] =	ssyncadd.s32 $0xFFFFFF80  }
0x93: {  	[tilespmem:s31], [sflag:$0x4] =	stream.indirect.gather [hbm4b:s4+s25], $0x80, s28, s25, $0xb8;
	[tilespmem:$0x1CB00] =	vst v63  }
0x94: {  	_ =	swait.ge [sflag:s0], $0x4000  }
0x95: {  	[sflag:s0] =	ssyncset.done $0x0  }
0x96: {  	[sflag:s0] =	ssyncadd.s32 $0xFFFFC000  }
0x97: {  	[spmem:s2] =	stream.indirect.scatter.add.f32 [tilespmem:s23], [sflag:$0x5], $0x80, s25, s25, $0xb8;
	[tilespmem:$0x1CB00] =	vst v63  }
0x98: {  	_ =	swait.ge [sflag:s24], $0x4000  }
0x99: {  	[sflag:s24] =	ssyncset.done $0x0  }
0x9a: {  	[sflag:s24] =	ssyncadd.s32 $0xFFFFC000  }
0x9b: {  	_ =	swait.ge [sflag:s1], $0x4000  }
0x9c: {  	[sflag:s1] =	ssyncset.done $0x0  }
0x9d: {  	[sflag:s1] =	ssyncadd.s32 $0xFFFFC000  }
0x9e: {  	[spmem:s2] =	stream.indirect.scatter.add.f32 [tilespmem:s31], [sflag:$0x5], $0x80, s29, s25, $0xb8;
	[tilespmem:$0x1CB00] =	vst v63  }
0x9f: {  	_ =	swait.ge [sflag:s24], $0x4000  }
0xa0: {  	[sflag:s24] =	ssyncset.done $0x0  }
0xa1: {  	s13 =	rddreg [dreg:$0xb];
	[sflag:s24] =	ssyncadd.s32 $0xFFFFC000  }
0xa2: {  	[tilespmem:s8], [sflag:$0x5] =	stream.linear.gather [hbm4b:s13+s3], $0x10, $0x38;
	[tilespmem:$0x1CB00] =	vst v63  }
0xa3: {  	_ =	swait.ge [sflag:s24], $0x10  }
0xa4: {  	[sflag:s24] =	ssyncset.done $0x0  }
0xa5: {  	s16 =	rddreg [dreg:$0xc];
	[sflag:s24] =	ssyncadd.s32 $0xFFFFFFF0  }
0xa6: {  	[tilespmem:s9], [sflag:$0x5] =	stream.linear.gather [hbm4b:s16+s3], $0x10, $0x38;
	[tilespmem:$0x1CB00] =	vst v63  }
0xa7: {  	_ =	swait.ge [sflag:s24], $0x10  }
0xa8: {  	[sflag:s24] =	ssyncset.done $0x0  }
0xa9: {  	[sflag:s24] =	ssyncadd.s32 $0xFFFFFFF0  }
0xaa: {  	[tilespmem:s11], [sflag:$0x3] =	stream.indirect.gather [hbm4b:s4+s10], $0x80, s8, s10, $0xb8;
	[tilespmem:$0x1CB00] =	vst v63  }
0xab: {  	_ =	swait.ge [sflag:s0], $0x800  }
0xac: {  	[sflag:s0] =	ssyncset.done $0x0  }
0xad: {  	[sflag:s0] =	ssyncadd.s32 $0xFFFFF800  }
0xae: {  	[spmem:s2] =	stream.indirect.scatter.add.f32 [tilespmem:s11], [sflag:$0x5], $0x80, s9, s10, $0xb8;
	[tilespmem:$0x1CB00] =	vst v63  }
0xaf: {  	s17 =	stileid.u32;
	_ =	swait.ge [sflag:s24], $0x800  }
0xb0: {  	s14 =	sshrl.u32 s7, $0x3;
	s12 =	sadd.s32 $0x1, s12;
	[sflag:s24] =	ssyncset.done $0x0  }
0xb1: {  	p0 =	sne.s32 s12, s19;
	s13 =	sshll.u32 s17, $0x6;
	[sflag:s24] =	ssyncadd.s32 $0xFFFFF800  }
.Ltmp2:
0xb2: {  	s13 =	sor.u32 $0x1C05, s13;
	[bflag:$0x0] =	sbarrier.arrive $0xFFFF;
	(pc) =	sbr.rel @p0 .LBB2_1-.Ltmp2, $4  }
0xb3: {  	[hbm:s18], [sflag:s13] =	dma.local [spmem:s14], $0x2800  }
0xb4: {  	_ =	swait.ge [sflag:s24], $0x2800  }
0xb5: {  	[sflag:s24] =	ssyncset.done $0x0  }
0xb6: {  	[sflag:s24] =	ssyncadd.s32 $0xFFFFD800  }
0xb7: {  	_ =	sfence.sel $0x180000  }
0xb8: {  	[bflag:$0x0] =	sbarrier.arrive $0xFFFF  }
0xb9: {  	_ =	strace $0x90000050  }
0xba: {  	s0 =	stileid.u32;
	[bflag:$0x2] =	sbarrier.arrive $0xFFFF  }
0xbb: {  	p0 =	sne.s32 s0, $0x0;
	s0 =	rddreg [dreg:$0x2]  }
0xbc: {  	s0 =	sadd.s32 @!p0 $0x100000, s0  }
0xbd: {  	[sflag:s0] =	ssyncadd.tile.s32 @!p0 $0x1;
	_ =	shalt  }
.Lfunc_end2:
_tile_overlayer_lowered:
.L_overlay_start_2:
0xbe: {  	(tag) =	ssettag $0x2  }
0xbf: {  	s0 =	rddreg [dreg:$0x0];
	s2 =	stileid.u32  }
0xc0: {  	s1 =	rddreg [dreg:$0x1];
	p0 =	sne.s32 s2, $0x0  }
0xc1: {  	s3 =	rddreg [dreg:$0x2];
	[bflag:$0x3] =	sbarrier.arrive $0xFFFF;
	s2 =	simm.s32 @!p0 $0x1C05  }
0xc2: {  	[timem:s3], [sflag:s2] =	dma.local @!p0 [hbm:s0], s1  }
0xc3: {  	s0 =	simm.s32 @!p0 $0x5  }
0xc4: {  	_ =	swait.ge @!p0 [sflag:s0], s1  }
0xc5: {  	s1 =	ssub.s32 @!p0 $0x0, s1;
	[sflag:s0] =	ssyncset.done @!p0 $0x0  }
0xc6: {  	[sflag:s0] =	ssyncadd.s32 @!p0 s1  }
0xc7: {  	[bflag:$0x3] =	sbarrier.arrive $0xFFFF  }
0xc8: {  	_ =	shalt  }

// kernel: kernel.9.cloned.1.call-start
scs
__scs_entry_jumppad:
0x0: {  	(pc) =	sbr.rel $0x88, $3  }
0x1: {  	(tag) =	ssettag $0x0;
	lr =	simm.s32 $0x1  }
0x2: {  	[smem:$0x3F8A] =	sst lr;
	_ =	strace $0xD0000000  }
0x3: {  	_ = 	snop  }
0x4: {  	_ = 	snop  }
0x5: {  	_ = 	snop  }
0x6: {  	_ = 	snop  }
0x7: {  	_ = 	snop  }
__scs_overlays_trampoline_lowered:
0x8: {  	[smem:$0x3F99] =	sst s0  }
0x9: {  	[smem:$0x3F9A] =	sst s1  }
0xa: {  	[smem:$0x3F9B] =	sst s2  }
0xb: {  	[smem:$0x3F9C] =	sst s3  }
0xc: {  	[smem:$0x3F9D] =	sst s4  }
0xd: {  	[smem:$0x3F9E] =	sst s5  }
0xe: {  	[smem:$0x3F9F] =	sst s6  }
0xf: {  	[smem:$0x3FA0] =	sst s7  }
0x10: {  	[smem:$0x3FA1] =	sst s8  }
0x11: {  	[smem:$0x3FA2] =	sst s9;
	s0 =	simm.s32 @!p0 $0x0  }
0x12: {  	s1 =	sld [smem:$0x3F88];
	s0 =	simm.s32 @p0 $0x1  }
0x13: {  	[smem:$0x3FA3] =	sst s0;
	s0 =	simm.s32 @!p1 $0x0  }
0x14: {  	s2 =	sld [smem:$0x3F87];
	s0 =	simm.s32 @p1 $0x1  }
0x15: {  	[smem:$0x3FA4] =	sst s0;
	s0 =	simm.s32 @!p2 $0x0  }
0x16: {  	s3 =	sld [smem:$0x3FDB];
	s0 =	simm.s32 @p2 $0x1  }
0x17: {  	s4 =	simm.s32 $0x1BF5;
	[smem:$0x3FA6] =	sst s0  }
0x18: {  	s0 =	sld [smem:$0x3F89];
	_ =	swait.ge [sflag:s4], $0x0  }
0x19: {  	s7 =	sld [smem:$0x3F8A]  }
0x1a: {  	s8 =	sadd.s32 $0xFFFFE003, lr  }
0x1b: {  	s9 =	sadd.s32 $0xFFFFFEF7, lr;
	s5 =	simm.s32 $0xFFFFFFFF;
	p2 =	slt.u32 s8, $0xFFFFF086  }
0x1c: {  	p1 =	slt.u32 s9, $0xF7A;
	s5 =	simm.s32 @!p2 $0x0  }
0x1d: {  	s5 =	simm.s32 @p1 $0x1;
	p0 =	seq.s32 s7, s2  }
0x1e: {  	s7 =	smul.u32 @!p0 $0xF7A, s2;
	p2 =	seq.s32 @!p0 s5, $0x0  }
0x1f: {  	s9 =	smul.u32 $0xF7A, s1;
	s8 =	simm.s32 @!p0 $0x1BF5;
	p2 =	por !p2, p0  }
0x20: {  	[sflag:s8] =	ssyncset.s32 @!p0 $0xFFFFF086;
	s6 =	sadd.s32 @!p0 s3, s7;
	s7 =	simm.s32 @!p0 $0x108  }
0x21: {  	s3 =	sadd.s32 s3, s9;
	s6 =	sadd.s32 @!p0 $0x88, s6;
	s7 =	simm.s32 @p2 $0x1082  }
0x22: {  	[simem:s7], [sflag:s8] =	dma.local @!p0 [hbm:s6], $0xF7A  }
0x23: {  	s9 =	sor.u32 $0xD0000000, s2;
	s6 =	simm.s32 $0x108;
	_ =	swait.ge @!p0 [sflag:s8], $0x0  }
0x24: {  	s3 =	sadd.s32 $0x88, s3;
	s6 =	simm.s32 @!p1 $0x1082;
	[sflag:s4] =	ssyncset.s32 $0xFFFFF086  }
0x25: {  	[simem:s6], [sflag:s4] =	dma.local [hbm:s3], $0xF7A  }
0x26: {  	[smem:$0x3F8A] =	sst s1;
	(tag) =	ssettag s2;
	_ =	strace s9  }
0x27: {  	s1 =	sld [smem:$0x3F9A]  }
0x28: {  	s2 =	sld [smem:$0x3F9B]  }
0x29: {  	s4 =	sld [smem:$0x3F9D]  }
0x2a: {  	p0 =	seq.s32 s5, $0x0;
	s5 =	sld [smem:$0x3F9E]  }
0x2b: {  	s6 =	sld [smem:$0x3F9F]  }
0x2c: {  	s7 =	sld [smem:$0x3FA0]  }
0x2d: {  	s3 =	simm.s32 $0x108;
	s8 =	sld [smem:$0x3FA1]  }
0x2e: {  	s3 =	simm.s32 @!p0 $0x1082;
	s9 =	sld [smem:$0x3FA2]  }
0x2f: {  	lr =	sadd.s32 s0, s3;
	s0 =	sld [smem:$0x3F99]  }
0x30: {  	s3 =	sld [smem:$0x3F9C]  }
0x31: {  	[smem:$0x3FA5] =	sst s10  }
0x32: {  	s10 =	sld [smem:$0x3FA3];
	_ =	sdelay $0x3  }
0x33: {  	p0 =	seq.s32 s10, $0x1;
	s10 =	sld [smem:$0x3FA5];
	_ =	sdelay $0x3  }
0x34: {  	[smem:$0x3FA5] =	sst s10  }
0x35: {  	s10 =	sld [smem:$0x3FA4];
	_ =	sdelay $0x3  }
0x36: {  	p1 =	seq.s32 s10, $0x1;
	s10 =	sld [smem:$0x3FA5];
	_ =	sdelay $0x3  }
0x37: {  	[smem:$0x3FA5] =	sst s10  }
0x38: {  	s10 =	sld [smem:$0x3FA6]  }
0x39: {  	_ = 	snop;
	(pc) =	sbr.ind lr, $3  }
0x3a: {  	_ = 	snop  }
0x3b: {  	_ = 	snop  }
0x3c: {  	p2 =	seq.s32 s10, $0x1;
	s10 =	sld [smem:$0x3FA5]  }
0x3d: {  	_ =	shalt  }
0x3e: {  	_ =	shalt  }
0x3f: {  	_ =	shalt  }
0x40: {  	_ =	shalt  }
0x41: {  	_ =	shalt  }
0x42: {  	_ =	shalt  }
0x43: {  	_ =	shalt  }
0x44: {  	_ =	shalt  }
0x45: {  	_ =	shalt  }
0x46: {  	_ =	shalt  }
0x47: {  	_ =	shalt  }
0x48: {  	_ =	shalt  }
0x49: {  	_ =	shalt  }
0x4a: {  	_ =	shalt  }
0x4b: {  	_ =	shalt  }
0x4c: {  	_ =	shalt  }
0x4d: {  	_ =	shalt  }
0x4e: {  	_ =	shalt  }
0x4f: {  	_ =	shalt  }
0x50: {  	_ =	shalt  }
0x51: {  	_ =	shalt  }
0x52: {  	_ =	shalt  }
0x53: {  	_ =	shalt  }
0x54: {  	_ =	shalt  }
0x55: {  	_ =	shalt  }
0x56: {  	_ =	shalt  }
0x57: {  	_ =	shalt  }
0x58: {  	_ =	shalt  }
0x59: {  	_ =	shalt  }
0x5a: {  	_ =	shalt  }
0x5b: {  	_ =	shalt  }
0x5c: {  	_ =	shalt  }
0x5d: {  	_ =	shalt  }
0x5e: {  	_ =	shalt  }
0x5f: {  	_ =	shalt  }
0x60: {  	_ =	shalt  }
0x61: {  	_ =	shalt  }
0x62: {  	_ =	shalt  }
0x63: {  	_ =	shalt  }
0x64: {  	_ =	shalt  }
0x65: {  	_ =	shalt  }
0x66: {  	_ =	shalt  }
0x67: {  	_ =	shalt  }
0x68: {  	_ =	shalt  }
0x69: {  	_ =	shalt  }
0x6a: {  	_ =	shalt  }
0x6b: {  	_ =	shalt  }
0x6c: {  	_ =	shalt  }
0x6d: {  	_ =	shalt  }
0x6e: {  	_ =	shalt  }
0x6f: {  	_ =	shalt  }
0x70: {  	_ =	shalt  }
0x71: {  	_ =	shalt  }
0x72: {  	_ =	shalt  }
0x73: {  	_ =	shalt  }
0x74: {  	_ =	shalt  }
0x75: {  	_ =	shalt  }
0x76: {  	_ =	shalt  }
0x77: {  	_ =	shalt  }
0x78: {  	_ =	shalt  }
0x79: {  	_ =	shalt  }
0x7a: {  	_ =	shalt  }
0x7b: {  	_ =	shalt  }
0x7c: {  	_ =	shalt  }
0x7d: {  	_ =	shalt  }
0x7e: {  	_ =	shalt  }
0x7f: {  	_ =	shalt  }
0x80: {  	_ =	shalt  }
0x81: {  	_ =	shalt  }
0x82: {  	_ =	shalt  }
0x83: {  	_ =	shalt  }
0x84: {  	_ =	shalt  }
0x85: {  	_ =	shalt  }
0x86: {  	_ =	shalt  }
0x87: {  	_ =	shalt  }
.Lfunc_end0:
.L_simem_size_0:
called_computation_lowered:
.L_overlay_start_0:
0x88: {  	s2 =	sld [smem:$0x3FD9]  }
0x89: {  	s3 =	sld [smem:$0x3FFE];
	_ =	sdelay $0x1  }
0x8a: {  	s1 =	srdreg.scid  }
0x8b: {  	s0 =	sand.u32 $0x1, s1  }
0x8c: {  	s17 =	sshll.u32 s0, $0xA;
	s2 =	sadd.s32 s3, s2  }
0x8d: {  	s2 =	sadd.s32 s2, s17  }
0x8e: {  	[smem:$0x3FB1] =	sst s2  }
0x8f: {  	_ = 	snop  }
0x90: {  	(tm) =	ssettm $0x1  }
0x91: {  	s18 =	sld [smem:$0x3FFB];
	_ =	sdelay $0x3  }
0x92: {  	_ =	strace s18  }
0x93: {  	s2 =	sld [smem:$0x3FFC];
	_ =	sdelay $0x3  }
0x94: {  	_ =	strace s2  }
0x95: {  	s2 =	sld [smem:$0x3FFD];
	_ =	sdelay $0x3  }
0x96: {  	_ =	strace s2  }
0x97: {  	_ =	strace $0x8FFFFFFF  }
0x98: {  	s19 =	sld [smem:$0x3FDB];
	_ =	sdelay $0x1  }
0x99: {  	s20 =	simm.s32 $_scs_section_size  }
0x9a: {  	s4 =	simm.s32 $_size__tile_overlayer_lowered;
	s5 =	simm.s32 $_tile_overlayer_lowered  }
0x9b: {  	s6 =	simm.s32 $0x1BFF;
	s21 =	sshll.u32 s5, $0x1;
	s3 =	sadd.s32 s20, s19  }
0x9c: {  	s22 =	simm.s32 $0x0;
	s4 =	sshll.u32 s4, $0x1;
	s5 =	sadd.s32 s21, s3  }
0x9d: {  	[timem:s22], [sflag:s6] =	dma.local [hbm:s5], s4  }
0x9e: {  	_ =	swait.ge [sflag:s6], s4  }
0x9f: {  	s4 =	ssub.s32 $0x0, s4;
	[sflag:s6] =	ssyncset.done $0x0  }
0xa0: {  	[sflag:s6] =	ssyncadd.s32 s4;
	_ =	sdelay $0x1  }
0xa1: {  	s23 =	simm.s32 $0x1B8B  }
0xa2: {  	_ =	swait.ge [sflag:s23], $0x1  }
0xa3: {  	[sflag:s23] =	ssyncset.done $0x0  }
0xa4: {  	[sflag:s23] =	ssyncadd.s32 $0xFFFFFFFF  }
0xa5: {  	s4 =	sld [smem:$0x0]  }
0xa6: {  	s5 =	sand.u32 $0xFFFFFFFE, s1  }
0xa7: {  	p0 =	sne.s32 s1, s5  }
0xa8: {  	s5 =	sshll.u32 @p0 s5, $0xE  }
0xa9: {  	s5 =	sadd.s32 @p0 $0x11B8D, s5;
	s6 =	sshll.u32 @p0 s4, $0x11  }
0xaa: {  	s5 =	sor.u32 @p0 s6, s5  }
0xab: {  	[sflag:s5] =	ssyncadd.remote.s32 @p0 $0x1;
	_ =	sdelay $0x1  }
0xac: {  	s5 =	simm.s32 @p0 $0x1B8D  }
0xad: {  	_ =	swait.eq @p0 [sflag:s5], $0x1  }
0xae: {  	[sflag:s5] =	ssyncadd.s32 @p0 $0xFFFFFFFF  }
0xaf: {  	s6 =	sshll.u32 @!p0 s1, $0xE  }
0xb0: {  	s6 =	sor.u32 @!p0 $0x4000, s6;
	s5 =	simm.s32 @!p0 $0x1B8D  }
0xb1: {  	s4 =	sshll.u32 @!p0 s4, $0x11;
	s6 =	sadd.s32 @!p0 $0x11B8D, s6;
	_ =	swait.eq @!p0 [sflag:s5], $0x1  }
0xb2: {  	s4 =	sor.u32 @!p0 s4, s6;
	[sflag:s5] =	ssyncadd.s32 @!p0 $0xFFFFFFFF  }
0xb3: {  	s25 =	simm.s32 $0x1B8E;
	s24 =	sld [smem:$0x3FFE];
	[sflag:s4] =	ssyncadd.remote.s32 @!p0 $0x1  }
0xb4: {  	s26 =	simm.s32 $execute0_lowered;
	[smem:$0x3FD2] =	sst s25  }
0xb5: {  	s5 =	sshll.u32 s26, $0x1;
	_ =	strace $0x80000049;
	[dreg:$0x1] =	wrdreg $0xFFFFFFFF  }
0xb6: {  	s28 =	simm.s32 $_size_execute0_lowered;
	s3 =	sadd.s32 s3, s5;
	[dreg:$0x0] =	wrdreg $0x0  }
0xb7: {  	s5 =	sshll.u32 s28, $0x1;
	[dreg:$0x2] =	wrdreg s3  }
0xb8: {  	[dreg:$0x3] =	wrdreg s5  }
0xb9: {  	[dreg:$0x4] =	wrdreg $0xC0  }
0xba: {  	_ =	task [dreg:s22], $0x5FFFF  }
0xbb: {  	[dreg:$0x1] =	wrdreg $0xFFFFFFFF  }
0xbc: {  	[dreg:$0x0] =	wrdreg $0x60  }
0xbd: {  	[dreg:$0x2] =	wrdreg s24  }
0xbe: {  	[dreg:$0x3] =	wrdreg $0x51000  }
0xbf: {  	[dreg:$0x4] =	wrdreg $0x9  }
0xc0: {  	_ =	task.clear_ibuf [dreg:s22], $0x5FFFF;
	_ =	strace $0x90000049  }
0xc1: {  	s29 =	simm.s32 $0x9;
	_ =	strace $0x8000004B  }
0xc2: {  	_ =	swait.ge [sflag:s29], $0x1  }
0xc3: {  	[sflag:s29] =	ssyncadd.s32 $0xFFFFFFFF  }
0xc4: {  	_ =	strace $0x9000004B  }
0xc5: {  	_ =	sfence  }
0xc6: {  	s30 =	sld [smem:$0x0];
	_ =	sdelay $0x2  }
0xc7: {  	s31 =	sshll.u32 s1, $0xD;
	s1 =	sshrl.u32 s1, $0x2  }
0xc8: {  	s4 =	sand.u32 $0x4000, s31;
	s1 =	sadd.s32 s1, s30  }
0xc9: {  	s0 =	sor.u32 s4, s0;
	s1 =	sshll.u32 s1, $0x11  }
0xca: {  	s0 =	sor.u32 s1, s0  }
0xcb: {  	s0 =	sadd.s32 $0x8F2B, s0  }
0xcc: {  	[sflag:s0] =	ssyncadd.remote.s32 $0x1  }
0xcd: {  	_ =	sfence.sel $0xFFFF  }
0xce: {  	[dreg:$0x0] =	wrdreg $0xFFFFFFFF;
	(pc) =	sbr.abs _section_cstart, $3  }
0xcf: {  	[dreg:$0x1] =	wrdreg $0xFFFFFFFF  }
0xd0: {  	_ =	task.clear_ibuf [dreg:s22], $0x2FFFF;
	_ =	strace $0x9FFFFFFF  }
0xd1: {  	(tm) =	ssettm $0x7FFFFFFF  }
tec
execute0_lowered:
.L_overlay_start_1:
0x0: {  	(tag) =	ssettag $0x1  }
0x1: {  	s5 =	rddreg [dreg:$0x0]  }
0x2: {  	s2 =	rddreg [dreg:$0x1]  }
0x3: {  	s0 =	srdreg.scid;
	s1 =	rddreg [dreg:$0x2];
	s3 =	simm.s32 $0x0  }
0x4: {  	s19 =	simm.s32 $0x3;
	s20 =	simm.s32 $0x80;
	s14 =	sand.u32 $0x1, s0  }
0x5: {  	s21 =	simm.s32 $0x1;
	s0 =	stileid.u32;
	s4 =	smul.u32 $0x140000, s14  }
0x6: {  	s22 =	simm.s32 $0x50;
	s23 =	simm.s32 $0x100;
	s6 =	smul.u32 $0x14000, s0  }
0x7: {  	s24 =	simm.s32 $0x2;
	[smem:$0x7FF] =	sst s3;
	s7 =	smul.u32 $0x50000, s0  }
0x8: {  	s25 =	simm.s32 $0x0;
	_ =	strace $0x8000004A;
	s17 =	smul.u32 $0x4E20, s0  }
0x9: {  	s30 =	ssub.s32 $0x2, s14;
	s8 =	sshll.u32 s0, $0x1;
	s18 =	smul.u32 $0x2710, s14  }
0xa: {  	s31 =	sshrl.u32 s30, $0x1;
	s8 =	sor.u32 s14, s8;
	s4 =	sadd.s32 s6, s4  }
0xb: {  	s7 =	sshrl.u32 s7, $0x2;
	s16 =	ssub.s32 s30, s31;
	s12 =	smul.u32 $0x2710, s8  }
0xc: {  	s17 =	sadd.s32 s18, s17;
	s18 =	simm.s32 $0x2900;
	s6 =	sshrl.u32 s4, $0x3  }
0xd: {  	s4 =	sadd.s32 $0x4800, s5;
	s15 =	sadd.s32 s6, s5;
	s5 =	sadd.s32 s7, s2  }
0xe: {  	s16 =	smax.u32 s16, $0x1;
	s13 =	sshrl.u32 s12, $0x3;
	s6 =	sadd.s32 $0x2800, s5  }
0xf: {  	s7 =	sadd.s32 $0x5000, s5;
	s8 =	sadd.s32 $0x7800, s5;
	s9 =	sadd.s32 $0xA000, s5  }
0x10: {  	s10 =	sadd.s32 $0xC800, s5;
	s11 =	sadd.s32 $0xF000, s5;
	s13 =	sadd.s32 s4, s13  }
0x11: {  	v0 =	vimm.f32 $0.0e+00;
	v1 =	vimm.f32 $1.000000000e+00;
	s12 =	sadd.s32 $0x11800, s5;
	s15 =	sadd.s32 $0x68400, s15;
	s14 =	sadd.s32 $0xA, s13  }
.LBB2_1:
0x12: {  	s26 =	simm.s32 $0x40;
	s28 =	simm.s32 $0x0  }
.LBB2_2:
0x13: {  	p0 =	sne.s32 s26, $0x9FC0;
	[tilespmem:s28+$0x2900] =	vst v0;
	s29 =	smov.u32 s26;
	s26 =	sadd.s32 $0x40, s26  }
.Ltmp0:
0x14: {  	[tilespmem:s28+$0x100] =	vst v1;
	(pc) =	sbr.rel @p0 .LBB2_2-.Ltmp0, $2  }
0x15: {  	_ =	sdelay $0x2  }
0x16: {  	s28 =	sshra.s32 s29, $0x2  }
0x17: {  	[tilespmem:s28+$0x2900] =	vst v0  }
0x18: {  	[tilespmem:s28+$0x100] =	vst v1  }
0x19: {  	[spmem:s5] =	stream.linear.scatter [tilespmem:s18], [sflag:$0x3], $0x2800, $0x38;
	[tilespmem:$0x19100] =	vst v63  }
0x1a: {  	_ =	swait.ge [sflag:s19], $0x2800  }
0x1b: {  	[sflag:s19] =	ssyncset.done $0x0  }
0x1c: {  	[sflag:s19] =	ssyncadd.s32 $0xFFFFD800  }
0x1d: {  	[spmem:s6] =	stream.linear.scatter [tilespmem:s18], [sflag:$0x3], $0x2800, $0x38;
	[tilespmem:$0x19100] =	vst v63  }
0x1e: {  	_ =	swait.ge [sflag:s19], $0x2800  }
0x1f: {  	[sflag:s19] =	ssyncset.done $0x0  }
0x20: {  	[sflag:s19] =	ssyncadd.s32 $0xFFFFD800  }
0x21: {  	[spmem:s7] =	stream.linear.scatter [tilespmem:s18], [sflag:$0x3], $0x2800, $0x38;
	[tilespmem:$0x19100] =	vst v63  }
0x22: {  	_ =	swait.ge [sflag:s19], $0x2800  }
0x23: {  	[sflag:s19] =	ssyncset.done $0x0  }
0x24: {  	[sflag:s19] =	ssyncadd.s32 $0xFFFFD800  }
0x25: {  	[spmem:s8] =	stream.linear.scatter [tilespmem:s18], [sflag:$0x3], $0x2800, $0x38;
	[tilespmem:$0x19100] =	vst v63  }
0x26: {  	_ =	swait.ge [sflag:s19], $0x2800  }
0x27: {  	[sflag:s19] =	ssyncset.done $0x0  }
0x28: {  	[sflag:s19] =	ssyncadd.s32 $0xFFFFD800  }
0x29: {  	[spmem:s9] =	stream.linear.scatter [tilespmem:s18], [sflag:$0x3], $0x2800, $0x38;
	[tilespmem:$0x19100] =	vst v63  }
0x2a: {  	_ =	swait.ge [sflag:s19], $0x2800  }
0x2b: {  	[sflag:s19] =	ssyncset.done $0x0  }
0x2c: {  	[sflag:s19] =	ssyncadd.s32 $0xFFFFD800  }
0x2d: {  	[spmem:s10] =	stream.linear.scatter [tilespmem:s18], [sflag:$0x3], $0x2800, $0x38;
	[tilespmem:$0x19100] =	vst v63  }
0x2e: {  	_ =	swait.ge [sflag:s19], $0x2800  }
0x2f: {  	[sflag:s19] =	ssyncset.done $0x0  }
0x30: {  	[sflag:s19] =	ssyncadd.s32 $0xFFFFD800  }
0x31: {  	[spmem:s11] =	stream.linear.scatter [tilespmem:s18], [sflag:$0x3], $0x2800, $0x38;
	[tilespmem:$0x19100] =	vst v63  }
0x32: {  	_ =	swait.ge [sflag:s19], $0x2800  }
0x33: {  	[sflag:s19] =	ssyncset.done $0x0  }
0x34: {  	[sflag:s19] =	ssyncadd.s32 $0xFFFFD800  }
0x35: {  	[spmem:s12] =	stream.linear.scatter [tilespmem:s18], [sflag:$0x3], $0x2800, $0x38;
	[tilespmem:$0x19100] =	vst v63  }
0x36: {  	_ =	swait.ge [sflag:s19], $0x2800  }
0x37: {  	[sflag:s19] =	ssyncset.done $0x0  }
0x38: {  	[sflag:s19] =	ssyncadd.s32 $0xFFFFD800  }
0x39: {  	[bflag:$0x0] =	sbarrier.arrive $0xFFFF  }
0x3a: {  	[tilespmem:s3], [sflag:$0x1] =	stream.linear.gather [hbm4b:s13+s3], $0x50, $0x38;
	[tilespmem:$0x19100] =	vst v63  }
0x3b: {  	_ = 	snop  }
0x3c: {  	[tilespmem:s20], [sflag:$0x2] =	stream.linear.gather [hbm4b:s14+s3], $0x50, $0x38;
	[tilespmem:$0x19100] =	vst v63  }
0x3d: {  	_ =	swait.ge [sflag:s21], $0x50  }
0x3e: {  	[sflag:s21] =	ssyncset.done $0x0  }
0x3f: {  	s26 =	sadd.s32 $0xFFFFD940, s17;
	[sflag:s21] =	ssyncadd.s32 $0xFFFFFFB0  }
0x40: {  	[spmem:s2] =	stream.indirect.scatter.add.f32 [tilespmem:s23], [sflag:$0x3], $0x80, s3, s22, $0xb8;
	[tilespmem:$0x19100] =	vst v63  }
0x41: {  	s28 =	sadd.s32 $0x2760, s26;
	_ =	swait.ge [sflag:s19], $0x2800  }
0x42: {  	s28 =	sshrl.u32 s28, $0x3;
	[sflag:s19] =	ssyncset.done $0x0  }
0x43: {  	s28 =	sadd.s32 s4, s28;
	[sflag:s19] =	ssyncadd.s32 $0xFFFFD800  }
0x44: {  	[tilespmem:s3], [sflag:$0x1] =	stream.linear.gather [hbm4b:s28+s3], $0x50, $0x38;
	[tilespmem:$0x19100] =	vst v63  }
0x45: {  	_ =	swait.ge [sflag:s24], $0x50  }
0x46: {  	s26 =	sadd.s32 $0x27B0, s26;
	[sflag:s24] =	ssyncset.done $0x0  }
0x47: {  	p0 =	slt.s32 s26, $0x4E1B0;
	[sflag:s24] =	ssyncadd.s32 $0xFFFFFFB0  }
0x48: {  	[spmem:s2] =	stream.indirect.scatter.add.f32 [tilespmem:s23], [sflag:$0x3], $0x80, s20, s22, $0xb8;
	[tilespmem:$0x19100] =	vst v63  }
0x49: {  	s26 =	simm.s32 @!p0 $0x4E1B0;
	_ =	swait.ge [sflag:s19], $0x2800  }
0x4a: {  	s28 =	sshrl.u32 s26, $0x3;
	[sflag:s19] =	ssyncset.done $0x0  }
0x4b: {  	s26 =	simm.s32 $0xFFFFD9E0;
	s28 =	sadd.s32 s4, s28;
	[sflag:s19] =	ssyncadd.s32 $0xFFFFD800  }
.LBB2_4:
0x4c: {  	[tilespmem:s20], [sflag:$0x2] =	stream.linear.gather [hbm4b:s28+s3], $0x50, $0x38;
	[tilespmem:$0x19100] =	vst v63  }
0x4d: {  	s28 =	smov.u32 s26  }
0x4e: {  	p0 =	sne.s32 s26, $0xFFFFFF60;
	s26 =	sadd.s32 $0xA0, s26;
	_ =	swait.ge [sflag:s21], $0x50  }
0x4f: {  	[sflag:s21] =	ssyncset.done $0x0  }
0x50: {  	s28 =	sadd.s32 s28, s17;
	[sflag:s21] =	ssyncadd.s32 $0xFFFFFFB0  }
0x51: {  	[spmem:s2] =	stream.indirect.scatter.add.f32 [tilespmem:s23], [sflag:$0x3], $0x80, s3, s22, $0xb8;
	[tilespmem:$0x19100] =	vst v63  }
0x52: {  	s29 =	sadd.s32 $0x2760, s28;
	s28 =	sadd.s32 $0x27B0, s28;
	_ =	swait.ge [sflag:s19], $0x2800  }
0x53: {  	s29 =	sshrl.u32 s29, $0x3;
	p1 =	slt.s32 s28, $0x4E1B0;
	[sflag:s19] =	ssyncset.done $0x0  }
0x54: {  	s29 =	sadd.s32 s4, s29;
	s28 =	simm.s32 @!p1 $0x4E1B0;
	[sflag:s19] =	ssyncadd.s32 $0xFFFFD800  }
0x55: {  	[tilespmem:s3], [sflag:$0x1] =	stream.linear.gather [hbm4b:s29+s3], $0x50, $0x38;
	[tilespmem:$0x19100] =	vst v63  }
0x56: {  	s28 =	sshrl.u32 s28, $0x3;
	_ =	swait.ge [sflag:s24], $0x50  }
0x57: {  	[sflag:s24] =	ssyncset.done $0x0  }
.Ltmp1:
0x58: {  	[sflag:s24] =	ssyncadd.s32 $0xFFFFFFB0;
	(pc) =	sbr.rel @p0 .LBB2_4-.Ltmp1, $4  }
0x59: {  	[spmem:s2] =	stream.indirect.scatter.add.f32 [tilespmem:s23], [sflag:$0x3], $0x80, s20, s22, $0xb8;
	[tilespmem:$0x19100] =	vst v63  }
0x5a: {  	_ =	swait.ge [sflag:s19], $0x2800  }
0x5b: {  	[sflag:s19] =	ssyncset.done $0x0  }
0x5c: {  	s28 =	sadd.s32 s4, s28;
	[sflag:s19] =	ssyncadd.s32 $0xFFFFD800  }
0x5d: {  	[tilespmem:s20], [sflag:$0x2] =	stream.linear.gather [hbm4b:s28+s3], $0x50, $0x38;
	[tilespmem:$0x19100] =	vst v63  }
0x5e: {  	_ =	swait.ge [sflag:s21], $0x50  }
0x5f: {  	[sflag:s21] =	ssyncset.done $0x0  }
0x60: {  	[sflag:s21] =	ssyncadd.s32 $0xFFFFFFB0  }
0x61: {  	[spmem:s2] =	stream.indirect.scatter.add.f32 [tilespmem:s23], [sflag:$0x3], $0x80, s3, s22, $0xb8;
	[tilespmem:$0x19100] =	vst v63  }
0x62: {  	_ =	swait.ge [sflag:s19], $0x2800  }
0x63: {  	[sflag:s19] =	ssyncset.done $0x0  }
0x64: {  	[sflag:s19] =	ssyncadd.s32 $0xFFFFD800  }
0x65: {  	_ =	swait.ge [sflag:s24], $0x50  }
0x66: {  	s26 =	sshll.u32 s0, $0x6;
	s25 =	sadd.s32 $0x1, s25;
	[sflag:s24] =	ssyncset.done $0x0  }
0x67: {  	s31 =	sshrl.u32 s5, $0x3;
	p0 =	sne.s32 s25, s16;
	[sflag:s24] =	ssyncadd.s32 $0xFFFFFFB0  }
.Ltmp2:
0x68: {  	s26 =	sor.u32 $0x1C03, s26;
	[bflag:$0x0] =	sbarrier.arrive $0xFFFF;
	(pc) =	sbr.rel @p0 .LBB2_1-.Ltmp2, $4  }
0x69: {  	[hbm:s15], [sflag:s26] =	dma.local [spmem:s31], $0x2800  }
0x6a: {  	_ =	swait.ge [sflag:s19], $0x2800  }
0x6b: {  	[sflag:s19] =	ssyncset.done $0x0  }
0x6c: {  	[sflag:s19] =	ssyncadd.s32 $0xFFFFD800  }
0x6d: {  	_ =	sfence.sel $0x180000  }
0x6e: {  	[bflag:$0x0] =	sbarrier.arrive $0xFFFF  }
0x6f: {  	p0 =	sne.s32 s0, $0x0;
	_ =	strace $0x9000004A  }
0x70: {  	s0 =	sadd.s32 @!p0 $0x100000, s1;
	[bflag:$0x2] =	sbarrier.arrive $0xFFFF  }
0x71: {  	[sflag:s0] =	ssyncadd.tile.s32 @!p0 $0x1;
	_ =	shalt  }
.Lfunc_end2:
_tile_overlayer_lowered:
.L_overlay_start_2:
0x72: {  	(tag) =	ssettag $0x2  }
0x73: {  	s0 =	rddreg [dreg:$0x0];
	s2 =	stileid.u32  }
0x74: {  	s1 =	rddreg [dreg:$0x1];
	p0 =	sne.s32 s2, $0x0  }
0x75: {  	s3 =	rddreg [dreg:$0x2];
	[bflag:$0x3] =	sbarrier.arrive $0xFFFF;
	s2 =	simm.s32 @!p0 $0x1C03  }
0x76: {  	[timem:s3], [sflag:s2] =	dma.local @!p0 [hbm:s0], s1  }
0x77: {  	s0 =	simm.s32 @!p0 $0x3  }
0x78: {  	_ =	swait.ge @!p0 [sflag:s0], s1  }
0x79: {  	s1 =	ssub.s32 @!p0 $0x0, s1;
	[sflag:s0] =	ssyncset.done @!p0 $0x0  }
0x7a: {  	[sflag:s0] =	ssyncadd.s32 @!p0 s1  }
0x7b: {  	[bflag:$0x3] =	sbarrier.arrive $0xFFFF  }
0x7c: {  	_ =	shalt  }

</sc_bundles>
